<compile_context>
chip_gen: v7x
topology: tpu7x:2x2x1
jax: 0.10.2.dev20260603
libtpu: 0.0.44.dev20260713+nightly
codegen_flags: <defaults>
</compile_context>

<pallas_src>
import functools

import jax
import jax.numpy as jnp
from jax import lax
from jax.experimental import pallas as pl
from jax.experimental.pallas import tpu as pltpu
from jax.experimental.pallas import tpu_sc as plsc

N, E, D, H, G = 10000, 320000, 128, 64, 128
NC, NS = 2, 16
NW = NC * NS
_KB = 64
_NBLK0 = 160
_NBLKL = E // _KB - (NW - 1) * _NBLK0
_NPH = 80

_f32 = jnp.float32
_PREC = lax.Precision.HIGHEST


def _mm(a, b):
    return lax.dot_general(
        a.astype(jnp.bfloat16), b.astype(jnp.bfloat16),
        (((1,), (0,)), ((), ())), preferred_element_type=_f32)


def _mm_hi(a, b):
    return lax.dot_general(a, b, (((1,), (0,)), ((), ())), precision=_PREC)


def _mmT(a, b):
    return lax.dot_general(a, b, (((0,), (0,)), ((), ())), precision=_PREC)


def _sc_mesh():
    return plsc.VectorSubcoreMesh(
        core_axis_name="c", subcore_axis_name="s", num_cores=NC, num_subcores=NS
    )


def _edge_sweep(table_hbm, acc, sidx, didx, rows, gs0, gs1, npairs):
    def gref(i):
        return table_hbm.at[sidx.at[i]]

    def scat(i, buf):
        pltpu.sync_copy(rows.at[buf], acc.at[didx.at[i]], add=True)

    pltpu.async_copy(gref(0), rows.at[0], gs0)

    def body(j, carry):
        i0 = 2 * j
        i1 = i0 + 1
        pltpu.async_copy(gref(i1), rows.at[1], gs1)
        pltpu.make_async_copy(gref(i0), rows.at[0], gs0).wait()
        scat(i0, 0)

        @pl.when(j + 1 < npairs)
        def _():
            pltpu.async_copy(gref(i0 + 2), rows.at[0], gs0)
        pltpu.make_async_copy(gref(i1), rows.at[1], gs1).wait()
        scat(i1, 1)
        return carry
    lax.fori_loop(0, npairs, body, 0, unroll=False)


_WCH = 624
_WLAST = N - (NS - 1) * _WCH


def _writeback(acc, out_hbm, c, s):
    @pl.when(s < NS - 1)
    def _():
        pltpu.sync_copy(acc.at[pl.ds(s * _WCH, _WCH)],
                        out_hbm.at[c, pl.ds(s * _WCH, _WCH)])

    @pl.when(s == NS - 1)
    def _():
        pltpu.sync_copy(acc.at[pl.ds((NS - 1) * _WCH, _WLAST)],
                        out_hbm.at[c, pl.ds((NS - 1) * _WCH, _WLAST)])


def _make_segsum1():

    @functools.partial(
        pl.kernel,
        out_type=jax.ShapeDtypeStruct((NC, N, D), _f32),
        mesh=_sc_mesh(),
        scratch_types=[
            pltpu.VMEM((_NPH, _KB), jnp.int32),
            pltpu.VMEM((_NPH, _KB), jnp.int32),
            pltpu.VMEM((2, _KB, D), _f32),
            pltpu.VMEM_SHARED((N, D), _f32),
            pltpu.SemaphoreType.DMA,
            pltpu.SemaphoreType.DMA,
        ],
    )
    def segsum1(x_hbm, src_hbm, dst_hbm, zeros_hbm, out_hbm,
                sidx, didx, rows, acc, gs0, gs1):
        c = lax.axis_index("c")
        s = lax.axis_index("s")

        @pl.when(s < NS - 1)
        def _():
            pltpu.sync_copy(zeros_hbm.at[pl.ds(s * _WCH, _WCH)],
                            acc.at[pl.ds(s * _WCH, _WCH)])

        @pl.when(s == NS - 1)
        def _():
            pltpu.sync_copy(zeros_hbm.at[pl.ds((NS - 1) * _WCH, _WLAST)],
                            acc.at[pl.ds((NS - 1) * _WCH, _WLAST)])
        plsc.subcore_barrier()

        wid = c * NS + s

        def phase(boff, nb):
            pltpu.sync_copy(src_hbm.at[pl.ds(boff, nb)],
                            sidx.at[pl.ds(0, nb)])
            pltpu.sync_copy(dst_hbm.at[pl.ds(boff, nb)],
                            didx.at[pl.ds(0, nb)])
            _edge_sweep(x_hbm, acc, sidx, didx, rows, gs0, gs1, nb // 2)

        @pl.when(wid < NW - 1)
        def _():
            phase(wid * _NBLK0, _NPH)
            phase(wid * _NBLK0 + _NPH, _NPH)

        @pl.when(wid == NW - 1)
        def _():
            phase((NW - 1) * _NBLK0, _NBLKL)
        plsc.subcore_barrier()
        _writeback(acc, out_hbm, c, s)

    return segsum1


_R = 1000
_NB = N // _R


def _onehot_batch(batch_ref, r):
    b = batch_ref[0, 0, :].astype(_f32)
    diff = b[:, None] - lax.broadcasted_iota(jnp.int32, (r, G), 1).astype(_f32)
    return jnp.maximum(1.0 - jnp.abs(diff), 0.0)


def _tc1_body(a1a, a1b, x_ref, batch_ref, wg, bg, wib, bib,
              asn_ref, xs0_ref, agg1_ref, g1_ref):
    i = pl.program_id(0)
    agg1 = a1a[...] + a1b[...]
    agg1_ref[...] = agg1
    z1 = jnp.maximum(_mm(agg1, wg[...]) + bg[...], 0.0)
    logit = _mm(z1, wib[...]) + bib[...]
    m = jnp.max(logit, axis=1, keepdims=True)
    ex = jnp.exp(logit - m)
    a = ex / jnp.sum(ex, axis=1, keepdims=True)
    asn_ref[...] = a
    xs0_ref[...] = x_ref[...] * a[:, 0:1]
    oh = _onehot_batch(batch_ref, _R)
    contrib = _mmT(oh, z1)

    @pl.when(i == 0)
    def _():
        g1_ref[...] = jnp.zeros_like(g1_ref)
    g1_ref[...] += contrib


def _tc2_body(s0a_ref, s0b_ref, agg1_ref, asn_ref, batch_ref, wc, bc, wo, bo,
              gm_ref, gres_ref):
    i = pl.program_id(0)
    a = asn_ref[...]
    s0 = s0a_ref[...] + s0b_ref[...]
    agg_res = s0 * a[:, 0:1]
    agg_m = (agg1_ref[...] - s0) * a[:, 1:2]
    z_m = jnp.maximum(_mm(agg_m, wc[...]) + bc[...], 0.0)
    z_res = jnp.maximum(_mm(agg_res, wo[...]) + bo[...], 0.0)
    oh = _onehot_batch(batch_ref, _R)

    @pl.when(i == 0)
    def _():
        gm_ref[...] = jnp.zeros_like(gm_ref)
        gres_ref[...] = jnp.zeros_like(gres_ref)
    gm_ref[...] += _mmT(oh, z_m)
    gres_ref[...] += _mmT(oh, z_res)


def _tc3_body(g1, gm, gres, pmat_ref,
              w1, b1, w4, b4, wc1, bc1, wc2, bc2,
              wo1, bo1, wo2, bo2, ws1, bs1, ws2, bs2,
              hco_ref, hm_ref, hshuf_ref, h1_ref, hres_ref):
    p = pmat_ref[...]
    g1v, gmv, gresv = g1[...], gm[...], gres[...]
    g_co = _mm_hi(p, gresv) + gmv
    g_co_s = gresv + _mm_hi(p, gmv)
    hco_ref[...] = _mm(jnp.maximum(_mm(g_co, wc1[...]) + bc1[...], 0.0), wc2[...]) + bc2[...]
    hm_ref[...] = _mm(jnp.maximum(_mm(gmv, wo1[...]) + bo1[...], 0.0), wo2[...]) + bo2[...]
    hshuf_ref[...] = _mm(jnp.maximum(_mm(g_co_s, ws1[...]) + bs1[...], 0.0), ws2[...]) + bs2[...]
    h1_ref[...] = _mm(g1v, w1[...]) + b1[...]
    hres_ref[...] = _mm(gresv, w4[...]) + b4[...]


def _tc4_body(g1, gm, w3, b3, p1_ref, pm_ref):
    pm_ref[...] = _mm(gm[...], w3[...]) + b3[...]
    p1_ref[...] = _mm(g1[...], w3[...]) + b3[...]


def _row_spec(r, d):
    return pl.BlockSpec((r, d), lambda i: (i, 0))


def _full_spec(shape):
    nd = len(shape)
    return pl.BlockSpec(shape, lambda i: (0,) * nd)


def _tc1_call(a1a, a1b, x, batch3d, wg, bg, wib, bib):
    return pl.pallas_call(
        _tc1_body,
        grid=(_NB,),
        in_specs=[
            _row_spec(_R, D), _row_spec(_R, D), _row_spec(_R, D),
            pl.BlockSpec((1, 1, _R), lambda i: (i, 0, 0)),
            _full_spec((D, H)), _full_spec((1, H)),
            _full_spec((H, 2)), _full_spec((1, 2)),
        ],
        out_specs=[
            _row_spec(_R, 2), _row_spec(_R, D), _row_spec(_R, D),
            _full_spec((G, H)),
        ],
        out_shape=[
            jax.ShapeDtypeStruct((N, 2), _f32),
            jax.ShapeDtypeStruct((N, D), _f32),
            jax.ShapeDtypeStruct((N, D), _f32),
            jax.ShapeDtypeStruct((G, H), _f32),
        ],
    )(a1a, a1b, x, batch3d, wg, bg, wib, bib)


def _tc2_call(s0a, s0b, agg1, asn, batch3d, wc, bc, wo, bo):
    return pl.pallas_call(
        _tc2_body,
        grid=(_NB,),
        in_specs=[
            _row_spec(_R, D), _row_spec(_R, D), _row_spec(_R, D),
            _row_spec(_R, 2),
            pl.BlockSpec((1, 1, _R), lambda i: (i, 0, 0)),
            _full_spec((D, H)), _full_spec((1, H)),
            _full_spec((D, H)), _full_spec((1, H)),
        ],
        out_specs=[_full_spec((G, H)), _full_spec((G, H))],
        out_shape=[
            jax.ShapeDtypeStruct((G, H), _f32),
            jax.ShapeDtypeStruct((G, H), _f32),
        ],
    )(s0a, s0b, agg1, asn, batch3d, wc, bc, wo, bo)


def _tc3_call(g1, gm, gres, pmat, *weights):
    two = 2
    h_co, h_m, h_shuf, h1, h_res = pl.pallas_call(
        _tc3_body,
        out_shape=[
            jax.ShapeDtypeStruct((G, two), _f32),
            jax.ShapeDtypeStruct((G, two), _f32),
            jax.ShapeDtypeStruct((G, two), _f32),
            jax.ShapeDtypeStruct((G, two), _f32),
            jax.ShapeDtypeStruct((G, two), _f32),
        ],
    )(g1, gm, gres, pmat, *weights)
    return h1, h_m, h_co, h_res, h_shuf


def _tc4_call(g1, gm, w3, b3):
    return pl.pallas_call(
        _tc4_body,
        out_shape=[
            jax.ShapeDtypeStruct((G, H), _f32),
            jax.ShapeDtypeStruct((G, H), _f32),
        ],
    )(g1, gm, w3, b3)


def kernel(x, edge_index, batch, y, perm,
           W_gcn, b_gcn, W_ctx, b_ctx, W_obj, b_obj,
           W_ib, b_ib, W1, b1, W4, b4, W3, b3,
           Wc1, bc1, Wc2, bc2, Wo1, bo1, Wo2, bo2, Ws1, bs1, Ws2, bs2):
    src = edge_index[0].reshape(E // _KB, _KB)
    dst = edge_index[1].reshape(E // _KB, _KB)
    zeros_nd = jnp.zeros((N, D), _f32)
    batch3d = batch.reshape(_NB, 1, _R)
    r2 = lambda b: b.reshape(1, -1)

    segsum = _make_segsum1()
    agg_parts = segsum(x, src, dst, zeros_nd)
    asn, xs0, agg1, g1 = _tc1_call(
        agg_parts[0], agg_parts[1], x, batch3d,
        W_gcn, r2(b_gcn), W_ib, r2(b_ib))

    s_parts = segsum(xs0, src, dst, zeros_nd)
    g_m, g_res = _tc2_call(
        s_parts[0], s_parts[1], agg1, asn, batch3d,
        W_ctx, r2(b_ctx), W_obj, r2(b_obj))

    diff = perm.astype(_f32)[:, None] - jnp.arange(G, dtype=_f32)[None, :]
    pmat = jnp.maximum(1.0 - jnp.abs(diff), 0.0)
    h1, h_m, h_co, h_res, h_shuf = _tc3_call(
        g1, g_m, g_res, pmat,
        W1, r2(b1), W4, r2(b4),
        Wc1, r2(bc1), Wc2, r2(bc2), Wo1, r2(bo1), Wo2, r2(bo2),
        Ws1, r2(bs1), Ws2, r2(bs2))
    proj1, proj_m = _tc4_call(g1, g_m, W3, r2(b3))

    y_shuf = jnp.take(y, perm, axis=0)
    return (h1, g1, h_m, g_m, proj1, proj_m, asn, h_co, h_res, h_shuf, y_shuf)

# --- scband reference (transcript-rebuilt; emitter-appended) ---
"""Pipeline reference for scband-encoder-89747636617491 (READ-ONLY COPY).

The authoritative reference and input builder live on the scoring server;
editing this copy changes nothing except your own understanding.
"""

import jax, jax.numpy as jnp
import numpy as np

N = 10000
E = 320000
D = 128
H = 64
G = 128


def setup_inputs(seed: int = 0) -> dict:
    key = jax.random.key(seed)
    ks = jax.random.split(key, 24)
    def w(i, shape, scale=0.05):
        return jax.random.normal(ks[i], shape, dtype=jnp.float32) * scale
    inp = {
        "x": jax.random.normal(ks[0], (N, D), dtype=jnp.float32),
        "edge_index": jax.random.randint(ks[1], (2, E), 0, N, dtype=jnp.int32),
        "batch": jnp.sort(jax.random.randint(ks[2], (N,), 0, G, dtype=jnp.int32)),
        "y": jax.random.randint(ks[3], (G,), 0, 2, dtype=jnp.int32),
        "perm": jax.random.permutation(ks[4], G).astype(jnp.int32),
        "W_gcn": w(5, (D, H)), "b_gcn": jnp.zeros((H,), jnp.float32),
        "W_ctx": w(6, (D, H)), "b_ctx": jnp.zeros((H,), jnp.float32),
        "W_obj": w(7, (D, H)), "b_obj": jnp.zeros((H,), jnp.float32),
        "W_ib": w(8, (H, 2)), "b_ib": jnp.zeros((2,), jnp.float32),
        "W1": w(9, (H, 2)), "b1": jnp.zeros((2,), jnp.float32),
        "W4": w(10, (H, 2)), "b4": jnp.zeros((2,), jnp.float32),
        "W3": w(11, (H, H)), "b3": jnp.zeros((H,), jnp.float32),
        "Wc1": w(12, (H, H)), "bc1": jnp.zeros((H,), jnp.float32),
        "Wc2": w(13, (H, 2)), "bc2": jnp.zeros((2,), jnp.float32),
        "Wo1": w(14, (H, H)), "bo1": jnp.zeros((H,), jnp.float32),
        "Wo2": w(15, (H, 2)), "bo2": jnp.zeros((2,), jnp.float32),
        "Ws1": w(16, (H, H)), "bs1": jnp.zeros((H,), jnp.float32),
        "Ws2": w(17, (H, 2)), "bs2": jnp.zeros((2,), jnp.float32),
    }
    return inp


def _fc(h, Wa, ba, Wb, bb):
    # FC = Linear -> Dropout(p=0.2, identity in eval) -> ReLU -> Linear
    return jax.nn.relu(h @ Wa + ba) @ Wb + bb


def reference(x, edge_index, batch, y, perm,
              W_gcn, b_gcn, W_ctx, b_ctx, W_obj, b_obj,
              W_ib, b_ib, W1, b1, W4, b4, W3, b3,
              Wc1, bc1, Wc2, bc2, Wo1, bo1, Wo2, bo2, Ws1, bs1, Ws2, bs2):
    src, dst = edge_index[0], edge_index[1]
    # gcn1: message passing (gather src feats, scatter-add to dst), then graph pool
    agg1 = jax.ops.segment_sum(x[src], dst, num_segments=N)
    z1 = jax.nn.relu(agg1 @ W_gcn + b_gcn)
    g1 = jax.ops.segment_sum(z1, batch, num_segments=G)
    # IB scores and node->edge attention lifting
    assignment = jax.nn.softmax(z1 @ W_ib + b_ib, axis=1)
    ew_c = (assignment[:, 0][src] * assignment[:, 0][dst])[:, None]
    ew_o = (assignment[:, 1][src] * assignment[:, 1][dst])[:, None]
    # context branch (edge_atten = ew_o)
    agg_M = jax.ops.segment_sum(x[src] * ew_o, dst, num_segments=N)
    z_M = jax.nn.relu(agg_M @ W_ctx + b_ctx)
    # objects branch (edge_atten = ew_c)
    agg_res = jax.ops.segment_sum(x[src] * ew_c, dst, num_segments=N)
    z_res = jax.nn.relu(agg_res @ W_obj + b_obj)
    g_res = jax.ops.segment_sum(z_res, batch, num_segments=G)
    g_M = jax.ops.segment_sum(z_M, batch, num_segments=G)
    # shuffle-combine heads
    g_co = g_res[perm] + g_M
    g_co_s = g_res + g_M[perm]
    h_co = _fc(g_co, Wc1, bc1, Wc2, bc2)
    h_M = _fc(g_M, Wo1, bo1, Wo2, bo2)
    h1 = g1 @ W1 + b1
    h_res = g_res @ W4 + b4
    h_shuf = _fc(g_co_s, Ws1, bs1, Ws2, bs2)
    y_shuf = y[perm]
    proj_M = g_M @ W3 + b3
    proj1 = g1 @ W3 + b3
    return (h1, g1, h_M, g_M, proj1, proj_M, assignment, h_co, h_res, h_shuf, y_shuf)

if __name__ == "__main__":
    import jax
    _d = setup_inputs()
    print(jax.jit(kernel)(*tuple(_d.values())))

</pallas_src>

<mosaic_0001>
#map = affine_map<(d0, d1) -> (0, 0)>
#map1 = affine_map<(d0, d1) -> (0, 0, 0)>
module attributes {stable_mosaic.version = 14 : i64} {
  func.func @segsum1(%arg0: i32, %arg1: i32, %arg2: memref<10000x128xf32, #tpu.memory_space<hbm>>, %arg3: memref<5000x64xi32, #tpu.memory_space<hbm>>, %arg4: memref<5000x64xi32, #tpu.memory_space<hbm>>, %arg5: memref<10000x128xf32, #tpu.memory_space<hbm>>, %arg6: memref<2x10000x128xf32, #tpu.memory_space<hbm>>, %arg7: memref<80x64xi32, #tpu.memory_space<vmem>>, %arg8: memref<80x64xi32, #tpu.memory_space<vmem>>, %arg9: memref<2x64x128xf32, #tpu.memory_space<vmem>>, %arg10: memref<10000x128xf32, #tpu.memory_space<vmem_shared>>, %arg11: memref<!tpu.dma_semaphore, #tpu.memory_space<semaphore_mem>>, %arg12: memref<!tpu.dma_semaphore, #tpu.memory_space<semaphore_mem>>) attributes {dimension_semantics = [#tpu.dimension_semantics<core_parallel>, #tpu.dimension_semantics<subcore_parallel>], iteration_bounds = array<i64: 2, 16>, scalar_prefetch = 0 : i64, scratch_operands = 6 : i64, tpu.core_type = #tpu.core_type<sc_vector_subcore>, window_params = [{transform_indices = #map}, {transform_indices = #map}, {transform_indices = #map}, {transform_indices = #map}, {transform_indices = #map1}]} {
    %lt3A = arith.constant 15 : i32
    %lt3A_0 = arith.cmpi slt, %arg1, %lt3A : i32
    %convert_element_type3A = arith.extui %lt3A_0 : i1 to i32
    %cond3A = arith.constant 0 : i32
    %cond3A_1 = arith.cmpi ne, %convert_element_type3A, %cond3A : i32
    scf.if %cond3A_1 {
      %mul3A_28 = arith.constant 624 : i32
      %mul3A_29 = arith.muli %arg1, %mul3A_28 : i32
      %mul3A_30 = arith.constant 624 : i32
      %mul3A_31 = arith.muli %arg1, %mul3A_30 : i32
      "tpu.region"() ({
        %run_scoped3A = tpu.sem_alloc : memref<!tpu.dma_semaphore, #tpu.memory_space<semaphore_mem>>
        %dma_start3A = arith.constant 0 : i32
        %dma_start3A_32 = tpu.memref_slice %arg10[%mul3A_31, %dma_start3A] : memref<10000x128xf32, #tpu.memory_space<vmem_shared>> -> memref<624x128xf32, #tpu.memory_space<vmem_shared>>
        %dma_start3A_33 = arith.constant 0 : i32
        %dma_start3A_34 = tpu.memref_slice %arg5[%mul3A_29, %dma_start3A_33] : memref<10000x128xf32, #tpu.memory_space<hbm>> -> memref<624x128xf32, #tpu.memory_space<hbm>>
        tpu.enqueue_dma source(%dma_start3A_34 : memref<624x128xf32, #tpu.memory_space<hbm>>) target(%dma_start3A_32 : memref<624x128xf32, #tpu.memory_space<vmem_shared>>) target_semaphore(%run_scoped3A : memref<!tpu.dma_semaphore, #tpu.memory_space<semaphore_mem>>)
        %dma_wait3A = arith.constant 0 : i32
        %dma_wait3A_35 = tpu.memref_slice %arg10[%mul3A_31, %dma_wait3A] : memref<10000x128xf32, #tpu.memory_space<vmem_shared>> -> memref<624x128xf32, #tpu.memory_space<vmem_shared>>
        %dma_wait3A_36 = arith.constant 0 : i32
        %dma_wait3A_37 = tpu.memref_slice %arg5[%mul3A_29, %dma_wait3A_36] : memref<10000x128xf32, #tpu.memory_space<hbm>> -> memref<624x128xf32, #tpu.memory_space<hbm>>
        tpu.wait_dma2 semaphore(%run_scoped3A : memref<!tpu.dma_semaphore, #tpu.memory_space<semaphore_mem>>) src(%dma_wait3A_37 : memref<624x128xf32, #tpu.memory_space<hbm>>) dst(%dma_wait3A_35 : memref<624x128xf32, #tpu.memory_space<vmem_shared>>)
        tpu.yield
      }) : () -> ()
    } else {
    }
    %eq3A = arith.constant 15 : i32
    %eq3A_2 = arith.cmpi eq, %arg1, %eq3A : i32
    %convert_element_type3A_3 = arith.extui %eq3A_2 : i1 to i32
    %cond3A_4 = arith.constant 0 : i32
    %cond3A_5 = arith.cmpi ne, %convert_element_type3A_3, %cond3A_4 : i32
    scf.if %cond3A_5 {
      "tpu.region"() ({
        %run_scoped3A = tpu.sem_alloc : memref<!tpu.dma_semaphore, #tpu.memory_space<semaphore_mem>>
        %dma_start3A = arith.constant 9360 : i32
        %dma_start3A_28 = arith.constant 0 : i32
        %dma_start3A_29 = tpu.memref_slice %arg10[%dma_start3A, %dma_start3A_28] : memref<10000x128xf32, #tpu.memory_space<vmem_shared>> -> memref<640x128xf32, #tpu.memory_space<vmem_shared>>
        %dma_start3A_30 = arith.constant 9360 : i32
        %dma_start3A_31 = arith.constant 0 : i32
        %dma_start3A_32 = tpu.memref_slice %arg5[%dma_start3A_30, %dma_start3A_31] : memref<10000x128xf32, #tpu.memory_space<hbm>> -> memref<640x128xf32, #tpu.memory_space<hbm>>
        tpu.enqueue_dma source(%dma_start3A_32 : memref<640x128xf32, #tpu.memory_space<hbm>>) target(%dma_start3A_29 : memref<640x128xf32, #tpu.memory_space<vmem_shared>>) target_semaphore(%run_scoped3A : memref<!tpu.dma_semaphore, #tpu.memory_space<semaphore_mem>>)
        %dma_wait3A = arith.constant 9360 : i32
        %dma_wait3A_33 = arith.constant 0 : i32
        %dma_wait3A_34 = tpu.memref_slice %arg10[%dma_wait3A, %dma_wait3A_33] : memref<10000x128xf32, #tpu.memory_space<vmem_shared>> -> memref<640x128xf32, #tpu.memory_space<vmem_shared>>
        %dma_wait3A_35 = arith.constant 9360 : i32
        %dma_wait3A_36 = arith.constant 0 : i32
        %dma_wait3A_37 = tpu.memref_slice %arg5[%dma_wait3A_35, %dma_wait3A_36] : memref<10000x128xf32, #tpu.memory_space<hbm>> -> memref<640x128xf32, #tpu.memory_space<hbm>>
        tpu.wait_dma2 semaphore(%run_scoped3A : memref<!tpu.dma_semaphore, #tpu.memory_space<semaphore_mem>>) src(%dma_wait3A_37 : memref<640x128xf32, #tpu.memory_space<hbm>>) dst(%dma_wait3A_34 : memref<640x128xf32, #tpu.memory_space<vmem_shared>>)
        tpu.yield
      }) : () -> ()
    } else {
    }
    %barrier3A = arith.constant 0 : index
    tpu.barrier barrier_id(%barrier3A)
    %mul3A = arith.constant 16 : i32
    %mul3A_6 = arith.muli %arg0, %mul3A : i32
    %add3A = arith.addi %mul3A_6, %arg1 : i32
    %lt3A_7 = arith.constant 31 : i32
    %lt3A_8 = arith.cmpi slt, %add3A, %lt3A_7 : i32
    %convert_element_type3A_9 = arith.extui %lt3A_8 : i1 to i32
    %cond3A_10 = arith.constant 0 : i32
    %cond3A_11 = arith.cmpi ne, %convert_element_type3A_9, %cond3A_10 : i32
    scf.if %cond3A_11 {
      %mul3A_28 = arith.constant 160 : i32
      %mul3A_29 = arith.muli %add3A, %mul3A_28 : i32
      "tpu.region"() ({
        %run_scoped3A = tpu.sem_alloc : memref<!tpu.dma_semaphore, #tpu.memory_space<semaphore_mem>>
        %dma_start3A_68 = arith.constant 0 : i32
        %dma_start3A_69 = arith.constant 0 : i32
        %dma_start3A_70 = tpu.memref_slice %arg7[%dma_start3A_68, %dma_start3A_69] : memref<80x64xi32, #tpu.memory_space<vmem>> -> memref<80x64xi32, #tpu.memory_space<vmem>>
        %dma_start3A_71 = arith.constant 0 : i32
        %dma_start3A_72 = tpu.memref_slice %arg3[%mul3A_29, %dma_start3A_71] : memref<5000x64xi32, #tpu.memory_space<hbm>> -> memref<80x64xi32, #tpu.memory_space<hbm>>
        %dma_start3A_73 = arith.constant 0 : i32
        %dma_start3A_74 = arith.constant 0 : i32
        %dma_start3A_75 = tpu.memref_slice %arg7[%dma_start3A_73, %dma_start3A_74] : memref<80x64xi32, #tpu.memory_space<vmem>> -> memref<80x64xi32, #tpu.memory_space<vmem>>
        %dma_start3A_76 = arith.constant 0 : i32
        %dma_start3A_77 = tpu.memref_slice %arg3[%mul3A_29, %dma_start3A_76] : memref<5000x64xi32, #tpu.memory_space<hbm>> -> memref<80x64xi32, #tpu.memory_space<hbm>>
        tpu.enqueue_dma source(%dma_start3A_77 : memref<80x64xi32, #tpu.memory_space<hbm>>) target(%dma_start3A_75 : memref<80x64xi32, #tpu.memory_space<vmem>>) target_semaphore(%run_scoped3A : memref<!tpu.dma_semaphore, #tpu.memory_space<semaphore_mem>>)
        %dma_wait3A = arith.constant 0 : i32
        %dma_wait3A_78 = arith.constant 0 : i32
        %dma_wait3A_79 = tpu.memref_slice %arg7[%dma_wait3A, %dma_wait3A_78] : memref<80x64xi32, #tpu.memory_space<vmem>> -> memref<80x64xi32, #tpu.memory_space<vmem>>
        %dma_wait3A_80 = arith.constant 0 : i32
        %dma_wait3A_81 = tpu.memref_slice %arg3[%mul3A_29, %dma_wait3A_80] : memref<5000x64xi32, #tpu.memory_space<hbm>> -> memref<80x64xi32, #tpu.memory_space<hbm>>
        %dma_wait3A_82 = arith.constant 0 : i32
        %dma_wait3A_83 = arith.constant 0 : i32
        %dma_wait3A_84 = tpu.memref_slice %arg7[%dma_wait3A_82, %dma_wait3A_83] : memref<80x64xi32, #tpu.memory_space<vmem>> -> memref<80x64xi32, #tpu.memory_space<vmem>>
        %dma_wait3A_85 = arith.constant 0 : i32
        %dma_wait3A_86 = tpu.memref_slice %arg3[%mul3A_29, %dma_wait3A_85] : memref<5000x64xi32, #tpu.memory_space<hbm>> -> memref<80x64xi32, #tpu.memory_space<hbm>>
        tpu.wait_dma2 semaphore(%run_scoped3A : memref<!tpu.dma_semaphore, #tpu.memory_space<semaphore_mem>>) src(%dma_wait3A_86 : memref<80x64xi32, #tpu.memory_space<hbm>>) dst(%dma_wait3A_84 : memref<80x64xi32, #tpu.memory_space<vmem>>)
        tpu.yield
      }) : () -> ()
      "tpu.region"() ({
        %run_scoped3A = tpu.sem_alloc : memref<!tpu.dma_semaphore, #tpu.memory_space<semaphore_mem>>
        %dma_start3A_68 = arith.constant 0 : i32
        %dma_start3A_69 = arith.constant 0 : i32
        %dma_start3A_70 = tpu.memref_slice %arg8[%dma_start3A_68, %dma_start3A_69] : memref<80x64xi32, #tpu.memory_space<vmem>> -> memref<80x64xi32, #tpu.memory_space<vmem>>
        %dma_start3A_71 = arith.constant 0 : i32
        %dma_start3A_72 = tpu.memref_slice %arg4[%mul3A_29, %dma_start3A_71] : memref<5000x64xi32, #tpu.memory_space<hbm>> -> memref<80x64xi32, #tpu.memory_space<hbm>>
        %dma_start3A_73 = arith.constant 0 : i32
        %dma_start3A_74 = arith.constant 0 : i32
        %dma_start3A_75 = tpu.memref_slice %arg8[%dma_start3A_73, %dma_start3A_74] : memref<80x64xi32, #tpu.memory_space<vmem>> -> memref<80x64xi32, #tpu.memory_space<vmem>>
        %dma_start3A_76 = arith.constant 0 : i32
        %dma_start3A_77 = tpu.memref_slice %arg4[%mul3A_29, %dma_start3A_76] : memref<5000x64xi32, #tpu.memory_space<hbm>> -> memref<80x64xi32, #tpu.memory_space<hbm>>
        tpu.enqueue_dma source(%dma_start3A_77 : memref<80x64xi32, #tpu.memory_space<hbm>>) target(%dma_start3A_75 : memref<80x64xi32, #tpu.memory_space<vmem>>) target_semaphore(%run_scoped3A : memref<!tpu.dma_semaphore, #tpu.memory_space<semaphore_mem>>)
        %dma_wait3A = arith.constant 0 : i32
        %dma_wait3A_78 = arith.constant 0 : i32
        %dma_wait3A_79 = tpu.memref_slice %arg8[%dma_wait3A, %dma_wait3A_78] : memref<80x64xi32, #tpu.memory_space<vmem>> -> memref<80x64xi32, #tpu.memory_space<vmem>>
        %dma_wait3A_80 = arith.constant 0 : i32
        %dma_wait3A_81 = tpu.memref_slice %arg4[%mul3A_29, %dma_wait3A_80] : memref<5000x64xi32, #tpu.memory_space<hbm>> -> memref<80x64xi32, #tpu.memory_space<hbm>>
        %dma_wait3A_82 = arith.constant 0 : i32
        %dma_wait3A_83 = arith.constant 0 : i32
        %dma_wait3A_84 = tpu.memref_slice %arg8[%dma_wait3A_82, %dma_wait3A_83] : memref<80x64xi32, #tpu.memory_space<vmem>> -> memref<80x64xi32, #tpu.memory_space<vmem>>
        %dma_wait3A_85 = arith.constant 0 : i32
        %dma_wait3A_86 = tpu.memref_slice %arg4[%mul3A_29, %dma_wait3A_85] : memref<5000x64xi32, #tpu.memory_space<hbm>> -> memref<80x64xi32, #tpu.memory_space<hbm>>
        tpu.wait_dma2 semaphore(%run_scoped3A : memref<!tpu.dma_semaphore, #tpu.memory_space<semaphore_mem>>) src(%dma_wait3A_86 : memref<80x64xi32, #tpu.memory_space<hbm>>) dst(%dma_wait3A_84 : memref<80x64xi32, #tpu.memory_space<vmem>>)
        tpu.yield
      }) : () -> ()
      %dma_start3A = arith.constant 0 : i32
      %dma_start3A_30 = arith.constant 0 : i32
      %dma_start3A_31 = arith.constant 0 : i32
      %dma_start3A_32 = arith.constant 0 : i32
      %dma_start3A_33 = tpu.memref_slice %arg9[%dma_start3A_30, %dma_start3A_31, %dma_start3A_32] : memref<2x64x128xf32, #tpu.memory_space<vmem>> -> memref<1x64x128xf32, #tpu.memory_space<vmem>>
      %dma_start3A_34 = tpu.memref_squeeze %dma_start3A_33 : memref<1x64x128xf32, #tpu.memory_space<vmem>> -> memref<64x128xf32, #tpu.memory_space<vmem>>
      %dma_start3A_35 = arith.constant 0 : i32
      %dma_start3A_36 = tpu.memref_slice %arg7[%dma_start3A, %dma_start3A_35] : memref<80x64xi32, #tpu.memory_space<vmem>> -> memref<1x64xi32, #tpu.memory_space<vmem>>
      %dma_start3A_37 = tpu.memref_squeeze %dma_start3A_36 : memref<1x64xi32, #tpu.memory_space<vmem>> -> memref<64xi32, #tpu.memory_space<vmem>>
      %dma_start3A_38 = arith.constant 0 : i32
      %dma_start3A_39 = arith.constant 0 : i32
      %dma_start3A_40 = tpu.memref_slice %arg2[%dma_start3A_38, %dma_start3A_39] : memref<10000x128xf32, #tpu.memory_space<hbm>> -> memref<10000x128xf32, #tpu.memory_space<hbm>>
      tpu.enqueue_indirect_dma source(%dma_start3A_40 : memref<10000x128xf32, #tpu.memory_space<hbm>>) target(%dma_start3A_34 : memref<64x128xf32, #tpu.memory_space<vmem>>) offsets(%dma_start3A_37 : memref<64xi32, #tpu.memory_space<vmem>>) semaphore(%arg11 : memref<!tpu.dma_semaphore, #tpu.memory_space<semaphore_mem>>)
      %scan3A = arith.constant 0 : i32
      %scan3A_41 = arith.constant 0 : i32
      %scan3A_42 = arith.constant 40 : i32
      %scan3A_43 = arith.addi %scan3A_41, %scan3A_42 : i32
      %scan3A_44 = arith.constant 1 : i32
      scf.for %scan3A_68 = %scan3A_41 to %scan3A_43 step %scan3A_44  : i32 {
        %mul3A_69 = arith.constant 2 : i32
        %mul3A_70 = arith.muli %mul3A_69, %scan3A_68 : i32
        %add3A_71 = arith.constant 1 : i32
        %add3A_72 = arith.addi %mul3A_70, %add3A_71 : i32
        %dma_start3A_73 = arith.constant 1 : i32
        %dma_start3A_74 = arith.constant 0 : i32
        %dma_start3A_75 = arith.constant 0 : i32
        %dma_start3A_76 = tpu.memref_slice %arg9[%dma_start3A_73, %dma_start3A_74, %dma_start3A_75] : memref<2x64x128xf32, #tpu.memory_space<vmem>> -> memref<1x64x128xf32, #tpu.memory_space<vmem>>
        %dma_start3A_77 = tpu.memref_squeeze %dma_start3A_76 : memref<1x64x128xf32, #tpu.memory_space<vmem>> -> memref<64x128xf32, #tpu.memory_space<vmem>>
        %dma_start3A_78 = arith.constant 0 : i32
        %dma_start3A_79 = tpu.memref_slice %arg7[%add3A_72, %dma_start3A_78] : memref<80x64xi32, #tpu.memory_space<vmem>> -> memref<1x64xi32, #tpu.memory_space<vmem>>
        %dma_start3A_80 = tpu.memref_squeeze %dma_start3A_79 : memref<1x64xi32, #tpu.memory_space<vmem>> -> memref<64xi32, #tpu.memory_space<vmem>>
        %dma_start3A_81 = arith.constant 0 : i32
        %dma_start3A_82 = arith.constant 0 : i32
        %dma_start3A_83 = tpu.memref_slice %arg2[%dma_start3A_81, %dma_start3A_82] : memref<10000x128xf32, #tpu.memory_space<hbm>> -> memref<10000x128xf32, #tpu.memory_space<hbm>>
        tpu.enqueue_indirect_dma source(%dma_start3A_83 : memref<10000x128xf32, #tpu.memory_space<hbm>>) target(%dma_start3A_77 : memref<64x128xf32, #tpu.memory_space<vmem>>) offsets(%dma_start3A_80 : memref<64xi32, #tpu.memory_space<vmem>>) semaphore(%arg12 : memref<!tpu.dma_semaphore, #tpu.memory_space<semaphore_mem>>)
        %dma_wait3A = arith.constant 0 : i32
        %dma_wait3A_84 = arith.constant 0 : i32
        %dma_wait3A_85 = arith.constant 0 : i32
        %dma_wait3A_86 = tpu.memref_slice %arg9[%dma_wait3A, %dma_wait3A_84, %dma_wait3A_85] : memref<2x64x128xf32, #tpu.memory_space<vmem>> -> memref<1x64x128xf32, #tpu.memory_space<vmem>>
        %dma_wait3A_87 = tpu.memref_squeeze %dma_wait3A_86 : memref<1x64x128xf32, #tpu.memory_space<vmem>> -> memref<64x128xf32, #tpu.memory_space<vmem>>
        %dma_wait3A_88 = arith.constant 0 : i32
        %dma_wait3A_89 = tpu.memref_slice %arg7[%mul3A_70, %dma_wait3A_88] : memref<80x64xi32, #tpu.memory_space<vmem>> -> memref<1x64xi32, #tpu.memory_space<vmem>>
        %dma_wait3A_90 = tpu.memref_squeeze %dma_wait3A_89 : memref<1x64xi32, #tpu.memory_space<vmem>> -> memref<64xi32, #tpu.memory_space<vmem>>
        %dma_wait3A_91 = arith.constant 0 : i32
        %dma_wait3A_92 = arith.constant 0 : i32
        %dma_wait3A_93 = tpu.memref_slice %arg2[%dma_wait3A_91, %dma_wait3A_92] : memref<10000x128xf32, #tpu.memory_space<hbm>> -> memref<10000x128xf32, #tpu.memory_space<hbm>>
        tpu.wait_indirect_dma semaphore(%arg11 : memref<!tpu.dma_semaphore, #tpu.memory_space<semaphore_mem>>) src(%dma_wait3A_93 : memref<10000x128xf32, #tpu.memory_space<hbm>>) dst(%dma_wait3A_87 : memref<64x128xf32, #tpu.memory_space<vmem>>)
        %run_scoped3A = arith.constant 0 : i32
        "tpu.region"() ({
          %run_scoped3A_113 = tpu.sem_alloc : memref<!tpu.dma_semaphore, #tpu.memory_space<semaphore_mem>>
          %dma_start3A_114 = arith.constant 0 : i32
          %dma_start3A_115 = arith.constant 0 : i32
          %dma_start3A_116 = tpu.memref_slice %arg9[%run_scoped3A, %dma_start3A_114, %dma_start3A_115] : memref<2x64x128xf32, #tpu.memory_space<vmem>> -> memref<1x64x128xf32, #tpu.memory_space<vmem>>
          %dma_start3A_117 = tpu.memref_squeeze %dma_start3A_116 : memref<1x64x128xf32, #tpu.memory_space<vmem>> -> memref<64x128xf32, #tpu.memory_space<vmem>>
          %dma_start3A_118 = arith.constant 0 : i32
          %dma_start3A_119 = tpu.memref_slice %arg8[%mul3A_70, %dma_start3A_118] : memref<80x64xi32, #tpu.memory_space<vmem>> -> memref<1x64xi32, #tpu.memory_space<vmem>>
          %dma_start3A_120 = tpu.memref_squeeze %dma_start3A_119 : memref<1x64xi32, #tpu.memory_space<vmem>> -> memref<64xi32, #tpu.memory_space<vmem>>
          %dma_start3A_121 = arith.constant 0 : i32
          %dma_start3A_122 = arith.constant 0 : i32
          %dma_start3A_123 = tpu.memref_slice %arg10[%dma_start3A_121, %dma_start3A_122] : memref<10000x128xf32, #tpu.memory_space<vmem_shared>> -> memref<10000x128xf32, #tpu.memory_space<vmem_shared>>
          tpu.enqueue_indirect_dma source(%dma_start3A_117 : memref<64x128xf32, #tpu.memory_space<vmem>>) target(%dma_start3A_123 : memref<10000x128xf32, #tpu.memory_space<vmem_shared>>) offsets(%dma_start3A_120 : memref<64xi32, #tpu.memory_space<vmem>>) semaphore(%run_scoped3A_113 : memref<!tpu.dma_semaphore, #tpu.memory_space<semaphore_mem>>) {add = true}
          %dma_wait3A_124 = arith.constant 0 : i32
          %dma_wait3A_125 = arith.constant 0 : i32
          %dma_wait3A_126 = tpu.memref_slice %arg9[%run_scoped3A, %dma_wait3A_124, %dma_wait3A_125] : memref<2x64x128xf32, #tpu.memory_space<vmem>> -> memref<1x64x128xf32, #tpu.memory_space<vmem>>
          %dma_wait3A_127 = tpu.memref_squeeze %dma_wait3A_126 : memref<1x64x128xf32, #tpu.memory_space<vmem>> -> memref<64x128xf32, #tpu.memory_space<vmem>>
          %dma_wait3A_128 = arith.constant 0 : i32
          %dma_wait3A_129 = tpu.memref_slice %arg8[%mul3A_70, %dma_wait3A_128] : memref<80x64xi32, #tpu.memory_space<vmem>> -> memref<1x64xi32, #tpu.memory_space<vmem>>
          %dma_wait3A_130 = tpu.memref_squeeze %dma_wait3A_129 : memref<1x64xi32, #tpu.memory_space<vmem>> -> memref<64xi32, #tpu.memory_space<vmem>>
          %dma_wait3A_131 = arith.constant 0 : i32
          %dma_wait3A_132 = arith.constant 0 : i32
          %dma_wait3A_133 = tpu.memref_slice %arg10[%dma_wait3A_131, %dma_wait3A_132] : memref<10000x128xf32, #tpu.memory_space<vmem_shared>> -> memref<10000x128xf32, #tpu.memory_space<vmem_shared>>
          tpu.wait_indirect_dma semaphore(%run_scoped3A_113 : memref<!tpu.dma_semaphore, #tpu.memory_space<semaphore_mem>>) src(%dma_wait3A_127 : memref<64x128xf32, #tpu.memory_space<vmem>>) dst(%dma_wait3A_133 : memref<10000x128xf32, #tpu.memory_space<vmem_shared>>)
          tpu.yield
        }) : () -> ()
        %add3A_94 = arith.constant 1 : i32
        %add3A_95 = arith.addi %scan3A_68, %add3A_94 : i32
        %lt3A_96 = arith.constant 40 : i32
        %lt3A_97 = arith.cmpi slt, %add3A_95, %lt3A_96 : i32
        %convert_element_type3A_98 = arith.extui %lt3A_97 : i1 to i32
        %cond3A_99 = arith.constant 0 : i32
        %cond3A_100 = arith.cmpi ne, %convert_element_type3A_98, %cond3A_99 : i32
        scf.if %cond3A_100 {
          %add3A_113 = arith.constant 2 : i32
          %add3A_114 = arith.addi %mul3A_70, %add3A_113 : i32
          %dma_start3A_115 = arith.constant 0 : i32
          %dma_start3A_116 = arith.constant 0 : i32
          %dma_start3A_117 = arith.constant 0 : i32
          %dma_start3A_118 = tpu.memref_slice %arg9[%dma_start3A_115, %dma_start3A_116, %dma_start3A_117] : memref<2x64x128xf32, #tpu.memory_space<vmem>> -> memref<1x64x128xf32, #tpu.memory_space<vmem>>
          %dma_start3A_119 = tpu.memref_squeeze %dma_start3A_118 : memref<1x64x128xf32, #tpu.memory_space<vmem>> -> memref<64x128xf32, #tpu.memory_space<vmem>>
          %dma_start3A_120 = arith.constant 0 : i32
          %dma_start3A_121 = tpu.memref_slice %arg7[%add3A_114, %dma_start3A_120] : memref<80x64xi32, #tpu.memory_space<vmem>> -> memref<1x64xi32, #tpu.memory_space<vmem>>
          %dma_start3A_122 = tpu.memref_squeeze %dma_start3A_121 : memref<1x64xi32, #tpu.memory_space<vmem>> -> memref<64xi32, #tpu.memory_space<vmem>>
          %dma_start3A_123 = arith.constant 0 : i32
          %dma_start3A_124 = arith.constant 0 : i32
          %dma_start3A_125 = tpu.memref_slice %arg2[%dma_start3A_123, %dma_start3A_124] : memref<10000x128xf32, #tpu.memory_space<hbm>> -> memref<10000x128xf32, #tpu.memory_space<hbm>>
          tpu.enqueue_indirect_dma source(%dma_start3A_125 : memref<10000x128xf32, #tpu.memory_space<hbm>>) target(%dma_start3A_119 : memref<64x128xf32, #tpu.memory_space<vmem>>) offsets(%dma_start3A_122 : memref<64xi32, #tpu.memory_space<vmem>>) semaphore(%arg11 : memref<!tpu.dma_semaphore, #tpu.memory_space<semaphore_mem>>)
        } else {
        }
        %dma_wait3A_101 = arith.constant 1 : i32
        %dma_wait3A_102 = arith.constant 0 : i32
        %dma_wait3A_103 = arith.constant 0 : i32
        %dma_wait3A_104 = tpu.memref_slice %arg9[%dma_wait3A_101, %dma_wait3A_102, %dma_wait3A_103] : memref<2x64x128xf32, #tpu.memory_space<vmem>> -> memref<1x64x128xf32, #tpu.memory_space<vmem>>
        %dma_wait3A_105 = tpu.memref_squeeze %dma_wait3A_104 : memref<1x64x128xf32, #tpu.memory_space<vmem>> -> memref<64x128xf32, #tpu.memory_space<vmem>>
        %dma_wait3A_106 = arith.constant 0 : i32
        %dma_wait3A_107 = tpu.memref_slice %arg7[%add3A_72, %dma_wait3A_106] : memref<80x64xi32, #tpu.memory_space<vmem>> -> memref<1x64xi32, #tpu.memory_space<vmem>>
        %dma_wait3A_108 = tpu.memref_squeeze %dma_wait3A_107 : memref<1x64xi32, #tpu.memory_space<vmem>> -> memref<64xi32, #tpu.memory_space<vmem>>
        %dma_wait3A_109 = arith.constant 0 : i32
        %dma_wait3A_110 = arith.constant 0 : i32
        %dma_wait3A_111 = tpu.memref_slice %arg2[%dma_wait3A_109, %dma_wait3A_110] : memref<10000x128xf32, #tpu.memory_space<hbm>> -> memref<10000x128xf32, #tpu.memory_space<hbm>>
        tpu.wait_indirect_dma semaphore(%arg12 : memref<!tpu.dma_semaphore, #tpu.memory_space<semaphore_mem>>) src(%dma_wait3A_111 : memref<10000x128xf32, #tpu.memory_space<hbm>>) dst(%dma_wait3A_105 : memref<64x128xf32, #tpu.memory_space<vmem>>)
        %run_scoped3A_112 = arith.constant 1 : i32
        "tpu.region"() ({
          %run_scoped3A_113 = tpu.sem_alloc : memref<!tpu.dma_semaphore, #tpu.memory_space<semaphore_mem>>
          %dma_start3A_114 = arith.constant 0 : i32
          %dma_start3A_115 = arith.constant 0 : i32
          %dma_start3A_116 = tpu.memref_slice %arg9[%run_scoped3A_112, %dma_start3A_114, %dma_start3A_115] : memref<2x64x128xf32, #tpu.memory_space<vmem>> -> memref<1x64x128xf32, #tpu.memory_space<vmem>>
          %dma_start3A_117 = tpu.memref_squeeze %dma_start3A_116 : memref<1x64x128xf32, #tpu.memory_space<vmem>> -> memref<64x128xf32, #tpu.memory_space<vmem>>
          %dma_start3A_118 = arith.constant 0 : i32
          %dma_start3A_119 = tpu.memref_slice %arg8[%add3A_72, %dma_start3A_118] : memref<80x64xi32, #tpu.memory_space<vmem>> -> memref<1x64xi32, #tpu.memory_space<vmem>>
          %dma_start3A_120 = tpu.memref_squeeze %dma_start3A_119 : memref<1x64xi32, #tpu.memory_space<vmem>> -> memref<64xi32, #tpu.memory_space<vmem>>
          %dma_start3A_121 = arith.constant 0 : i32
          %dma_start3A_122 = arith.constant 0 : i32
          %dma_start3A_123 = tpu.memref_slice %arg10[%dma_start3A_121, %dma_start3A_122] : memref<10000x128xf32, #tpu.memory_space<vmem_shared>> -> memref<10000x128xf32, #tpu.memory_space<vmem_shared>>
          tpu.enqueue_indirect_dma source(%dma_start3A_117 : memref<64x128xf32, #tpu.memory_space<vmem>>) target(%dma_start3A_123 : memref<10000x128xf32, #tpu.memory_space<vmem_shared>>) offsets(%dma_start3A_120 : memref<64xi32, #tpu.memory_space<vmem>>) semaphore(%run_scoped3A_113 : memref<!tpu.dma_semaphore, #tpu.memory_space<semaphore_mem>>) {add = true}
          %dma_wait3A_124 = arith.constant 0 : i32
          %dma_wait3A_125 = arith.constant 0 : i32
          %dma_wait3A_126 = tpu.memref_slice %arg9[%run_scoped3A_112, %dma_wait3A_124, %dma_wait3A_125] : memref<2x64x128xf32, #tpu.memory_space<vmem>> -> memref<1x64x128xf32, #tpu.memory_space<vmem>>
          %dma_wait3A_127 = tpu.memref_squeeze %dma_wait3A_126 : memref<1x64x128xf32, #tpu.memory_space<vmem>> -> memref<64x128xf32, #tpu.memory_space<vmem>>
          %dma_wait3A_128 = arith.constant 0 : i32
          %dma_wait3A_129 = tpu.memref_slice %arg8[%add3A_72, %dma_wait3A_128] : memref<80x64xi32, #tpu.memory_space<vmem>> -> memref<1x64xi32, #tpu.memory_space<vmem>>
          %dma_wait3A_130 = tpu.memref_squeeze %dma_wait3A_129 : memref<1x64xi32, #tpu.memory_space<vmem>> -> memref<64xi32, #tpu.memory_space<vmem>>
          %dma_wait3A_131 = arith.constant 0 : i32
          %dma_wait3A_132 = arith.constant 0 : i32
          %dma_wait3A_133 = tpu.memref_slice %arg10[%dma_wait3A_131, %dma_wait3A_132] : memref<10000x128xf32, #tpu.memory_space<vmem_shared>> -> memref<10000x128xf32, #tpu.memory_space<vmem_shared>>
          tpu.wait_indirect_dma semaphore(%run_scoped3A_113 : memref<!tpu.dma_semaphore, #tpu.memory_space<semaphore_mem>>) src(%dma_wait3A_127 : memref<64x128xf32, #tpu.memory_space<vmem>>) dst(%dma_wait3A_133 : memref<10000x128xf32, #tpu.memory_space<vmem_shared>>)
          tpu.yield
        }) : () -> ()
      }
      %scan3A_45 = arith.constant 40 : i32
      %mul3A_46 = arith.constant 160 : i32
      %mul3A_47 = arith.muli %add3A, %mul3A_46 : i32
      %add3A_48 = arith.constant 80 : i32
      %add3A_49 = arith.addi %mul3A_47, %add3A_48 : i32
      "tpu.region"() ({
        %run_scoped3A = tpu.sem_alloc : memref<!tpu.dma_semaphore, #tpu.memory_space<semaphore_mem>>
        %dma_start3A_68 = arith.constant 0 : i32
        %dma_start3A_69 = arith.constant 0 : i32
        %dma_start3A_70 = tpu.memref_slice %arg7[%dma_start3A_68, %dma_start3A_69] : memref<80x64xi32, #tpu.memory_space<vmem>> -> memref<80x64xi32, #tpu.memory_space<vmem>>
        %dma_start3A_71 = arith.constant 0 : i32
        %dma_start3A_72 = tpu.memref_slice %arg3[%add3A_49, %dma_start3A_71] : memref<5000x64xi32, #tpu.memory_space<hbm>> -> memref<80x64xi32, #tpu.memory_space<hbm>>
        %dma_start3A_73 = arith.constant 0 : i32
        %dma_start3A_74 = arith.constant 0 : i32
        %dma_start3A_75 = tpu.memref_slice %arg7[%dma_start3A_73, %dma_start3A_74] : memref<80x64xi32, #tpu.memory_space<vmem>> -> memref<80x64xi32, #tpu.memory_space<vmem>>
        %dma_start3A_76 = arith.constant 0 : i32
        %dma_start3A_77 = tpu.memref_slice %arg3[%add3A_49, %dma_start3A_76] : memref<5000x64xi32, #tpu.memory_space<hbm>> -> memref<80x64xi32, #tpu.memory_space<hbm>>
        tpu.enqueue_dma source(%dma_start3A_77 : memref<80x64xi32, #tpu.memory_space<hbm>>) target(%dma_start3A_75 : memref<80x64xi32, #tpu.memory_space<vmem>>) target_semaphore(%run_scoped3A : memref<!tpu.dma_semaphore, #tpu.memory_space<semaphore_mem>>)
        %dma_wait3A = arith.constant 0 : i32
        %dma_wait3A_78 = arith.constant 0 : i32
        %dma_wait3A_79 = tpu.memref_slice %arg7[%dma_wait3A, %dma_wait3A_78] : memref<80x64xi32, #tpu.memory_space<vmem>> -> memref<80x64xi32, #tpu.memory_space<vmem>>
        %dma_wait3A_80 = arith.constant 0 : i32
        %dma_wait3A_81 = tpu.memref_slice %arg3[%add3A_49, %dma_wait3A_80] : memref<5000x64xi32, #tpu.memory_space<hbm>> -> memref<80x64xi32, #tpu.memory_space<hbm>>
        %dma_wait3A_82 = arith.constant 0 : i32
        %dma_wait3A_83 = arith.constant 0 : i32
        %dma_wait3A_84 = tpu.memref_slice %arg7[%dma_wait3A_82, %dma_wait3A_83] : memref<80x64xi32, #tpu.memory_space<vmem>> -> memref<80x64xi32, #tpu.memory_space<vmem>>
        %dma_wait3A_85 = arith.constant 0 : i32
        %dma_wait3A_86 = tpu.memref_slice %arg3[%add3A_49, %dma_wait3A_85] : memref<5000x64xi32, #tpu.memory_space<hbm>> -> memref<80x64xi32, #tpu.memory_space<hbm>>
        tpu.wait_dma2 semaphore(%run_scoped3A : memref<!tpu.dma_semaphore, #tpu.memory_space<semaphore_mem>>) src(%dma_wait3A_86 : memref<80x64xi32, #tpu.memory_space<hbm>>) dst(%dma_wait3A_84 : memref<80x64xi32, #tpu.memory_space<vmem>>)
        tpu.yield
      }) : () -> ()
      "tpu.region"() ({
        %run_scoped3A = tpu.sem_alloc : memref<!tpu.dma_semaphore, #tpu.memory_space<semaphore_mem>>
        %dma_start3A_68 = arith.constant 0 : i32
        %dma_start3A_69 = arith.constant 0 : i32
        %dma_start3A_70 = tpu.memref_slice %arg8[%dma_start3A_68, %dma_start3A_69] : memref<80x64xi32, #tpu.memory_space<vmem>> -> memref<80x64xi32, #tpu.memory_space<vmem>>
        %dma_start3A_71 = arith.constant 0 : i32
        %dma_start3A_72 = tpu.memref_slice %arg4[%add3A_49, %dma_start3A_71] : memref<5000x64xi32, #tpu.memory_space<hbm>> -> memref<80x64xi32, #tpu.memory_space<hbm>>
        %dma_start3A_73 = arith.constant 0 : i32
        %dma_start3A_74 = arith.constant 0 : i32
        %dma_start3A_75 = tpu.memref_slice %arg8[%dma_start3A_73, %dma_start3A_74] : memref<80x64xi32, #tpu.memory_space<vmem>> -> memref<80x64xi32, #tpu.memory_space<vmem>>
        %dma_start3A_76 = arith.constant 0 : i32
        %dma_start3A_77 = tpu.memref_slice %arg4[%add3A_49, %dma_start3A_76] : memref<5000x64xi32, #tpu.memory_space<hbm>> -> memref<80x64xi32, #tpu.memory_space<hbm>>
        tpu.enqueue_dma source(%dma_start3A_77 : memref<80x64xi32, #tpu.memory_space<hbm>>) target(%dma_start3A_75 : memref<80x64xi32, #tpu.memory_space<vmem>>) target_semaphore(%run_scoped3A : memref<!tpu.dma_semaphore, #tpu.memory_space<semaphore_mem>>)
        %dma_wait3A = arith.constant 0 : i32
        %dma_wait3A_78 = arith.constant 0 : i32
        %dma_wait3A_79 = tpu.memref_slice %arg8[%dma_wait3A, %dma_wait3A_78] : memref<80x64xi32, #tpu.memory_space<vmem>> -> memref<80x64xi32, #tpu.memory_space<vmem>>
        %dma_wait3A_80 = arith.constant 0 : i32
        %dma_wait3A_81 = tpu.memref_slice %arg4[%add3A_49, %dma_wait3A_80] : memref<5000x64xi32, #tpu.memory_space<hbm>> -> memref<80x64xi32, #tpu.memory_space<hbm>>
        %dma_wait3A_82 = arith.constant 0 : i32
        %dma_wait3A_83 = arith.constant 0 : i32
        %dma_wait3A_84 = tpu.memref_slice %arg8[%dma_wait3A_82, %dma_wait3A_83] : memref<80x64xi32, #tpu.memory_space<vmem>> -> memref<80x64xi32, #tpu.memory_space<vmem>>
        %dma_wait3A_85 = arith.constant 0 : i32
        %dma_wait3A_86 = tpu.memref_slice %arg4[%add3A_49, %dma_wait3A_85] : memref<5000x64xi32, #tpu.memory_space<hbm>> -> memref<80x64xi32, #tpu.memory_space<hbm>>
        tpu.wait_dma2 semaphore(%run_scoped3A : memref<!tpu.dma_semaphore, #tpu.memory_space<semaphore_mem>>) src(%dma_wait3A_86 : memref<80x64xi32, #tpu.memory_space<hbm>>) dst(%dma_wait3A_84 : memref<80x64xi32, #tpu.memory_space<vmem>>)
        tpu.yield
      }) : () -> ()
      %dma_start3A_50 = arith.constant 0 : i32
      %dma_start3A_51 = arith.constant 0 : i32
      %dma_start3A_52 = arith.constant 0 : i32
      %dma_start3A_53 = arith.constant 0 : i32
      %dma_start3A_54 = tpu.memref_slice %arg9[%dma_start3A_51, %dma_start3A_52, %dma_start3A_53] : memref<2x64x128xf32, #tpu.memory_space<vmem>> -> memref<1x64x128xf32, #tpu.memory_space<vmem>>
      %dma_start3A_55 = tpu.memref_squeeze %dma_start3A_54 : memref<1x64x128xf32, #tpu.memory_space<vmem>> -> memref<64x128xf32, #tpu.memory_space<vmem>>
      %dma_start3A_56 = arith.constant 0 : i32
      %dma_start3A_57 = tpu.memref_slice %arg7[%dma_start3A_50, %dma_start3A_56] : memref<80x64xi32, #tpu.memory_space<vmem>> -> memref<1x64xi32, #tpu.memory_space<vmem>>
      %dma_start3A_58 = tpu.memref_squeeze %dma_start3A_57 : memref<1x64xi32, #tpu.memory_space<vmem>> -> memref<64xi32, #tpu.memory_space<vmem>>
      %dma_start3A_59 = arith.constant 0 : i32
      %dma_start3A_60 = arith.constant 0 : i32
      %dma_start3A_61 = tpu.memref_slice %arg2[%dma_start3A_59, %dma_start3A_60] : memref<10000x128xf32, #tpu.memory_space<hbm>> -> memref<10000x128xf32, #tpu.memory_space<hbm>>
      tpu.enqueue_indirect_dma source(%dma_start3A_61 : memref<10000x128xf32, #tpu.memory_space<hbm>>) target(%dma_start3A_55 : memref<64x128xf32, #tpu.memory_space<vmem>>) offsets(%dma_start3A_58 : memref<64xi32, #tpu.memory_space<vmem>>) semaphore(%arg11 : memref<!tpu.dma_semaphore, #tpu.memory_space<semaphore_mem>>)
      %scan3A_62 = arith.constant 0 : i32
      %scan3A_63 = arith.constant 0 : i32
      %scan3A_64 = arith.constant 40 : i32
      %scan3A_65 = arith.addi %scan3A_63, %scan3A_64 : i32
      %scan3A_66 = arith.constant 1 : i32
      scf.for %scan3A_68 = %scan3A_63 to %scan3A_65 step %scan3A_66  : i32 {
        %mul3A_69 = arith.constant 2 : i32
        %mul3A_70 = arith.muli %mul3A_69, %scan3A_68 : i32
        %add3A_71 = arith.constant 1 : i32
        %add3A_72 = arith.addi %mul3A_70, %add3A_71 : i32
        %dma_start3A_73 = arith.constant 1 : i32
        %dma_start3A_74 = arith.constant 0 : i32
        %dma_start3A_75 = arith.constant 0 : i32
        %dma_start3A_76 = tpu.memref_slice %arg9[%dma_start3A_73, %dma_start3A_74, %dma_start3A_75] : memref<2x64x128xf32, #tpu.memory_space<vmem>> -> memref<1x64x128xf32, #tpu.memory_space<vmem>>
        %dma_start3A_77 = tpu.memref_squeeze %dma_start3A_76 : memref<1x64x128xf32, #tpu.memory_space<vmem>> -> memref<64x128xf32, #tpu.memory_space<vmem>>
        %dma_start3A_78 = arith.constant 0 : i32
        %dma_start3A_79 = tpu.memref_slice %arg7[%add3A_72, %dma_start3A_78] : memref<80x64xi32, #tpu.memory_space<vmem>> -> memref<1x64xi32, #tpu.memory_space<vmem>>
        %dma_start3A_80 = tpu.memref_squeeze %dma_start3A_79 : memref<1x64xi32, #tpu.memory_space<vmem>> -> memref<64xi32, #tpu.memory_space<vmem>>
        %dma_start3A_81 = arith.constant 0 : i32
        %dma_start3A_82 = arith.constant 0 : i32
        %dma_start3A_83 = tpu.memref_slice %arg2[%dma_start3A_81, %dma_start3A_82] : memref<10000x128xf32, #tpu.memory_space<hbm>> -> memref<10000x128xf32, #tpu.memory_space<hbm>>
        tpu.enqueue_indirect_dma source(%dma_start3A_83 : memref<10000x128xf32, #tpu.memory_space<hbm>>) target(%dma_start3A_77 : memref<64x128xf32, #tpu.memory_space<vmem>>) offsets(%dma_start3A_80 : memref<64xi32, #tpu.memory_space<vmem>>) semaphore(%arg12 : memref<!tpu.dma_semaphore, #tpu.memory_space<semaphore_mem>>)
        %dma_wait3A = arith.constant 0 : i32
        %dma_wait3A_84 = arith.constant 0 : i32
        %dma_wait3A_85 = arith.constant 0 : i32
        %dma_wait3A_86 = tpu.memref_slice %arg9[%dma_wait3A, %dma_wait3A_84, %dma_wait3A_85] : memref<2x64x128xf32, #tpu.memory_space<vmem>> -> memref<1x64x128xf32, #tpu.memory_space<vmem>>
        %dma_wait3A_87 = tpu.memref_squeeze %dma_wait3A_86 : memref<1x64x128xf32, #tpu.memory_space<vmem>> -> memref<64x128xf32, #tpu.memory_space<vmem>>
        %dma_wait3A_88 = arith.constant 0 : i32
        %dma_wait3A_89 = tpu.memref_slice %arg7[%mul3A_70, %dma_wait3A_88] : memref<80x64xi32, #tpu.memory_space<vmem>> -> memref<1x64xi32, #tpu.memory_space<vmem>>
        %dma_wait3A_90 = tpu.memref_squeeze %dma_wait3A_89 : memref<1x64xi32, #tpu.memory_space<vmem>> -> memref<64xi32, #tpu.memory_space<vmem>>
        %dma_wait3A_91 = arith.constant 0 : i32
        %dma_wait3A_92 = arith.constant 0 : i32
        %dma_wait3A_93 = tpu.memref_slice %arg2[%dma_wait3A_91, %dma_wait3A_92] : memref<10000x128xf32, #tpu.memory_space<hbm>> -> memref<10000x128xf32, #tpu.memory_space<hbm>>
        tpu.wait_indirect_dma semaphore(%arg11 : memref<!tpu.dma_semaphore, #tpu.memory_space<semaphore_mem>>) src(%dma_wait3A_93 : memref<10000x128xf32, #tpu.memory_space<hbm>>) dst(%dma_wait3A_87 : memref<64x128xf32, #tpu.memory_space<vmem>>)
        %run_scoped3A = arith.constant 0 : i32
        "tpu.region"() ({
          %run_scoped3A_113 = tpu.sem_alloc : memref<!tpu.dma_semaphore, #tpu.memory_space<semaphore_mem>>
          %dma_start3A_114 = arith.constant 0 : i32
          %dma_start3A_115 = arith.constant 0 : i32
          %dma_start3A_116 = tpu.memref_slice %arg9[%run_scoped3A, %dma_start3A_114, %dma_start3A_115] : memref<2x64x128xf32, #tpu.memory_space<vmem>> -> memref<1x64x128xf32, #tpu.memory_space<vmem>>
          %dma_start3A_117 = tpu.memref_squeeze %dma_start3A_116 : memref<1x64x128xf32, #tpu.memory_space<vmem>> -> memref<64x128xf32, #tpu.memory_space<vmem>>
          %dma_start3A_118 = arith.constant 0 : i32
          %dma_start3A_119 = tpu.memref_slice %arg8[%mul3A_70, %dma_start3A_118] : memref<80x64xi32, #tpu.memory_space<vmem>> -> memref<1x64xi32, #tpu.memory_space<vmem>>
          %dma_start3A_120 = tpu.memref_squeeze %dma_start3A_119 : memref<1x64xi32, #tpu.memory_space<vmem>> -> memref<64xi32, #tpu.memory_space<vmem>>
          %dma_start3A_121 = arith.constant 0 : i32
          %dma_start3A_122 = arith.constant 0 : i32
          %dma_start3A_123 = tpu.memref_slice %arg10[%dma_start3A_121, %dma_start3A_122] : memref<10000x128xf32, #tpu.memory_space<vmem_shared>> -> memref<10000x128xf32, #tpu.memory_space<vmem_shared>>
          tpu.enqueue_indirect_dma source(%dma_start3A_117 : memref<64x128xf32, #tpu.memory_space<vmem>>) target(%dma_start3A_123 : memref<10000x128xf32, #tpu.memory_space<vmem_shared>>) offsets(%dma_start3A_120 : memref<64xi32, #tpu.memory_space<vmem>>) semaphore(%run_scoped3A_113 : memref<!tpu.dma_semaphore, #tpu.memory_space<semaphore_mem>>) {add = true}
          %dma_wait3A_124 = arith.constant 0 : i32
          %dma_wait3A_125 = arith.constant 0 : i32
          %dma_wait3A_126 = tpu.memref_slice %arg9[%run_scoped3A, %dma_wait3A_124, %dma_wait3A_125] : memref<2x64x128xf32, #tpu.memory_space<vmem>> -> memref<1x64x128xf32, #tpu.memory_space<vmem>>
          %dma_wait3A_127 = tpu.memref_squeeze %dma_wait3A_126 : memref<1x64x128xf32, #tpu.memory_space<vmem>> -> memref<64x128xf32, #tpu.memory_space<vmem>>
          %dma_wait3A_128 = arith.constant 0 : i32
          %dma_wait3A_129 = tpu.memref_slice %arg8[%mul3A_70, %dma_wait3A_128] : memref<80x64xi32, #tpu.memory_space<vmem>> -> memref<1x64xi32, #tpu.memory_space<vmem>>
          %dma_wait3A_130 = tpu.memref_squeeze %dma_wait3A_129 : memref<1x64xi32, #tpu.memory_space<vmem>> -> memref<64xi32, #tpu.memory_space<vmem>>
          %dma_wait3A_131 = arith.constant 0 : i32
          %dma_wait3A_132 = arith.constant 0 : i32
          %dma_wait3A_133 = tpu.memref_slice %arg10[%dma_wait3A_131, %dma_wait3A_132] : memref<10000x128xf32, #tpu.memory_space<vmem_shared>> -> memref<10000x128xf32, #tpu.memory_space<vmem_shared>>
          tpu.wait_indirect_dma semaphore(%run_scoped3A_113 : memref<!tpu.dma_semaphore, #tpu.memory_space<semaphore_mem>>) src(%dma_wait3A_127 : memref<64x128xf32, #tpu.memory_space<vmem>>) dst(%dma_wait3A_133 : memref<10000x128xf32, #tpu.memory_space<vmem_shared>>)
          tpu.yield
        }) : () -> ()
        %add3A_94 = arith.constant 1 : i32
        %add3A_95 = arith.addi %scan3A_68, %add3A_94 : i32
        %lt3A_96 = arith.constant 40 : i32
        %lt3A_97 = arith.cmpi slt, %add3A_95, %lt3A_96 : i32
        %convert_element_type3A_98 = arith.extui %lt3A_97 : i1 to i32
        %cond3A_99 = arith.constant 0 : i32
        %cond3A_100 = arith.cmpi ne, %convert_element_type3A_98, %cond3A_99 : i32
        scf.if %cond3A_100 {
          %add3A_113 = arith.constant 2 : i32
          %add3A_114 = arith.addi %mul3A_70, %add3A_113 : i32
          %dma_start3A_115 = arith.constant 0 : i32
          %dma_start3A_116 = arith.constant 0 : i32
          %dma_start3A_117 = arith.constant 0 : i32
          %dma_start3A_118 = tpu.memref_slice %arg9[%dma_start3A_115, %dma_start3A_116, %dma_start3A_117] : memref<2x64x128xf32, #tpu.memory_space<vmem>> -> memref<1x64x128xf32, #tpu.memory_space<vmem>>
          %dma_start3A_119 = tpu.memref_squeeze %dma_start3A_118 : memref<1x64x128xf32, #tpu.memory_space<vmem>> -> memref<64x128xf32, #tpu.memory_space<vmem>>
          %dma_start3A_120 = arith.constant 0 : i32
          %dma_start3A_121 = tpu.memref_slice %arg7[%add3A_114, %dma_start3A_120] : memref<80x64xi32, #tpu.memory_space<vmem>> -> memref<1x64xi32, #tpu.memory_space<vmem>>
          %dma_start3A_122 = tpu.memref_squeeze %dma_start3A_121 : memref<1x64xi32, #tpu.memory_space<vmem>> -> memref<64xi32, #tpu.memory_space<vmem>>
          %dma_start3A_123 = arith.constant 0 : i32
          %dma_start3A_124 = arith.constant 0 : i32
          %dma_start3A_125 = tpu.memref_slice %arg2[%dma_start3A_123, %dma_start3A_124] : memref<10000x128xf32, #tpu.memory_space<hbm>> -> memref<10000x128xf32, #tpu.memory_space<hbm>>
          tpu.enqueue_indirect_dma source(%dma_start3A_125 : memref<10000x128xf32, #tpu.memory_space<hbm>>) target(%dma_start3A_119 : memref<64x128xf32, #tpu.memory_space<vmem>>) offsets(%dma_start3A_122 : memref<64xi32, #tpu.memory_space<vmem>>) semaphore(%arg11 : memref<!tpu.dma_semaphore, #tpu.memory_space<semaphore_mem>>)
        } else {
        }
        %dma_wait3A_101 = arith.constant 1 : i32
        %dma_wait3A_102 = arith.constant 0 : i32
        %dma_wait3A_103 = arith.constant 0 : i32
        %dma_wait3A_104 = tpu.memref_slice %arg9[%dma_wait3A_101, %dma_wait3A_102, %dma_wait3A_103] : memref<2x64x128xf32, #tpu.memory_space<vmem>> -> memref<1x64x128xf32, #tpu.memory_space<vmem>>
        %dma_wait3A_105 = tpu.memref_squeeze %dma_wait3A_104 : memref<1x64x128xf32, #tpu.memory_space<vmem>> -> memref<64x128xf32, #tpu.memory_space<vmem>>
        %dma_wait3A_106 = arith.constant 0 : i32
        %dma_wait3A_107 = tpu.memref_slice %arg7[%add3A_72, %dma_wait3A_106] : memref<80x64xi32, #tpu.memory_space<vmem>> -> memref<1x64xi32, #tpu.memory_space<vmem>>
        %dma_wait3A_108 = tpu.memref_squeeze %dma_wait3A_107 : memref<1x64xi32, #tpu.memory_space<vmem>> -> memref<64xi32, #tpu.memory_space<vmem>>
        %dma_wait3A_109 = arith.constant 0 : i32
        %dma_wait3A_110 = arith.constant 0 : i32
        %dma_wait3A_111 = tpu.memref_slice %arg2[%dma_wait3A_109, %dma_wait3A_110] : memref<10000x128xf32, #tpu.memory_space<hbm>> -> memref<10000x128xf32, #tpu.memory_space<hbm>>
        tpu.wait_indirect_dma semaphore(%arg12 : memref<!tpu.dma_semaphore, #tpu.memory_space<semaphore_mem>>) src(%dma_wait3A_111 : memref<10000x128xf32, #tpu.memory_space<hbm>>) dst(%dma_wait3A_105 : memref<64x128xf32, #tpu.memory_space<vmem>>)
        %run_scoped3A_112 = arith.constant 1 : i32
        "tpu.region"() ({
          %run_scoped3A_113 = tpu.sem_alloc : memref<!tpu.dma_semaphore, #tpu.memory_space<semaphore_mem>>
          %dma_start3A_114 = arith.constant 0 : i32
          %dma_start3A_115 = arith.constant 0 : i32
          %dma_start3A_116 = tpu.memref_slice %arg9[%run_scoped3A_112, %dma_start3A_114, %dma_start3A_115] : memref<2x64x128xf32, #tpu.memory_space<vmem>> -> memref<1x64x128xf32, #tpu.memory_space<vmem>>
          %dma_start3A_117 = tpu.memref_squeeze %dma_start3A_116 : memref<1x64x128xf32, #tpu.memory_space<vmem>> -> memref<64x128xf32, #tpu.memory_space<vmem>>
          %dma_start3A_118 = arith.constant 0 : i32
          %dma_start3A_119 = tpu.memref_slice %arg8[%add3A_72, %dma_start3A_118] : memref<80x64xi32, #tpu.memory_space<vmem>> -> memref<1x64xi32, #tpu.memory_space<vmem>>
          %dma_start3A_120 = tpu.memref_squeeze %dma_start3A_119 : memref<1x64xi32, #tpu.memory_space<vmem>> -> memref<64xi32, #tpu.memory_space<vmem>>
          %dma_start3A_121 = arith.constant 0 : i32
          %dma_start3A_122 = arith.constant 0 : i32
          %dma_start3A_123 = tpu.memref_slice %arg10[%dma_start3A_121, %dma_start3A_122] : memref<10000x128xf32, #tpu.memory_space<vmem_shared>> -> memref<10000x128xf32, #tpu.memory_space<vmem_shared>>
          tpu.enqueue_indirect_dma source(%dma_start3A_117 : memref<64x128xf32, #tpu.memory_space<vmem>>) target(%dma_start3A_123 : memref<10000x128xf32, #tpu.memory_space<vmem_shared>>) offsets(%dma_start3A_120 : memref<64xi32, #tpu.memory_space<vmem>>) semaphore(%run_scoped3A_113 : memref<!tpu.dma_semaphore, #tpu.memory_space<semaphore_mem>>) {add = true}
          %dma_wait3A_124 = arith.constant 0 : i32
          %dma_wait3A_125 = arith.constant 0 : i32
          %dma_wait3A_126 = tpu.memref_slice %arg9[%run_scoped3A_112, %dma_wait3A_124, %dma_wait3A_125] : memref<2x64x128xf32, #tpu.memory_space<vmem>> -> memref<1x64x128xf32, #tpu.memory_space<vmem>>
          %dma_wait3A_127 = tpu.memref_squeeze %dma_wait3A_126 : memref<1x64x128xf32, #tpu.memory_space<vmem>> -> memref<64x128xf32, #tpu.memory_space<vmem>>
          %dma_wait3A_128 = arith.constant 0 : i32
          %dma_wait3A_129 = tpu.memref_slice %arg8[%add3A_72, %dma_wait3A_128] : memref<80x64xi32, #tpu.memory_space<vmem>> -> memref<1x64xi32, #tpu.memory_space<vmem>>
          %dma_wait3A_130 = tpu.memref_squeeze %dma_wait3A_129 : memref<1x64xi32, #tpu.memory_space<vmem>> -> memref<64xi32, #tpu.memory_space<vmem>>
          %dma_wait3A_131 = arith.constant 0 : i32
          %dma_wait3A_132 = arith.constant 0 : i32
          %dma_wait3A_133 = tpu.memref_slice %arg10[%dma_wait3A_131, %dma_wait3A_132] : memref<10000x128xf32, #tpu.memory_space<vmem_shared>> -> memref<10000x128xf32, #tpu.memory_space<vmem_shared>>
          tpu.wait_indirect_dma semaphore(%run_scoped3A_113 : memref<!tpu.dma_semaphore, #tpu.memory_space<semaphore_mem>>) src(%dma_wait3A_127 : memref<64x128xf32, #tpu.memory_space<vmem>>) dst(%dma_wait3A_133 : memref<10000x128xf32, #tpu.memory_space<vmem_shared>>)
          tpu.yield
        }) : () -> ()
      }
      %scan3A_67 = arith.constant 40 : i32
    } else {
    }
    %eq3A_12 = arith.constant 31 : i32
    %eq3A_13 = arith.cmpi eq, %add3A, %eq3A_12 : i32
    %convert_element_type3A_14 = arith.extui %eq3A_13 : i1 to i32
    %cond3A_15 = arith.constant 0 : i32
    %cond3A_16 = arith.cmpi ne, %convert_element_type3A_14, %cond3A_15 : i32
    scf.if %cond3A_16 {
      "tpu.region"() ({
        %run_scoped3A = tpu.sem_alloc : memref<!tpu.dma_semaphore, #tpu.memory_space<semaphore_mem>>
        %dma_start3A_44 = arith.constant 0 : i32
        %dma_start3A_45 = arith.constant 0 : i32
        %dma_start3A_46 = tpu.memref_slice %arg7[%dma_start3A_44, %dma_start3A_45] : memref<80x64xi32, #tpu.memory_space<vmem>> -> memref<40x64xi32, #tpu.memory_space<vmem>>
        %dma_start3A_47 = arith.constant 4960 : i32
        %dma_start3A_48 = arith.constant 0 : i32
        %dma_start3A_49 = tpu.memref_slice %arg3[%dma_start3A_47, %dma_start3A_48] : memref<5000x64xi32, #tpu.memory_space<hbm>> -> memref<40x64xi32, #tpu.memory_space<hbm>>
        %dma_start3A_50 = arith.constant 0 : i32
        %dma_start3A_51 = arith.constant 0 : i32
        %dma_start3A_52 = tpu.memref_slice %arg7[%dma_start3A_50, %dma_start3A_51] : memref<80x64xi32, #tpu.memory_space<vmem>> -> memref<40x64xi32, #tpu.memory_space<vmem>>
        %dma_start3A_53 = arith.constant 4960 : i32
        %dma_start3A_54 = arith.constant 0 : i32
        %dma_start3A_55 = tpu.memref_slice %arg3[%dma_start3A_53, %dma_start3A_54] : memref<5000x64xi32, #tpu.memory_space<hbm>> -> memref<40x64xi32, #tpu.memory_space<hbm>>
        tpu.enqueue_dma source(%dma_start3A_55 : memref<40x64xi32, #tpu.memory_space<hbm>>) target(%dma_start3A_52 : memref<40x64xi32, #tpu.memory_space<vmem>>) target_semaphore(%run_scoped3A : memref<!tpu.dma_semaphore, #tpu.memory_space<semaphore_mem>>)
        %dma_wait3A = arith.constant 0 : i32
        %dma_wait3A_56 = arith.constant 0 : i32
        %dma_wait3A_57 = tpu.memref_slice %arg7[%dma_wait3A, %dma_wait3A_56] : memref<80x64xi32, #tpu.memory_space<vmem>> -> memref<40x64xi32, #tpu.memory_space<vmem>>
        %dma_wait3A_58 = arith.constant 4960 : i32
        %dma_wait3A_59 = arith.constant 0 : i32
        %dma_wait3A_60 = tpu.memref_slice %arg3[%dma_wait3A_58, %dma_wait3A_59] : memref<5000x64xi32, #tpu.memory_space<hbm>> -> memref<40x64xi32, #tpu.memory_space<hbm>>
        %dma_wait3A_61 = arith.constant 0 : i32
        %dma_wait3A_62 = arith.constant 0 : i32
        %dma_wait3A_63 = tpu.memref_slice %arg7[%dma_wait3A_61, %dma_wait3A_62] : memref<80x64xi32, #tpu.memory_space<vmem>> -> memref<40x64xi32, #tpu.memory_space<vmem>>
        %dma_wait3A_64 = arith.constant 4960 : i32
        %dma_wait3A_65 = arith.constant 0 : i32
        %dma_wait3A_66 = tpu.memref_slice %arg3[%dma_wait3A_64, %dma_wait3A_65] : memref<5000x64xi32, #tpu.memory_space<hbm>> -> memref<40x64xi32, #tpu.memory_space<hbm>>
        tpu.wait_dma2 semaphore(%run_scoped3A : memref<!tpu.dma_semaphore, #tpu.memory_space<semaphore_mem>>) src(%dma_wait3A_66 : memref<40x64xi32, #tpu.memory_space<hbm>>) dst(%dma_wait3A_63 : memref<40x64xi32, #tpu.memory_space<vmem>>)
        tpu.yield
      }) : () -> ()
      "tpu.region"() ({
        %run_scoped3A = tpu.sem_alloc : memref<!tpu.dma_semaphore, #tpu.memory_space<semaphore_mem>>
        %dma_start3A_44 = arith.constant 0 : i32
        %dma_start3A_45 = arith.constant 0 : i32
        %dma_start3A_46 = tpu.memref_slice %arg8[%dma_start3A_44, %dma_start3A_45] : memref<80x64xi32, #tpu.memory_space<vmem>> -> memref<40x64xi32, #tpu.memory_space<vmem>>
        %dma_start3A_47 = arith.constant 4960 : i32
        %dma_start3A_48 = arith.constant 0 : i32
        %dma_start3A_49 = tpu.memref_slice %arg4[%dma_start3A_47, %dma_start3A_48] : memref<5000x64xi32, #tpu.memory_space<hbm>> -> memref<40x64xi32, #tpu.memory_space<hbm>>
        %dma_start3A_50 = arith.constant 0 : i32
        %dma_start3A_51 = arith.constant 0 : i32
        %dma_start3A_52 = tpu.memref_slice %arg8[%dma_start3A_50, %dma_start3A_51] : memref<80x64xi32, #tpu.memory_space<vmem>> -> memref<40x64xi32, #tpu.memory_space<vmem>>
        %dma_start3A_53 = arith.constant 4960 : i32
        %dma_start3A_54 = arith.constant 0 : i32
        %dma_start3A_55 = tpu.memref_slice %arg4[%dma_start3A_53, %dma_start3A_54] : memref<5000x64xi32, #tpu.memory_space<hbm>> -> memref<40x64xi32, #tpu.memory_space<hbm>>
        tpu.enqueue_dma source(%dma_start3A_55 : memref<40x64xi32, #tpu.memory_space<hbm>>) target(%dma_start3A_52 : memref<40x64xi32, #tpu.memory_space<vmem>>) target_semaphore(%run_scoped3A : memref<!tpu.dma_semaphore, #tpu.memory_space<semaphore_mem>>)
        %dma_wait3A = arith.constant 0 : i32
        %dma_wait3A_56 = arith.constant 0 : i32
        %dma_wait3A_57 = tpu.memref_slice %arg8[%dma_wait3A, %dma_wait3A_56] : memref<80x64xi32, #tpu.memory_space<vmem>> -> memref<40x64xi32, #tpu.memory_space<vmem>>
        %dma_wait3A_58 = arith.constant 4960 : i32
        %dma_wait3A_59 = arith.constant 0 : i32
        %dma_wait3A_60 = tpu.memref_slice %arg4[%dma_wait3A_58, %dma_wait3A_59] : memref<5000x64xi32, #tpu.memory_space<hbm>> -> memref<40x64xi32, #tpu.memory_space<hbm>>
        %dma_wait3A_61 = arith.constant 0 : i32
        %dma_wait3A_62 = arith.constant 0 : i32
        %dma_wait3A_63 = tpu.memref_slice %arg8[%dma_wait3A_61, %dma_wait3A_62] : memref<80x64xi32, #tpu.memory_space<vmem>> -> memref<40x64xi32, #tpu.memory_space<vmem>>
        %dma_wait3A_64 = arith.constant 4960 : i32
        %dma_wait3A_65 = arith.constant 0 : i32
        %dma_wait3A_66 = tpu.memref_slice %arg4[%dma_wait3A_64, %dma_wait3A_65] : memref<5000x64xi32, #tpu.memory_space<hbm>> -> memref<40x64xi32, #tpu.memory_space<hbm>>
        tpu.wait_dma2 semaphore(%run_scoped3A : memref<!tpu.dma_semaphore, #tpu.memory_space<semaphore_mem>>) src(%dma_wait3A_66 : memref<40x64xi32, #tpu.memory_space<hbm>>) dst(%dma_wait3A_63 : memref<40x64xi32, #tpu.memory_space<vmem>>)
        tpu.yield
      }) : () -> ()
      %dma_start3A = arith.constant 0 : i32
      %dma_start3A_28 = arith.constant 0 : i32
      %dma_start3A_29 = arith.constant 0 : i32
      %dma_start3A_30 = arith.constant 0 : i32
      %dma_start3A_31 = tpu.memref_slice %arg9[%dma_start3A_28, %dma_start3A_29, %dma_start3A_30] : memref<2x64x128xf32, #tpu.memory_space<vmem>> -> memref<1x64x128xf32, #tpu.memory_space<vmem>>
      %dma_start3A_32 = tpu.memref_squeeze %dma_start3A_31 : memref<1x64x128xf32, #tpu.memory_space<vmem>> -> memref<64x128xf32, #tpu.memory_space<vmem>>
      %dma_start3A_33 = arith.constant 0 : i32
      %dma_start3A_34 = tpu.memref_slice %arg7[%dma_start3A, %dma_start3A_33] : memref<80x64xi32, #tpu.memory_space<vmem>> -> memref<1x64xi32, #tpu.memory_space<vmem>>
      %dma_start3A_35 = tpu.memref_squeeze %dma_start3A_34 : memref<1x64xi32, #tpu.memory_space<vmem>> -> memref<64xi32, #tpu.memory_space<vmem>>
      %dma_start3A_36 = arith.constant 0 : i32
      %dma_start3A_37 = arith.constant 0 : i32
      %dma_start3A_38 = tpu.memref_slice %arg2[%dma_start3A_36, %dma_start3A_37] : memref<10000x128xf32, #tpu.memory_space<hbm>> -> memref<10000x128xf32, #tpu.memory_space<hbm>>
      tpu.enqueue_indirect_dma source(%dma_start3A_38 : memref<10000x128xf32, #tpu.memory_space<hbm>>) target(%dma_start3A_32 : memref<64x128xf32, #tpu.memory_space<vmem>>) offsets(%dma_start3A_35 : memref<64xi32, #tpu.memory_space<vmem>>) semaphore(%arg11 : memref<!tpu.dma_semaphore, #tpu.memory_space<semaphore_mem>>)
      %scan3A = arith.constant 0 : i32
      %scan3A_39 = arith.constant 0 : i32
      %scan3A_40 = arith.constant 20 : i32
      %scan3A_41 = arith.addi %scan3A_39, %scan3A_40 : i32
      %scan3A_42 = arith.constant 1 : i32
      scf.for %scan3A_44 = %scan3A_39 to %scan3A_41 step %scan3A_42  : i32 {
        %mul3A_45 = arith.constant 2 : i32
        %mul3A_46 = arith.muli %mul3A_45, %scan3A_44 : i32
        %add3A_47 = arith.constant 1 : i32
        %add3A_48 = arith.addi %mul3A_46, %add3A_47 : i32
        %dma_start3A_49 = arith.constant 1 : i32
        %dma_start3A_50 = arith.constant 0 : i32
        %dma_start3A_51 = arith.constant 0 : i32
        %dma_start3A_52 = tpu.memref_slice %arg9[%dma_start3A_49, %dma_start3A_50, %dma_start3A_51] : memref<2x64x128xf32, #tpu.memory_space<vmem>> -> memref<1x64x128xf32, #tpu.memory_space<vmem>>
        %dma_start3A_53 = tpu.memref_squeeze %dma_start3A_52 : memref<1x64x128xf32, #tpu.memory_space<vmem>> -> memref<64x128xf32, #tpu.memory_space<vmem>>
        %dma_start3A_54 = arith.constant 0 : i32
        %dma_start3A_55 = tpu.memref_slice %arg7[%add3A_48, %dma_start3A_54] : memref<80x64xi32, #tpu.memory_space<vmem>> -> memref<1x64xi32, #tpu.memory_space<vmem>>
        %dma_start3A_56 = tpu.memref_squeeze %dma_start3A_55 : memref<1x64xi32, #tpu.memory_space<vmem>> -> memref<64xi32, #tpu.memory_space<vmem>>
        %dma_start3A_57 = arith.constant 0 : i32
        %dma_start3A_58 = arith.constant 0 : i32
        %dma_start3A_59 = tpu.memref_slice %arg2[%dma_start3A_57, %dma_start3A_58] : memref<10000x128xf32, #tpu.memory_space<hbm>> -> memref<10000x128xf32, #tpu.memory_space<hbm>>
        tpu.enqueue_indirect_dma source(%dma_start3A_59 : memref<10000x128xf32, #tpu.memory_space<hbm>>) target(%dma_start3A_53 : memref<64x128xf32, #tpu.memory_space<vmem>>) offsets(%dma_start3A_56 : memref<64xi32, #tpu.memory_space<vmem>>) semaphore(%arg12 : memref<!tpu.dma_semaphore, #tpu.memory_space<semaphore_mem>>)
        %dma_wait3A = arith.constant 0 : i32
        %dma_wait3A_60 = arith.constant 0 : i32
        %dma_wait3A_61 = arith.constant 0 : i32
        %dma_wait3A_62 = tpu.memref_slice %arg9[%dma_wait3A, %dma_wait3A_60, %dma_wait3A_61] : memref<2x64x128xf32, #tpu.memory_space<vmem>> -> memref<1x64x128xf32, #tpu.memory_space<vmem>>
        %dma_wait3A_63 = tpu.memref_squeeze %dma_wait3A_62 : memref<1x64x128xf32, #tpu.memory_space<vmem>> -> memref<64x128xf32, #tpu.memory_space<vmem>>
        %dma_wait3A_64 = arith.constant 0 : i32
        %dma_wait3A_65 = tpu.memref_slice %arg7[%mul3A_46, %dma_wait3A_64] : memref<80x64xi32, #tpu.memory_space<vmem>> -> memref<1x64xi32, #tpu.memory_space<vmem>>
        %dma_wait3A_66 = tpu.memref_squeeze %dma_wait3A_65 : memref<1x64xi32, #tpu.memory_space<vmem>> -> memref<64xi32, #tpu.memory_space<vmem>>
        %dma_wait3A_67 = arith.constant 0 : i32
        %dma_wait3A_68 = arith.constant 0 : i32
        %dma_wait3A_69 = tpu.memref_slice %arg2[%dma_wait3A_67, %dma_wait3A_68] : memref<10000x128xf32, #tpu.memory_space<hbm>> -> memref<10000x128xf32, #tpu.memory_space<hbm>>
        tpu.wait_indirect_dma semaphore(%arg11 : memref<!tpu.dma_semaphore, #tpu.memory_space<semaphore_mem>>) src(%dma_wait3A_69 : memref<10000x128xf32, #tpu.memory_space<hbm>>) dst(%dma_wait3A_63 : memref<64x128xf32, #tpu.memory_space<vmem>>)
        %run_scoped3A = arith.constant 0 : i32
        "tpu.region"() ({
          %run_scoped3A_89 = tpu.sem_alloc : memref<!tpu.dma_semaphore, #tpu.memory_space<semaphore_mem>>
          %dma_start3A_90 = arith.constant 0 : i32
          %dma_start3A_91 = arith.constant 0 : i32
          %dma_start3A_92 = tpu.memref_slice %arg9[%run_scoped3A, %dma_start3A_90, %dma_start3A_91] : memref<2x64x128xf32, #tpu.memory_space<vmem>> -> memref<1x64x128xf32, #tpu.memory_space<vmem>>
          %dma_start3A_93 = tpu.memref_squeeze %dma_start3A_92 : memref<1x64x128xf32, #tpu.memory_space<vmem>> -> memref<64x128xf32, #tpu.memory_space<vmem>>
          %dma_start3A_94 = arith.constant 0 : i32
          %dma_start3A_95 = tpu.memref_slice %arg8[%mul3A_46, %dma_start3A_94] : memref<80x64xi32, #tpu.memory_space<vmem>> -> memref<1x64xi32, #tpu.memory_space<vmem>>
          %dma_start3A_96 = tpu.memref_squeeze %dma_start3A_95 : memref<1x64xi32, #tpu.memory_space<vmem>> -> memref<64xi32, #tpu.memory_space<vmem>>
          %dma_start3A_97 = arith.constant 0 : i32
          %dma_start3A_98 = arith.constant 0 : i32
          %dma_start3A_99 = tpu.memref_slice %arg10[%dma_start3A_97, %dma_start3A_98] : memref<10000x128xf32, #tpu.memory_space<vmem_shared>> -> memref<10000x128xf32, #tpu.memory_space<vmem_shared>>
          tpu.enqueue_indirect_dma source(%dma_start3A_93 : memref<64x128xf32, #tpu.memory_space<vmem>>) target(%dma_start3A_99 : memref<10000x128xf32, #tpu.memory_space<vmem_shared>>) offsets(%dma_start3A_96 : memref<64xi32, #tpu.memory_space<vmem>>) semaphore(%run_scoped3A_89 : memref<!tpu.dma_semaphore, #tpu.memory_space<semaphore_mem>>) {add = true}
          %dma_wait3A_100 = arith.constant 0 : i32
          %dma_wait3A_101 = arith.constant 0 : i32
          %dma_wait3A_102 = tpu.memref_slice %arg9[%run_scoped3A, %dma_wait3A_100, %dma_wait3A_101] : memref<2x64x128xf32, #tpu.memory_space<vmem>> -> memref<1x64x128xf32, #tpu.memory_space<vmem>>
          %dma_wait3A_103 = tpu.memref_squeeze %dma_wait3A_102 : memref<1x64x128xf32, #tpu.memory_space<vmem>> -> memref<64x128xf32, #tpu.memory_space<vmem>>
          %dma_wait3A_104 = arith.constant 0 : i32
          %dma_wait3A_105 = tpu.memref_slice %arg8[%mul3A_46, %dma_wait3A_104] : memref<80x64xi32, #tpu.memory_space<vmem>> -> memref<1x64xi32, #tpu.memory_space<vmem>>
          %dma_wait3A_106 = tpu.memref_squeeze %dma_wait3A_105 : memref<1x64xi32, #tpu.memory_space<vmem>> -> memref<64xi32, #tpu.memory_space<vmem>>
          %dma_wait3A_107 = arith.constant 0 : i32
          %dma_wait3A_108 = arith.constant 0 : i32
          %dma_wait3A_109 = tpu.memref_slice %arg10[%dma_wait3A_107, %dma_wait3A_108] : memref<10000x128xf32, #tpu.memory_space<vmem_shared>> -> memref<10000x128xf32, #tpu.memory_space<vmem_shared>>
          tpu.wait_indirect_dma semaphore(%run_scoped3A_89 : memref<!tpu.dma_semaphore, #tpu.memory_space<semaphore_mem>>) src(%dma_wait3A_103 : memref<64x128xf32, #tpu.memory_space<vmem>>) dst(%dma_wait3A_109 : memref<10000x128xf32, #tpu.memory_space<vmem_shared>>)
          tpu.yield
        }) : () -> ()
        %add3A_70 = arith.constant 1 : i32
        %add3A_71 = arith.addi %scan3A_44, %add3A_70 : i32
        %lt3A_72 = arith.constant 20 : i32
        %lt3A_73 = arith.cmpi slt, %add3A_71, %lt3A_72 : i32
        %convert_element_type3A_74 = arith.extui %lt3A_73 : i1 to i32
        %cond3A_75 = arith.constant 0 : i32
        %cond3A_76 = arith.cmpi ne, %convert_element_type3A_74, %cond3A_75 : i32
        scf.if %cond3A_76 {
          %add3A_89 = arith.constant 2 : i32
          %add3A_90 = arith.addi %mul3A_46, %add3A_89 : i32
          %dma_start3A_91 = arith.constant 0 : i32
          %dma_start3A_92 = arith.constant 0 : i32
          %dma_start3A_93 = arith.constant 0 : i32
          %dma_start3A_94 = tpu.memref_slice %arg9[%dma_start3A_91, %dma_start3A_92, %dma_start3A_93] : memref<2x64x128xf32, #tpu.memory_space<vmem>> -> memref<1x64x128xf32, #tpu.memory_space<vmem>>
          %dma_start3A_95 = tpu.memref_squeeze %dma_start3A_94 : memref<1x64x128xf32, #tpu.memory_space<vmem>> -> memref<64x128xf32, #tpu.memory_space<vmem>>
          %dma_start3A_96 = arith.constant 0 : i32
          %dma_start3A_97 = tpu.memref_slice %arg7[%add3A_90, %dma_start3A_96] : memref<80x64xi32, #tpu.memory_space<vmem>> -> memref<1x64xi32, #tpu.memory_space<vmem>>
          %dma_start3A_98 = tpu.memref_squeeze %dma_start3A_97 : memref<1x64xi32, #tpu.memory_space<vmem>> -> memref<64xi32, #tpu.memory_space<vmem>>
          %dma_start3A_99 = arith.constant 0 : i32
          %dma_start3A_100 = arith.constant 0 : i32
          %dma_start3A_101 = tpu.memref_slice %arg2[%dma_start3A_99, %dma_start3A_100] : memref<10000x128xf32, #tpu.memory_space<hbm>> -> memref<10000x128xf32, #tpu.memory_space<hbm>>
          tpu.enqueue_indirect_dma source(%dma_start3A_101 : memref<10000x128xf32, #tpu.memory_space<hbm>>) target(%dma_start3A_95 : memref<64x128xf32, #tpu.memory_space<vmem>>) offsets(%dma_start3A_98 : memref<64xi32, #tpu.memory_space<vmem>>) semaphore(%arg11 : memref<!tpu.dma_semaphore, #tpu.memory_space<semaphore_mem>>)
        } else {
        }
        %dma_wait3A_77 = arith.constant 1 : i32
        %dma_wait3A_78 = arith.constant 0 : i32
        %dma_wait3A_79 = arith.constant 0 : i32
        %dma_wait3A_80 = tpu.memref_slice %arg9[%dma_wait3A_77, %dma_wait3A_78, %dma_wait3A_79] : memref<2x64x128xf32, #tpu.memory_space<vmem>> -> memref<1x64x128xf32, #tpu.memory_space<vmem>>
        %dma_wait3A_81 = tpu.memref_squeeze %dma_wait3A_80 : memref<1x64x128xf32, #tpu.memory_space<vmem>> -> memref<64x128xf32, #tpu.memory_space<vmem>>
        %dma_wait3A_82 = arith.constant 0 : i32
        %dma_wait3A_83 = tpu.memref_slice %arg7[%add3A_48, %dma_wait3A_82] : memref<80x64xi32, #tpu.memory_space<vmem>> -> memref<1x64xi32, #tpu.memory_space<vmem>>
        %dma_wait3A_84 = tpu.memref_squeeze %dma_wait3A_83 : memref<1x64xi32, #tpu.memory_space<vmem>> -> memref<64xi32, #tpu.memory_space<vmem>>
        %dma_wait3A_85 = arith.constant 0 : i32
        %dma_wait3A_86 = arith.constant 0 : i32
        %dma_wait3A_87 = tpu.memref_slice %arg2[%dma_wait3A_85, %dma_wait3A_86] : memref<10000x128xf32, #tpu.memory_space<hbm>> -> memref<10000x128xf32, #tpu.memory_space<hbm>>
        tpu.wait_indirect_dma semaphore(%arg12 : memref<!tpu.dma_semaphore, #tpu.memory_space<semaphore_mem>>) src(%dma_wait3A_87 : memref<10000x128xf32, #tpu.memory_space<hbm>>) dst(%dma_wait3A_81 : memref<64x128xf32, #tpu.memory_space<vmem>>)
        %run_scoped3A_88 = arith.constant 1 : i32
        "tpu.region"() ({
          %run_scoped3A_89 = tpu.sem_alloc : memref<!tpu.dma_semaphore, #tpu.memory_space<semaphore_mem>>
          %dma_start3A_90 = arith.constant 0 : i32
          %dma_start3A_91 = arith.constant 0 : i32
          %dma_start3A_92 = tpu.memref_slice %arg9[%run_scoped3A_88, %dma_start3A_90, %dma_start3A_91] : memref<2x64x128xf32, #tpu.memory_space<vmem>> -> memref<1x64x128xf32, #tpu.memory_space<vmem>>
          %dma_start3A_93 = tpu.memref_squeeze %dma_start3A_92 : memref<1x64x128xf32, #tpu.memory_space<vmem>> -> memref<64x128xf32, #tpu.memory_space<vmem>>
          %dma_start3A_94 = arith.constant 0 : i32
          %dma_start3A_95 = tpu.memref_slice %arg8[%add3A_48, %dma_start3A_94] : memref<80x64xi32, #tpu.memory_space<vmem>> -> memref<1x64xi32, #tpu.memory_space<vmem>>
          %dma_start3A_96 = tpu.memref_squeeze %dma_start3A_95 : memref<1x64xi32, #tpu.memory_space<vmem>> -> memref<64xi32, #tpu.memory_space<vmem>>
          %dma_start3A_97 = arith.constant 0 : i32
          %dma_start3A_98 = arith.constant 0 : i32
          %dma_start3A_99 = tpu.memref_slice %arg10[%dma_start3A_97, %dma_start3A_98] : memref<10000x128xf32, #tpu.memory_space<vmem_shared>> -> memref<10000x128xf32, #tpu.memory_space<vmem_shared>>
          tpu.enqueue_indirect_dma source(%dma_start3A_93 : memref<64x128xf32, #tpu.memory_space<vmem>>) target(%dma_start3A_99 : memref<10000x128xf32, #tpu.memory_space<vmem_shared>>) offsets(%dma_start3A_96 : memref<64xi32, #tpu.memory_space<vmem>>) semaphore(%run_scoped3A_89 : memref<!tpu.dma_semaphore, #tpu.memory_space<semaphore_mem>>) {add = true}
          %dma_wait3A_100 = arith.constant 0 : i32
          %dma_wait3A_101 = arith.constant 0 : i32
          %dma_wait3A_102 = tpu.memref_slice %arg9[%run_scoped3A_88, %dma_wait3A_100, %dma_wait3A_101] : memref<2x64x128xf32, #tpu.memory_space<vmem>> -> memref<1x64x128xf32, #tpu.memory_space<vmem>>
          %dma_wait3A_103 = tpu.memref_squeeze %dma_wait3A_102 : memref<1x64x128xf32, #tpu.memory_space<vmem>> -> memref<64x128xf32, #tpu.memory_space<vmem>>
          %dma_wait3A_104 = arith.constant 0 : i32
          %dma_wait3A_105 = tpu.memref_slice %arg8[%add3A_48, %dma_wait3A_104] : memref<80x64xi32, #tpu.memory_space<vmem>> -> memref<1x64xi32, #tpu.memory_space<vmem>>
          %dma_wait3A_106 = tpu.memref_squeeze %dma_wait3A_105 : memref<1x64xi32, #tpu.memory_space<vmem>> -> memref<64xi32, #tpu.memory_space<vmem>>
          %dma_wait3A_107 = arith.constant 0 : i32
          %dma_wait3A_108 = arith.constant 0 : i32
          %dma_wait3A_109 = tpu.memref_slice %arg10[%dma_wait3A_107, %dma_wait3A_108] : memref<10000x128xf32, #tpu.memory_space<vmem_shared>> -> memref<10000x128xf32, #tpu.memory_space<vmem_shared>>
          tpu.wait_indirect_dma semaphore(%run_scoped3A_89 : memref<!tpu.dma_semaphore, #tpu.memory_space<semaphore_mem>>) src(%dma_wait3A_103 : memref<64x128xf32, #tpu.memory_space<vmem>>) dst(%dma_wait3A_109 : memref<10000x128xf32, #tpu.memory_space<vmem_shared>>)
          tpu.yield
        }) : () -> ()
      }
      %scan3A_43 = arith.constant 20 : i32
    } else {
    }
    %barrier3A_17 = arith.constant 0 : index
    tpu.barrier barrier_id(%barrier3A_17)
    %lt3A_18 = arith.constant 15 : i32
    %lt3A_19 = arith.cmpi slt, %arg1, %lt3A_18 : i32
    %convert_element_type3A_20 = arith.extui %lt3A_19 : i1 to i32
    %cond3A_21 = arith.constant 0 : i32
    %cond3A_22 = arith.cmpi ne, %convert_element_type3A_20, %cond3A_21 : i32
    scf.if %cond3A_22 {
      %mul3A_28 = arith.constant 624 : i32
      %mul3A_29 = arith.muli %arg1, %mul3A_28 : i32
      %mul3A_30 = arith.constant 624 : i32
      %mul3A_31 = arith.muli %arg1, %mul3A_30 : i32
      "tpu.region"() ({
        %run_scoped3A = tpu.sem_alloc : memref<!tpu.dma_semaphore, #tpu.memory_space<semaphore_mem>>
        %dma_start3A = arith.constant 0 : i32
        %dma_start3A_32 = tpu.memref_slice %arg6[%arg0, %mul3A_31, %dma_start3A] : memref<2x10000x128xf32, #tpu.memory_space<hbm>> -> memref<1x624x128xf32, #tpu.memory_space<hbm>>
        %dma_start3A_33 = tpu.memref_squeeze %dma_start3A_32 : memref<1x624x128xf32, #tpu.memory_space<hbm>> -> memref<624x128xf32, #tpu.memory_space<hbm>>
        %dma_start3A_34 = arith.constant 0 : i32
        %dma_start3A_35 = tpu.memref_slice %arg10[%mul3A_29, %dma_start3A_34] : memref<10000x128xf32, #tpu.memory_space<vmem_shared>> -> memref<624x128xf32, #tpu.memory_space<vmem_shared>>
        tpu.enqueue_dma source(%dma_start3A_35 : memref<624x128xf32, #tpu.memory_space<vmem_shared>>) target(%dma_start3A_33 : memref<624x128xf32, #tpu.memory_space<hbm>>) target_semaphore(%run_scoped3A : memref<!tpu.dma_semaphore, #tpu.memory_space<semaphore_mem>>)
        %dma_wait3A = arith.constant 0 : i32
        %dma_wait3A_36 = tpu.memref_slice %arg6[%arg0, %mul3A_31, %dma_wait3A] : memref<2x10000x128xf32, #tpu.memory_space<hbm>> -> memref<1x624x128xf32, #tpu.memory_space<hbm>>
        %dma_wait3A_37 = tpu.memref_squeeze %dma_wait3A_36 : memref<1x624x128xf32, #tpu.memory_space<hbm>> -> memref<624x128xf32, #tpu.memory_space<hbm>>
        %dma_wait3A_38 = arith.constant 0 : i32
        %dma_wait3A_39 = tpu.memref_slice %arg10[%mul3A_29, %dma_wait3A_38] : memref<10000x128xf32, #tpu.memory_space<vmem_shared>> -> memref<624x128xf32, #tpu.memory_space<vmem_shared>>
        tpu.wait_dma2 semaphore(%run_scoped3A : memref<!tpu.dma_semaphore, #tpu.memory_space<semaphore_mem>>) src(%dma_wait3A_39 : memref<624x128xf32, #tpu.memory_space<vmem_shared>>) dst(%dma_wait3A_37 : memref<624x128xf32, #tpu.memory_space<hbm>>)
        tpu.yield
      }) : () -> ()
    } else {
    }
    %eq3A_23 = arith.constant 15 : i32
    %eq3A_24 = arith.cmpi eq, %arg1, %eq3A_23 : i32
    %convert_element_type3A_25 = arith.extui %eq3A_24 : i1 to i32
    %cond3A_26 = arith.constant 0 : i32
    %cond3A_27 = arith.cmpi ne, %convert_element_type3A_25, %cond3A_26 : i32
    scf.if %cond3A_27 {
      "tpu.region"() ({
        %run_scoped3A = tpu.sem_alloc : memref<!tpu.dma_semaphore, #tpu.memory_space<semaphore_mem>>
        %dma_start3A = arith.constant 9360 : i32
        %dma_start3A_28 = arith.constant 0 : i32
        %dma_start3A_29 = tpu.memref_slice %arg6[%arg0, %dma_start3A, %dma_start3A_28] : memref<2x10000x128xf32, #tpu.memory_space<hbm>> -> memref<1x640x128xf32, #tpu.memory_space<hbm>>
        %dma_start3A_30 = tpu.memref_squeeze %dma_start3A_29 : memref<1x640x128xf32, #tpu.memory_space<hbm>> -> memref<640x128xf32, #tpu.memory_space<hbm>>
        %dma_start3A_31 = arith.constant 9360 : i32
        %dma_start3A_32 = arith.constant 0 : i32
        %dma_start3A_33 = tpu.memref_slice %arg10[%dma_start3A_31, %dma_start3A_32] : memref<10000x128xf32, #tpu.memory_space<vmem_shared>> -> memref<640x128xf32, #tpu.memory_space<vmem_shared>>
        tpu.enqueue_dma source(%dma_start3A_33 : memref<640x128xf32, #tpu.memory_space<vmem_shared>>) target(%dma_start3A_30 : memref<640x128xf32, #tpu.memory_space<hbm>>) target_semaphore(%run_scoped3A : memref<!tpu.dma_semaphore, #tpu.memory_space<semaphore_mem>>)
        %dma_wait3A = arith.constant 9360 : i32
        %dma_wait3A_34 = arith.constant 0 : i32
        %dma_wait3A_35 = tpu.memref_slice %arg6[%arg0, %dma_wait3A, %dma_wait3A_34] : memref<2x10000x128xf32, #tpu.memory_space<hbm>> -> memref<1x640x128xf32, #tpu.memory_space<hbm>>
        %dma_wait3A_36 = tpu.memref_squeeze %dma_wait3A_35 : memref<1x640x128xf32, #tpu.memory_space<hbm>> -> memref<640x128xf32, #tpu.memory_space<hbm>>
        %dma_wait3A_37 = arith.constant 9360 : i32
        %dma_wait3A_38 = arith.constant 0 : i32
        %dma_wait3A_39 = tpu.memref_slice %arg10[%dma_wait3A_37, %dma_wait3A_38] : memref<10000x128xf32, #tpu.memory_space<vmem_shared>> -> memref<640x128xf32, #tpu.memory_space<vmem_shared>>
        tpu.wait_dma2 semaphore(%run_scoped3A : memref<!tpu.dma_semaphore, #tpu.memory_space<semaphore_mem>>) src(%dma_wait3A_39 : memref<640x128xf32, #tpu.memory_space<vmem_shared>>) dst(%dma_wait3A_36 : memref<640x128xf32, #tpu.memory_space<hbm>>)
        tpu.yield
      }) : () -> ()
    } else {
    }
    return
  }
}

#map = affine_map<(d0, d1) -> (0, 0)>
#map1 = affine_map<(d0, d1) -> (0, 0, 0)>
module attributes {stable_mosaic.version = 14 : i64} {
  func.func @segsum1(%arg0: i32, %arg1: i32, %arg2: memref<10000x128xf32, #tpu.memory_space<hbm>>, %arg3: memref<5000x64xi32, #tpu.memory_space<hbm>>, %arg4: memref<5000x64xi32, #tpu.memory_space<hbm>>, %arg5: memref<10000x128xf32, #tpu.memory_space<hbm>>, %arg6: memref<2x10000x128xf32, #tpu.memory_space<hbm>>, %arg7: memref<80x64xi32, #tpu.memory_space<vmem>>, %arg8: memref<80x64xi32, #tpu.memory_space<vmem>>, %arg9: memref<2x64x128xf32, #tpu.memory_space<vmem>>, %arg10: memref<10000x128xf32, #tpu.memory_space<vmem_shared>>, %arg11: memref<!tpu.dma_semaphore, #tpu.memory_space<semaphore_mem>>, %arg12: memref<!tpu.dma_semaphore, #tpu.memory_space<semaphore_mem>>) attributes {dimension_semantics = [#tpu.dimension_semantics<core_parallel>, #tpu.dimension_semantics<subcore_parallel>], iteration_bounds = array<i64: 2, 16>, scalar_prefetch = 0 : i64, scratch_operands = 6 : i64, tpu.core_type = #tpu.core_type<sc_vector_subcore>, window_params = [{transform_indices = #map}, {transform_indices = #map}, {transform_indices = #map}, {transform_indices = #map}, {transform_indices = #map1}]} {
    %lt3A = arith.constant 15 : i32
    %lt3A_0 = arith.cmpi slt, %arg1, %lt3A : i32
    %convert_element_type3A = arith.extui %lt3A_0 : i1 to i32
    %cond3A = arith.constant 0 : i32
    %cond3A_1 = arith.cmpi ne, %convert_element_type3A, %cond3A : i32
    scf.if %cond3A_1 {
      %mul3A_28 = arith.constant 624 : i32
      %mul3A_29 = arith.muli %arg1, %mul3A_28 : i32
      %mul3A_30 = arith.constant 624 : i32
      %mul3A_31 = arith.muli %arg1, %mul3A_30 : i32
      "tpu.region"() ({
        %run_scoped3A = tpu.sem_alloc : memref<!tpu.dma_semaphore, #tpu.memory_space<semaphore_mem>>
        %dma_start3A = arith.constant 0 : i32
        %dma_start3A_32 = tpu.memref_slice %arg10[%mul3A_31, %dma_start3A] : memref<10000x128xf32, #tpu.memory_space<vmem_shared>> -> memref<624x128xf32, #tpu.memory_space<vmem_shared>>
        %dma_start3A_33 = arith.constant 0 : i32
        %dma_start3A_34 = tpu.memref_slice %arg5[%mul3A_29, %dma_start3A_33] : memref<10000x128xf32, #tpu.memory_space<hbm>> -> memref<624x128xf32, #tpu.memory_space<hbm>>
        tpu.enqueue_dma source(%dma_start3A_34 : memref<624x128xf32, #tpu.memory_space<hbm>>) target(%dma_start3A_32 : memref<624x128xf32, #tpu.memory_space<vmem_shared>>) target_semaphore(%run_scoped3A : memref<!tpu.dma_semaphore, #tpu.memory_space<semaphore_mem>>)
        %dma_wait3A = arith.constant 0 : i32
        %dma_wait3A_35 = tpu.memref_slice %arg10[%mul3A_31, %dma_wait3A] : memref<10000x128xf32, #tpu.memory_space<vmem_shared>> -> memref<624x128xf32, #tpu.memory_space<vmem_shared>>
        %dma_wait3A_36 = arith.constant 0 : i32
        %dma_wait3A_37 = tpu.memref_slice %arg5[%mul3A_29, %dma_wait3A_36] : memref<10000x128xf32, #tpu.memory_space<hbm>> -> memref<624x128xf32, #tpu.memory_space<hbm>>
        tpu.wait_dma2 semaphore(%run_scoped3A : memref<!tpu.dma_semaphore, #tpu.memory_space<semaphore_mem>>) src(%dma_wait3A_37 : memref<624x128xf32, #tpu.memory_space<hbm>>) dst(%dma_wait3A_35 : memref<624x128xf32, #tpu.memory_space<vmem_shared>>)
        tpu.yield
      }) : () -> ()
    } else {
    }
    %eq3A = arith.constant 15 : i32
    %eq3A_2 = arith.cmpi eq, %arg1, %eq3A : i32
    %convert_element_type3A_3 = arith.extui %eq3A_2 : i1 to i32
    %cond3A_4 = arith.constant 0 : i32
    %cond3A_5 = arith.cmpi ne, %convert_element_type3A_3, %cond3A_4 : i32
    scf.if %cond3A_5 {
      "tpu.region"() ({
        %run_scoped3A = tpu.sem_alloc : memref<!tpu.dma_semaphore, #tpu.memory_space<semaphore_mem>>
        %dma_start3A = arith.constant 9360 : i32
        %dma_start3A_28 = arith.constant 0 : i32
        %dma_start3A_29 = tpu.memref_slice %arg10[%dma_start3A, %dma_start3A_28] : memref<10000x128xf32, #tpu.memory_space<vmem_shared>> -> memref<640x128xf32, #tpu.memory_space<vmem_shared>>
        %dma_start3A_30 = arith.constant 9360 : i32
        %dma_start3A_31 = arith.constant 0 : i32
        %dma_start3A_32 = tpu.memref_slice %arg5[%dma_start3A_30, %dma_start3A_31] : memref<10000x128xf32, #tpu.memory_space<hbm>> -> memref<640x128xf32, #tpu.memory_space<hbm>>
        tpu.enqueue_dma source(%dma_start3A_32 : memref<640x128xf32, #tpu.memory_space<hbm>>) target(%dma_start3A_29 : memref<640x128xf32, #tpu.memory_space<vmem_shared>>) target_semaphore(%run_scoped3A : memref<!tpu.dma_semaphore, #tpu.memory_space<semaphore_mem>>)
        %dma_wait3A = arith.constant 9360 : i32
        %dma_wait3A_33 = arith.constant 0 : i32
        %dma_wait3A_34 = tpu.memref_slice %arg10[%dma_wait3A, %dma_wait3A_33] : memref<10000x128xf32, #tpu.memory_space<vmem_shared>> -> memref<640x128xf32, #tpu.memory_space<vmem_shared>>
        %dma_wait3A_35 = arith.constant 9360 : i32
        %dma_wait3A_36 = arith.constant 0 : i32
        %dma_wait3A_37 = tpu.memref_slice %arg5[%dma_wait3A_35, %dma_wait3A_36] : memref<10000x128xf32, #tpu.memory_space<hbm>> -> memref<640x128xf32, #tpu.memory_space<hbm>>
        tpu.wait_dma2 semaphore(%run_scoped3A : memref<!tpu.dma_semaphore, #tpu.memory_space<semaphore_mem>>) src(%dma_wait3A_37 : memref<640x128xf32, #tpu.memory_space<hbm>>) dst(%dma_wait3A_34 : memref<640x128xf32, #tpu.memory_space<vmem_shared>>)
        tpu.yield
      }) : () -> ()
    } else {
    }
    %barrier3A = arith.constant 0 : index
    tpu.barrier barrier_id(%barrier3A)
    %mul3A = arith.constant 16 : i32
    %mul3A_6 = arith.muli %arg0, %mul3A : i32
    %add3A = arith.addi %mul3A_6, %arg1 : i32
    %lt3A_7 = arith.constant 31 : i32
    %lt3A_8 = arith.cmpi slt, %add3A, %lt3A_7 : i32
    %convert_element_type3A_9 = arith.extui %lt3A_8 : i1 to i32
    %cond3A_10 = arith.constant 0 : i32
    %cond3A_11 = arith.cmpi ne, %convert_element_type3A_9, %cond3A_10 : i32
    scf.if %cond3A_11 {
      %mul3A_28 = arith.constant 160 : i32
      %mul3A_29 = arith.muli %add3A, %mul3A_28 : i32
      "tpu.region"() ({
        %run_scoped3A = tpu.sem_alloc : memref<!tpu.dma_semaphore, #tpu.memory_space<semaphore_mem>>
        %dma_start3A_68 = arith.constant 0 : i32
        %dma_start3A_69 = arith.constant 0 : i32
        %dma_start3A_70 = tpu.memref_slice %arg7[%dma_start3A_68, %dma_start3A_69] : memref<80x64xi32, #tpu.memory_space<vmem>> -> memref<80x64xi32, #tpu.memory_space<vmem>>
        %dma_start3A_71 = arith.constant 0 : i32
        %dma_start3A_72 = tpu.memref_slice %arg3[%mul3A_29, %dma_start3A_71] : memref<5000x64xi32, #tpu.memory_space<hbm>> -> memref<80x64xi32, #tpu.memory_space<hbm>>
        %dma_start3A_73 = arith.constant 0 : i32
        %dma_start3A_74 = arith.constant 0 : i32
        %dma_start3A_75 = tpu.memref_slice %arg7[%dma_start3A_73, %dma_start3A_74] : memref<80x64xi32, #tpu.memory_space<vmem>> -> memref<80x64xi32, #tpu.memory_space<vmem>>
        %dma_start3A_76 = arith.constant 0 : i32
        %dma_start3A_77 = tpu.memref_slice %arg3[%mul3A_29, %dma_start3A_76] : memref<5000x64xi32, #tpu.memory_space<hbm>> -> memref<80x64xi32, #tpu.memory_space<hbm>>
        tpu.enqueue_dma source(%dma_start3A_77 : memref<80x64xi32, #tpu.memory_space<hbm>>) target(%dma_start3A_75 : memref<80x64xi32, #tpu.memory_space<vmem>>) target_semaphore(%run_scoped3A : memref<!tpu.dma_semaphore, #tpu.memory_space<semaphore_mem>>)
        %dma_wait3A = arith.constant 0 : i32
        %dma_wait3A_78 = arith.constant 0 : i32
        %dma_wait3A_79 = tpu.memref_slice %arg7[%dma_wait3A, %dma_wait3A_78] : memref<80x64xi32, #tpu.memory_space<vmem>> -> memref<80x64xi32, #tpu.memory_space<vmem>>
        %dma_wait3A_80 = arith.constant 0 : i32
        %dma_wait3A_81 = tpu.memref_slice %arg3[%mul3A_29, %dma_wait3A_80] : memref<5000x64xi32, #tpu.memory_space<hbm>> -> memref<80x64xi32, #tpu.memory_space<hbm>>
        %dma_wait3A_82 = arith.constant 0 : i32
        %dma_wait3A_83 = arith.constant 0 : i32
        %dma_wait3A_84 = tpu.memref_slice %arg7[%dma_wait3A_82, %dma_wait3A_83] : memref<80x64xi32, #tpu.memory_space<vmem>> -> memref<80x64xi32, #tpu.memory_space<vmem>>
        %dma_wait3A_85 = arith.constant 0 : i32
        %dma_wait3A_86 = tpu.memref_slice %arg3[%mul3A_29, %dma_wait3A_85] : memref<5000x64xi32, #tpu.memory_space<hbm>> -> memref<80x64xi32, #tpu.memory_space<hbm>>
        tpu.wait_dma2 semaphore(%run_scoped3A : memref<!tpu.dma_semaphore, #tpu.memory_space<semaphore_mem>>) src(%dma_wait3A_86 : memref<80x64xi32, #tpu.memory_space<hbm>>) dst(%dma_wait3A_84 : memref<80x64xi32, #tpu.memory_space<vmem>>)
        tpu.yield
      }) : () -> ()
      "tpu.region"() ({
        %run_scoped3A = tpu.sem_alloc : memref<!tpu.dma_semaphore, #tpu.memory_space<semaphore_mem>>
        %dma_start3A_68 = arith.constant 0 : i32
        %dma_start3A_69 = arith.constant 0 : i32
        %dma_start3A_70 = tpu.memref_slice %arg8[%dma_start3A_68, %dma_start3A_69] : memref<80x64xi32, #tpu.memory_space<vmem>> -> memref<80x64xi32, #tpu.memory_space<vmem>>
        %dma_start3A_71 = arith.constant 0 : i32
        %dma_start3A_72 = tpu.memref_slice %arg4[%mul3A_29, %dma_start3A_71] : memref<5000x64xi32, #tpu.memory_space<hbm>> -> memref<80x64xi32, #tpu.memory_space<hbm>>
        %dma_start3A_73 = arith.constant 0 : i32
        %dma_start3A_74 = arith.constant 0 : i32
        %dma_start3A_75 = tpu.memref_slice %arg8[%dma_start3A_73, %dma_start3A_74] : memref<80x64xi32, #tpu.memory_space<vmem>> -> memref<80x64xi32, #tpu.memory_space<vmem>>
        %dma_start3A_76 = arith.constant 0 : i32
        %dma_start3A_77 = tpu.memref_slice %arg4[%mul3A_29, %dma_start3A_76] : memref<5000x64xi32, #tpu.memory_space<hbm>> -> memref<80x64xi32, #tpu.memory_space<hbm>>
        tpu.enqueue_dma source(%dma_start3A_77 : memref<80x64xi32, #tpu.memory_space<hbm>>) target(%dma_start3A_75 : memref<80x64xi32, #tpu.memory_space<vmem>>) target_semaphore(%run_scoped3A : memref<!tpu.dma_semaphore, #tpu.memory_space<semaphore_mem>>)
        %dma_wait3A = arith.constant 0 : i32
        %dma_wait3A_78 = arith.constant 0 : i32
        %dma_wait3A_79 = tpu.memref_slice %arg8[%dma_wait3A, %dma_wait3A_78] : memref<80x64xi32, #tpu.memory_space<vmem>> -> memref<80x64xi32, #tpu.memory_space<vmem>>
        %dma_wait3A_80 = arith.constant 0 : i32
        %dma_wait3A_81 = tpu.memref_slice %arg4[%mul3A_29, %dma_wait3A_80] : memref<5000x64xi32, #tpu.memory_space<hbm>> -> memref<80x64xi32, #tpu.memory_space<hbm>>
        %dma_wait3A_82 = arith.constant 0 : i32
        %dma_wait3A_83 = arith.constant 0 : i32
        %dma_wait3A_84 = tpu.memref_slice %arg8[%dma_wait3A_82, %dma_wait3A_83] : memref<80x64xi32, #tpu.memory_space<vmem>> -> memref<80x64xi32, #tpu.memory_space<vmem>>
        %dma_wait3A_85 = arith.constant 0 : i32
        %dma_wait3A_86 = tpu.memref_slice %arg4[%mul3A_29, %dma_wait3A_85] : memref<5000x64xi32, #tpu.memory_space<hbm>> -> memref<80x64xi32, #tpu.memory_space<hbm>>
        tpu.wait_dma2 semaphore(%run_scoped3A : memref<!tpu.dma_semaphore, #tpu.memory_space<semaphore_mem>>) src(%dma_wait3A_86 : memref<80x64xi32, #tpu.memory_space<hbm>>) dst(%dma_wait3A_84 : memref<80x64xi32, #tpu.memory_space<vmem>>)
        tpu.yield
      }) : () -> ()
      %dma_start3A = arith.constant 0 : i32
      %dma_start3A_30 = arith.constant 0 : i32
      %dma_start3A_31 = arith.constant 0 : i32
      %dma_start3A_32 = arith.constant 0 : i32
      %dma_start3A_33 = tpu.memref_slice %arg9[%dma_start3A_30, %dma_start3A_31, %dma_start3A_32] : memref<2x64x128xf32, #tpu.memory_space<vmem>> -> memref<1x64x128xf32, #tpu.memory_space<vmem>>
      %dma_start3A_34 = tpu.memref_squeeze %dma_start3A_33 : memref<1x64x128xf32, #tpu.memory_space<vmem>> -> memref<64x128xf32, #tpu.memory_space<vmem>>
      %dma_start3A_35 = arith.constant 0 : i32
      %dma_start3A_36 = tpu.memref_slice %arg7[%dma_start3A, %dma_start3A_35] : memref<80x64xi32, #tpu.memory_space<vmem>> -> memref<1x64xi32, #tpu.memory_space<vmem>>
      %dma_start3A_37 = tpu.memref_squeeze %dma_start3A_36 : memref<1x64xi32, #tpu.memory_space<vmem>> -> memref<64xi32, #tpu.memory_space<vmem>>
      %dma_start3A_38 = arith.constant 0 : i32
      %dma_start3A_39 = arith.constant 0 : i32
      %dma_start3A_40 = tpu.memref_slice %arg2[%dma_start3A_38, %dma_start3A_39] : memref<10000x128xf32, #tpu.memory_space<hbm>> -> memref<10000x128xf32, #tpu.memory_space<hbm>>
      tpu.enqueue_indirect_dma source(%dma_start3A_40 : memref<10000x128xf32, #tpu.memory_space<hbm>>) target(%dma_start3A_34 : memref<64x128xf32, #tpu.memory_space<vmem>>) offsets(%dma_start3A_37 : memref<64xi32, #tpu.memory_space<vmem>>) semaphore(%arg11 : memref<!tpu.dma_semaphore, #tpu.memory_space<semaphore_mem>>)
      %scan3A = arith.constant 0 : i32
      %scan3A_41 = arith.constant 0 : i32
      %scan3A_42 = arith.constant 40 : i32
      %scan3A_43 = arith.addi %scan3A_41, %scan3A_42 : i32
      %scan3A_44 = arith.constant 1 : i32
      scf.for %scan3A_68 = %scan3A_41 to %scan3A_43 step %scan3A_44  : i32 {
        %mul3A_69 = arith.constant 2 : i32
        %mul3A_70 = arith.muli %mul3A_69, %scan3A_68 : i32
        %add3A_71 = arith.constant 1 : i32
        %add3A_72 = arith.addi %mul3A_70, %add3A_71 : i32
        %dma_start3A_73 = arith.constant 1 : i32
        %dma_start3A_74 = arith.constant 0 : i32
        %dma_start3A_75 = arith.constant 0 : i32
        %dma_start3A_76 = tpu.memref_slice %arg9[%dma_start3A_73, %dma_start3A_74, %dma_start3A_75] : memref<2x64x128xf32, #tpu.memory_space<vmem>> -> memref<1x64x128xf32, #tpu.memory_space<vmem>>
        %dma_start3A_77 = tpu.memref_squeeze %dma_start3A_76 : memref<1x64x128xf32, #tpu.memory_space<vmem>> -> memref<64x128xf32, #tpu.memory_space<vmem>>
        %dma_start3A_78 = arith.constant 0 : i32
        %dma_start3A_79 = tpu.memref_slice %arg7[%add3A_72, %dma_start3A_78] : memref<80x64xi32, #tpu.memory_space<vmem>> -> memref<1x64xi32, #tpu.memory_space<vmem>>
        %dma_start3A_80 = tpu.memref_squeeze %dma_start3A_79 : memref<1x64xi32, #tpu.memory_space<vmem>> -> memref<64xi32, #tpu.memory_space<vmem>>
        %dma_start3A_81 = arith.constant 0 : i32
        %dma_start3A_82 = arith.constant 0 : i32
        %dma_start3A_83 = tpu.memref_slice %arg2[%dma_start3A_81, %dma_start3A_82] : memref<10000x128xf32, #tpu.memory_space<hbm>> -> memref<10000x128xf32, #tpu.memory_space<hbm>>
        tpu.enqueue_indirect_dma source(%dma_start3A_83 : memref<10000x128xf32, #tpu.memory_space<hbm>>) target(%dma_start3A_77 : memref<64x128xf32, #tpu.memory_space<vmem>>) offsets(%dma_start3A_80 : memref<64xi32, #tpu.memory_space<vmem>>) semaphore(%arg12 : memref<!tpu.dma_semaphore, #tpu.memory_space<semaphore_mem>>)
        %dma_wait3A = arith.constant 0 : i32
        %dma_wait3A_84 = arith.constant 0 : i32
        %dma_wait3A_85 = arith.constant 0 : i32
        %dma_wait3A_86 = tpu.memref_slice %arg9[%dma_wait3A, %dma_wait3A_84, %dma_wait3A_85] : memref<2x64x128xf32, #tpu.memory_space<vmem>> -> memref<1x64x128xf32, #tpu.memory_space<vmem>>
        %dma_wait3A_87 = tpu.memref_squeeze %dma_wait3A_86 : memref<1x64x128xf32, #tpu.memory_space<vmem>> -> memref<64x128xf32, #tpu.memory_space<vmem>>
        %dma_wait3A_88 = arith.constant 0 : i32
        %dma_wait3A_89 = tpu.memref_slice %arg7[%mul3A_70, %dma_wait3A_88] : memref<80x64xi32, #tpu.memory_space<vmem>> -> memref<1x64xi32, #tpu.memory_space<vmem>>
        %dma_wait3A_90 = tpu.memref_squeeze %dma_wait3A_89 : memref<1x64xi32, #tpu.memory_space<vmem>> -> memref<64xi32, #tpu.memory_space<vmem>>
        %dma_wait3A_91 = arith.constant 0 : i32
        %dma_wait3A_92 = arith.constant 0 : i32
        %dma_wait3A_93 = tpu.memref_slice %arg2[%dma_wait3A_91, %dma_wait3A_92] : memref<10000x128xf32, #tpu.memory_space<hbm>> -> memref<10000x128xf32, #tpu.memory_space<hbm>>
        tpu.wait_indirect_dma semaphore(%arg11 : memref<!tpu.dma_semaphore, #tpu.memory_space<semaphore_mem>>) src(%dma_wait3A_93 : memref<10000x128xf32, #tpu.memory_space<hbm>>) dst(%dma_wait3A_87 : memref<64x128xf32, #tpu.memory_space<vmem>>)
        %run_scoped3A = arith.constant 0 : i32
        "tpu.region"() ({
          %run_scoped3A_113 = tpu.sem_alloc : memref<!tpu.dma_semaphore, #tpu.memory_space<semaphore_mem>>
          %dma_start3A_114 = arith.constant 0 : i32
          %dma_start3A_115 = arith.constant 0 : i32
          %dma_start3A_116 = tpu.memref_slice %arg9[%run_scoped3A, %dma_start3A_114, %dma_start3A_115] : memref<2x64x128xf32, #tpu.memory_space<vmem>> -> memref<1x64x128xf32, #tpu.memory_space<vmem>>
          %dma_start3A_117 = tpu.memref_squeeze %dma_start3A_116 : memref<1x64x128xf32, #tpu.memory_space<vmem>> -> memref<64x128xf32, #tpu.memory_space<vmem>>
          %dma_start3A_118 = arith.constant 0 : i32
          %dma_start3A_119 = tpu.memref_slice %arg8[%mul3A_70, %dma_start3A_118] : memref<80x64xi32, #tpu.memory_space<vmem>> -> memref<1x64xi32, #tpu.memory_space<vmem>>
          %dma_start3A_120 = tpu.memref_squeeze %dma_start3A_119 : memref<1x64xi32, #tpu.memory_space<vmem>> -> memref<64xi32, #tpu.memory_space<vmem>>
          %dma_start3A_121 = arith.constant 0 : i32
          %dma_start3A_122 = arith.constant 0 : i32
          %dma_start3A_123 = tpu.memref_slice %arg10[%dma_start3A_121, %dma_start3A_122] : memref<10000x128xf32, #tpu.memory_space<vmem_shared>> -> memref<10000x128xf32, #tpu.memory_space<vmem_shared>>
          tpu.enqueue_indirect_dma source(%dma_start3A_117 : memref<64x128xf32, #tpu.memory_space<vmem>>) target(%dma_start3A_123 : memref<10000x128xf32, #tpu.memory_space<vmem_shared>>) offsets(%dma_start3A_120 : memref<64xi32, #tpu.memory_space<vmem>>) semaphore(%run_scoped3A_113 : memref<!tpu.dma_semaphore, #tpu.memory_space<semaphore_mem>>) {add = true}
          %dma_wait3A_124 = arith.constant 0 : i32
          %dma_wait3A_125 = arith.constant 0 : i32
          %dma_wait3A_126 = tpu.memref_slice %arg9[%run_scoped3A, %dma_wait3A_124, %dma_wait3A_125] : memref<2x64x128xf32, #tpu.memory_space<vmem>> -> memref<1x64x128xf32, #tpu.memory_space<vmem>>
          %dma_wait3A_127 = tpu.memref_squeeze %dma_wait3A_126 : memref<1x64x128xf32, #tpu.memory_space<vmem>> -> memref<64x128xf32, #tpu.memory_space<vmem>>
          %dma_wait3A_128 = arith.constant 0 : i32
          %dma_wait3A_129 = tpu.memref_slice %arg8[%mul3A_70, %dma_wait3A_128] : memref<80x64xi32, #tpu.memory_space<vmem>> -> memref<1x64xi32, #tpu.memory_space<vmem>>
          %dma_wait3A_130 = tpu.memref_squeeze %dma_wait3A_129 : memref<1x64xi32, #tpu.memory_space<vmem>> -> memref<64xi32, #tpu.memory_space<vmem>>
          %dma_wait3A_131 = arith.constant 0 : i32
          %dma_wait3A_132 = arith.constant 0 : i32
          %dma_wait3A_133 = tpu.memref_slice %arg10[%dma_wait3A_131, %dma_wait3A_132] : memref<10000x128xf32, #tpu.memory_space<vmem_shared>> -> memref<10000x128xf32, #tpu.memory_space<vmem_shared>>
          tpu.wait_indirect_dma semaphore(%run_scoped3A_113 : memref<!tpu.dma_semaphore, #tpu.memory_space<semaphore_mem>>) src(%dma_wait3A_127 : memref<64x128xf32, #tpu.memory_space<vmem>>) dst(%dma_wait3A_133 : memref<10000x128xf32, #tpu.memory_space<vmem_shared>>)
          tpu.yield
        }) : () -> ()
        %add3A_94 = arith.constant 1 : i32
        %add3A_95 = arith.addi %scan3A_68, %add3A_94 : i32
        %lt3A_96 = arith.constant 40 : i32
        %lt3A_97 = arith.cmpi slt, %add3A_95, %lt3A_96 : i32
        %convert_element_type3A_98 = arith.extui %lt3A_97 : i1 to i32
        %cond3A_99 = arith.constant 0 : i32
        %cond3A_100 = arith.cmpi ne, %convert_element_type3A_98, %cond3A_99 : i32
        scf.if %cond3A_100 {
          %add3A_113 = arith.constant 2 : i32
          %add3A_114 = arith.addi %mul3A_70, %add3A_113 : i32
          %dma_start3A_115 = arith.constant 0 : i32
          %dma_start3A_116 = arith.constant 0 : i32
          %dma_start3A_117 = arith.constant 0 : i32
          %dma_start3A_118 = tpu.memref_slice %arg9[%dma_start3A_115, %dma_start3A_116, %dma_start3A_117] : memref<2x64x128xf32, #tpu.memory_space<vmem>> -> memref<1x64x128xf32, #tpu.memory_space<vmem>>
          %dma_start3A_119 = tpu.memref_squeeze %dma_start3A_118 : memref<1x64x128xf32, #tpu.memory_space<vmem>> -> memref<64x128xf32, #tpu.memory_space<vmem>>
          %dma_start3A_120 = arith.constant 0 : i32
          %dma_start3A_121 = tpu.memref_slice %arg7[%add3A_114, %dma_start3A_120] : memref<80x64xi32, #tpu.memory_space<vmem>> -> memref<1x64xi32, #tpu.memory_space<vmem>>
          %dma_start3A_122 = tpu.memref_squeeze %dma_start3A_121 : memref<1x64xi32, #tpu.memory_space<vmem>> -> memref<64xi32, #tpu.memory_space<vmem>>
          %dma_start3A_123 = arith.constant 0 : i32
          %dma_start3A_124 = arith.constant 0 : i32
          %dma_start3A_125 = tpu.memref_slice %arg2[%dma_start3A_123, %dma_start3A_124] : memref<10000x128xf32, #tpu.memory_space<hbm>> -> memref<10000x128xf32, #tpu.memory_space<hbm>>
          tpu.enqueue_indirect_dma source(%dma_start3A_125 : memref<10000x128xf32, #tpu.memory_space<hbm>>) target(%dma_start3A_119 : memref<64x128xf32, #tpu.memory_space<vmem>>) offsets(%dma_start3A_122 : memref<64xi32, #tpu.memory_space<vmem>>) semaphore(%arg11 : memref<!tpu.dma_semaphore, #tpu.memory_space<semaphore_mem>>)
        } else {
        }
        %dma_wait3A_101 = arith.constant 1 : i32
        %dma_wait3A_102 = arith.constant 0 : i32
        %dma_wait3A_103 = arith.constant 0 : i32
        %dma_wait3A_104 = tpu.memref_slice %arg9[%dma_wait3A_101, %dma_wait3A_102, %dma_wait3A_103] : memref<2x64x128xf32, #tpu.memory_space<vmem>> -> memref<1x64x128xf32, #tpu.memory_space<vmem>>
        %dma_wait3A_105 = tpu.memref_squeeze %dma_wait3A_104 : memref<1x64x128xf32, #tpu.memory_space<vmem>> -> memref<64x128xf32, #tpu.memory_space<vmem>>
        %dma_wait3A_106 = arith.constant 0 : i32
        %dma_wait3A_107 = tpu.memref_slice %arg7[%add3A_72, %dma_wait3A_106] : memref<80x64xi32, #tpu.memory_space<vmem>> -> memref<1x64xi32, #tpu.memory_space<vmem>>
        %dma_wait3A_108 = tpu.memref_squeeze %dma_wait3A_107 : memref<1x64xi32, #tpu.memory_space<vmem>> -> memref<64xi32, #tpu.memory_space<vmem>>
        %dma_wait3A_109 = arith.constant 0 : i32
        %dma_wait3A_110 = arith.constant 0 : i32
        %dma_wait3A_111 = tpu.memref_slice %arg2[%dma_wait3A_109, %dma_wait3A_110] : memref<10000x128xf32, #tpu.memory_space<hbm>> -> memref<10000x128xf32, #tpu.memory_space<hbm>>
        tpu.wait_indirect_dma semaphore(%arg12 : memref<!tpu.dma_semaphore, #tpu.memory_space<semaphore_mem>>) src(%dma_wait3A_111 : memref<10000x128xf32, #tpu.memory_space<hbm>>) dst(%dma_wait3A_105 : memref<64x128xf32, #tpu.memory_space<vmem>>)
        %run_scoped3A_112 = arith.constant 1 : i32
        "tpu.region"() ({
          %run_scoped3A_113 = tpu.sem_alloc : memref<!tpu.dma_semaphore, #tpu.memory_space<semaphore_mem>>
          %dma_start3A_114 = arith.constant 0 : i32
          %dma_start3A_115 = arith.constant 0 : i32
          %dma_start3A_116 = tpu.memref_slice %arg9[%run_scoped3A_112, %dma_start3A_114, %dma_start3A_115] : memref<2x64x128xf32, #tpu.memory_space<vmem>> -> memref<1x64x128xf32, #tpu.memory_space<vmem>>
          %dma_start3A_117 = tpu.memref_squeeze %dma_start3A_116 : memref<1x64x128xf32, #tpu.memory_space<vmem>> -> memref<64x128xf32, #tpu.memory_space<vmem>>
          %dma_start3A_118 = arith.constant 0 : i32
          %dma_start3A_119 = tpu.memref_slice %arg8[%add3A_72, %dma_start3A_118] : memref<80x64xi32, #tpu.memory_space<vmem>> -> memref<1x64xi32, #tpu.memory_space<vmem>>
          %dma_start3A_120 = tpu.memref_squeeze %dma_start3A_119 : memref<1x64xi32, #tpu.memory_space<vmem>> -> memref<64xi32, #tpu.memory_space<vmem>>
          %dma_start3A_121 = arith.constant 0 : i32
          %dma_start3A_122 = arith.constant 0 : i32
          %dma_start3A_123 = tpu.memref_slice %arg10[%dma_start3A_121, %dma_start3A_122] : memref<10000x128xf32, #tpu.memory_space<vmem_shared>> -> memref<10000x128xf32, #tpu.memory_space<vmem_shared>>
          tpu.enqueue_indirect_dma source(%dma_start3A_117 : memref<64x128xf32, #tpu.memory_space<vmem>>) target(%dma_start3A_123 : memref<10000x128xf32, #tpu.memory_space<vmem_shared>>) offsets(%dma_start3A_120 : memref<64xi32, #tpu.memory_space<vmem>>) semaphore(%run_scoped3A_113 : memref<!tpu.dma_semaphore, #tpu.memory_space<semaphore_mem>>) {add = true}
          %dma_wait3A_124 = arith.constant 0 : i32
          %dma_wait3A_125 = arith.constant 0 : i32
          %dma_wait3A_126 = tpu.memref_slice %arg9[%run_scoped3A_112, %dma_wait3A_124, %dma_wait3A_125] : memref<2x64x128xf32, #tpu.memory_space<vmem>> -> memref<1x64x128xf32, #tpu.memory_space<vmem>>
          %dma_wait3A_127 = tpu.memref_squeeze %dma_wait3A_126 : memref<1x64x128xf32, #tpu.memory_space<vmem>> -> memref<64x128xf32, #tpu.memory_space<vmem>>
          %dma_wait3A_128 = arith.constant 0 : i32
          %dma_wait3A_129 = tpu.memref_slice %arg8[%add3A_72, %dma_wait3A_128] : memref<80x64xi32, #tpu.memory_space<vmem>> -> memref<1x64xi32, #tpu.memory_space<vmem>>
          %dma_wait3A_130 = tpu.memref_squeeze %dma_wait3A_129 : memref<1x64xi32, #tpu.memory_space<vmem>> -> memref<64xi32, #tpu.memory_space<vmem>>
          %dma_wait3A_131 = arith.constant 0 : i32
          %dma_wait3A_132 = arith.constant 0 : i32
          %dma_wait3A_133 = tpu.memref_slice %arg10[%dma_wait3A_131, %dma_wait3A_132] : memref<10000x128xf32, #tpu.memory_space<vmem_shared>> -> memref<10000x128xf32, #tpu.memory_space<vmem_shared>>
          tpu.wait_indirect_dma semaphore(%run_scoped3A_113 : memref<!tpu.dma_semaphore, #tpu.memory_space<semaphore_mem>>) src(%dma_wait3A_127 : memref<64x128xf32, #tpu.memory_space<vmem>>) dst(%dma_wait3A_133 : memref<10000x128xf32, #tpu.memory_space<vmem_shared>>)
          tpu.yield
        }) : () -> ()
      }
      %scan3A_45 = arith.constant 40 : i32
      %mul3A_46 = arith.constant 160 : i32
      %mul3A_47 = arith.muli %add3A, %mul3A_46 : i32
      %add3A_48 = arith.constant 80 : i32
      %add3A_49 = arith.addi %mul3A_47, %add3A_48 : i32
      "tpu.region"() ({
        %run_scoped3A = tpu.sem_alloc : memref<!tpu.dma_semaphore, #tpu.memory_space<semaphore_mem>>
        %dma_start3A_68 = arith.constant 0 : i32
        %dma_start3A_69 = arith.constant 0 : i32
        %dma_start3A_70 = tpu.memref_slice %arg7[%dma_start3A_68, %dma_start3A_69] : memref<80x64xi32, #tpu.memory_space<vmem>> -> memref<80x64xi32, #tpu.memory_space<vmem>>
        %dma_start3A_71 = arith.constant 0 : i32
        %dma_start3A_72 = tpu.memref_slice %arg3[%add3A_49, %dma_start3A_71] : memref<5000x64xi32, #tpu.memory_space<hbm>> -> memref<80x64xi32, #tpu.memory_space<hbm>>
        %dma_start3A_73 = arith.constant 0 : i32
        %dma_start3A_74 = arith.constant 0 : i32
        %dma_start3A_75 = tpu.memref_slice %arg7[%dma_start3A_73, %dma_start3A_74] : memref<80x64xi32, #tpu.memory_space<vmem>> -> memref<80x64xi32, #tpu.memory_space<vmem>>
        %dma_start3A_76 = arith.constant 0 : i32
        %dma_start3A_77 = tpu.memref_slice %arg3[%add3A_49, %dma_start3A_76] : memref<5000x64xi32, #tpu.memory_space<hbm>> -> memref<80x64xi32, #tpu.memory_space<hbm>>
        tpu.enqueue_dma source(%dma_start3A_77 : memref<80x64xi32, #tpu.memory_space<hbm>>) target(%dma_start3A_75 : memref<80x64xi32, #tpu.memory_space<vmem>>) target_semaphore(%run_scoped3A : memref<!tpu.dma_semaphore, #tpu.memory_space<semaphore_mem>>)
        %dma_wait3A = arith.constant 0 : i32
        %dma_wait3A_78 = arith.constant 0 : i32
        %dma_wait3A_79 = tpu.memref_slice %arg7[%dma_wait3A, %dma_wait3A_78] : memref<80x64xi32, #tpu.memory_space<vmem>> -> memref<80x64xi32, #tpu.memory_space<vmem>>
        %dma_wait3A_80 = arith.constant 0 : i32
        %dma_wait3A_81 = tpu.memref_slice %arg3[%add3A_49, %dma_wait3A_80] : memref<5000x64xi32, #tpu.memory_space<hbm>> -> memref<80x64xi32, #tpu.memory_space<hbm>>
        %dma_wait3A_82 = arith.constant 0 : i32
        %dma_wait3A_83 = arith.constant 0 : i32
        %dma_wait3A_84 = tpu.memref_slice %arg7[%dma_wait3A_82, %dma_wait3A_83] : memref<80x64xi32, #tpu.memory_space<vmem>> -> memref<80x64xi32, #tpu.memory_space<vmem>>
        %dma_wait3A_85 = arith.constant 0 : i32
        %dma_wait3A_86 = tpu.memref_slice %arg3[%add3A_49, %dma_wait3A_85] : memref<5000x64xi32, #tpu.memory_space<hbm>> -> memref<80x64xi32, #tpu.memory_space<hbm>>
        tpu.wait_dma2 semaphore(%run_scoped3A : memref<!tpu.dma_semaphore, #tpu.memory_space<semaphore_mem>>) src(%dma_wait3A_86 : memref<80x64xi32, #tpu.memory_space<hbm>>) dst(%dma_wait3A_84 : memref<80x64xi32, #tpu.memory_space<vmem>>)
        tpu.yield
      }) : () -> ()
      "tpu.region"() ({
        %run_scoped3A = tpu.sem_alloc : memref<!tpu.dma_semaphore, #tpu.memory_space<semaphore_mem>>
        %dma_start3A_68 = arith.constant 0 : i32
        %dma_start3A_69 = arith.constant 0 : i32
        %dma_start3A_70 = tpu.memref_slice %arg8[%dma_start3A_68, %dma_start3A_69] : memref<80x64xi32, #tpu.memory_space<vmem>> -> memref<80x64xi32, #tpu.memory_space<vmem>>
        %dma_start3A_71 = arith.constant 0 : i32
        %dma_start3A_72 = tpu.memref_slice %arg4[%add3A_49, %dma_start3A_71] : memref<5000x64xi32, #tpu.memory_space<hbm>> -> memref<80x64xi32, #tpu.memory_space<hbm>>
        %dma_start3A_73 = arith.constant 0 : i32
        %dma_start3A_74 = arith.constant 0 : i32
        %dma_start3A_75 = tpu.memref_slice %arg8[%dma_start3A_73, %dma_start3A_74] : memref<80x64xi32, #tpu.memory_space<vmem>> -> memref<80x64xi32, #tpu.memory_space<vmem>>
        %dma_start3A_76 = arith.constant 0 : i32
        %dma_start3A_77 = tpu.memref_slice %arg4[%add3A_49, %dma_start3A_76] : memref<5000x64xi32, #tpu.memory_space<hbm>> -> memref<80x64xi32, #tpu.memory_space<hbm>>
        tpu.enqueue_dma source(%dma_start3A_77 : memref<80x64xi32, #tpu.memory_space<hbm>>) target(%dma_start3A_75 : memref<80x64xi32, #tpu.memory_space<vmem>>) target_semaphore(%run_scoped3A : memref<!tpu.dma_semaphore, #tpu.memory_space<semaphore_mem>>)
        %dma_wait3A = arith.constant 0 : i32
        %dma_wait3A_78 = arith.constant 0 : i32
        %dma_wait3A_79 = tpu.memref_slice %arg8[%dma_wait3A, %dma_wait3A_78] : memref<80x64xi32, #tpu.memory_space<vmem>> -> memref<80x64xi32, #tpu.memory_space<vmem>>
        %dma_wait3A_80 = arith.constant 0 : i32
        %dma_wait3A_81 = tpu.memref_slice %arg4[%add3A_49, %dma_wait3A_80] : memref<5000x64xi32, #tpu.memory_space<hbm>> -> memref<80x64xi32, #tpu.memory_space<hbm>>
        %dma_wait3A_82 = arith.constant 0 : i32
        %dma_wait3A_83 = arith.constant 0 : i32
        %dma_wait3A_84 = tpu.memref_slice %arg8[%dma_wait3A_82, %dma_wait3A_83] : memref<80x64xi32, #tpu.memory_space<vmem>> -> memref<80x64xi32, #tpu.memory_space<vmem>>
        %dma_wait3A_85 = arith.constant 0 : i32
        %dma_wait3A_86 = tpu.memref_slice %arg4[%add3A_49, %dma_wait3A_85] : memref<5000x64xi32, #tpu.memory_space<hbm>> -> memref<80x64xi32, #tpu.memory_space<hbm>>
        tpu.wait_dma2 semaphore(%run_scoped3A : memref<!tpu.dma_semaphore, #tpu.memory_space<semaphore_mem>>) src(%dma_wait3A_86 : memref<80x64xi32, #tpu.memory_space<hbm>>) dst(%dma_wait3A_84 : memref<80x64xi32, #tpu.memory_space<vmem>>)
        tpu.yield
      }) : () -> ()
      %dma_start3A_50 = arith.constant 0 : i32
      %dma_start3A_51 = arith.constant 0 : i32
      %dma_start3A_52 = arith.constant 0 : i32
      %dma_start3A_53 = arith.constant 0 : i32
      %dma_start3A_54 = tpu.memref_slice %arg9[%dma_start3A_51, %dma_start3A_52, %dma_start3A_53] : memref<2x64x128xf32, #tpu.memory_space<vmem>> -> memref<1x64x128xf32, #tpu.memory_space<vmem>>
      %dma_start3A_55 = tpu.memref_squeeze %dma_start3A_54 : memref<1x64x128xf32, #tpu.memory_space<vmem>> -> memref<64x128xf32, #tpu.memory_space<vmem>>
      %dma_start3A_56 = arith.constant 0 : i32
      %dma_start3A_57 = tpu.memref_slice %arg7[%dma_start3A_50, %dma_start3A_56] : memref<80x64xi32, #tpu.memory_space<vmem>> -> memref<1x64xi32, #tpu.memory_space<vmem>>
      %dma_start3A_58 = tpu.memref_squeeze %dma_start3A_57 : memref<1x64xi32, #tpu.memory_space<vmem>> -> memref<64xi32, #tpu.memory_space<vmem>>
      %dma_start3A_59 = arith.constant 0 : i32
      %dma_start3A_60 = arith.constant 0 : i32
      %dma_start3A_61 = tpu.memref_slice %arg2[%dma_start3A_59, %dma_start3A_60] : memref<10000x128xf32, #tpu.memory_space<hbm>> -> memref<10000x128xf32, #tpu.memory_space<hbm>>
      tpu.enqueue_indirect_dma source(%dma_start3A_61 : memref<10000x128xf32, #tpu.memory_space<hbm>>) target(%dma_start3A_55 : memref<64x128xf32, #tpu.memory_space<vmem>>) offsets(%dma_start3A_58 : memref<64xi32, #tpu.memory_space<vmem>>) semaphore(%arg11 : memref<!tpu.dma_semaphore, #tpu.memory_space<semaphore_mem>>)
      %scan3A_62 = arith.constant 0 : i32
      %scan3A_63 = arith.constant 0 : i32
      %scan3A_64 = arith.constant 40 : i32
      %scan3A_65 = arith.addi %scan3A_63, %scan3A_64 : i32
      %scan3A_66 = arith.constant 1 : i32
      scf.for %scan3A_68 = %scan3A_63 to %scan3A_65 step %scan3A_66  : i32 {
        %mul3A_69 = arith.constant 2 : i32
        %mul3A_70 = arith.muli %mul3A_69, %scan3A_68 : i32
        %add3A_71 = arith.constant 1 : i32
        %add3A_72 = arith.addi %mul3A_70, %add3A_71 : i32
        %dma_start3A_73 = arith.constant 1 : i32
        %dma_start3A_74 = arith.constant 0 : i32
        %dma_start3A_75 = arith.constant 0 : i32
        %dma_start3A_76 = tpu.memref_slice %arg9[%dma_start3A_73, %dma_start3A_74, %dma_start3A_75] : memref<2x64x128xf32, #tpu.memory_space<vmem>> -> memref<1x64x128xf32, #tpu.memory_space<vmem>>
        %dma_start3A_77 = tpu.memref_squeeze %dma_start3A_76 : memref<1x64x128xf32, #tpu.memory_space<vmem>> -> memref<64x128xf32, #tpu.memory_space<vmem>>
        %dma_start3A_78 = arith.constant 0 : i32
        %dma_start3A_79 = tpu.memref_slice %arg7[%add3A_72, %dma_start3A_78] : memref<80x64xi32, #tpu.memory_space<vmem>> -> memref<1x64xi32, #tpu.memory_space<vmem>>
        %dma_start3A_80 = tpu.memref_squeeze %dma_start3A_79 : memref<1x64xi32, #tpu.memory_space<vmem>> -> memref<64xi32, #tpu.memory_space<vmem>>
        %dma_start3A_81 = arith.constant 0 : i32
        %dma_start3A_82 = arith.constant 0 : i32
        %dma_start3A_83 = tpu.memref_slice %arg2[%dma_start3A_81, %dma_start3A_82] : memref<10000x128xf32, #tpu.memory_space<hbm>> -> memref<10000x128xf32, #tpu.memory_space<hbm>>
        tpu.enqueue_indirect_dma source(%dma_start3A_83 : memref<10000x128xf32, #tpu.memory_space<hbm>>) target(%dma_start3A_77 : memref<64x128xf32, #tpu.memory_space<vmem>>) offsets(%dma_start3A_80 : memref<64xi32, #tpu.memory_space<vmem>>) semaphore(%arg12 : memref<!tpu.dma_semaphore, #tpu.memory_space<semaphore_mem>>)
        %dma_wait3A = arith.constant 0 : i32
        %dma_wait3A_84 = arith.constant 0 : i32
        %dma_wait3A_85 = arith.constant 0 : i32
        %dma_wait3A_86 = tpu.memref_slice %arg9[%dma_wait3A, %dma_wait3A_84, %dma_wait3A_85] : memref<2x64x128xf32, #tpu.memory_space<vmem>> -> memref<1x64x128xf32, #tpu.memory_space<vmem>>
        %dma_wait3A_87 = tpu.memref_squeeze %dma_wait3A_86 : memref<1x64x128xf32, #tpu.memory_space<vmem>> -> memref<64x128xf32, #tpu.memory_space<vmem>>
        %dma_wait3A_88 = arith.constant 0 : i32
        %dma_wait3A_89 = tpu.memref_slice %arg7[%mul3A_70, %dma_wait3A_88] : memref<80x64xi32, #tpu.memory_space<vmem>> -> memref<1x64xi32, #tpu.memory_space<vmem>>
        %dma_wait3A_90 = tpu.memref_squeeze %dma_wait3A_89 : memref<1x64xi32, #tpu.memory_space<vmem>> -> memref<64xi32, #tpu.memory_space<vmem>>
        %dma_wait3A_91 = arith.constant 0 : i32
        %dma_wait3A_92 = arith.constant 0 : i32
        %dma_wait3A_93 = tpu.memref_slice %arg2[%dma_wait3A_91, %dma_wait3A_92] : memref<10000x128xf32, #tpu.memory_space<hbm>> -> memref<10000x128xf32, #tpu.memory_space<hbm>>
        tpu.wait_indirect_dma semaphore(%arg11 : memref<!tpu.dma_semaphore, #tpu.memory_space<semaphore_mem>>) src(%dma_wait3A_93 : memref<10000x128xf32, #tpu.memory_space<hbm>>) dst(%dma_wait3A_87 : memref<64x128xf32, #tpu.memory_space<vmem>>)
        %run_scoped3A = arith.constant 0 : i32
        "tpu.region"() ({
          %run_scoped3A_113 = tpu.sem_alloc : memref<!tpu.dma_semaphore, #tpu.memory_space<semaphore_mem>>
          %dma_start3A_114 = arith.constant 0 : i32
          %dma_start3A_115 = arith.constant 0 : i32
          %dma_start3A_116 = tpu.memref_slice %arg9[%run_scoped3A, %dma_start3A_114, %dma_start3A_115] : memref<2x64x128xf32, #tpu.memory_space<vmem>> -> memref<1x64x128xf32, #tpu.memory_space<vmem>>
          %dma_start3A_117 = tpu.memref_squeeze %dma_start3A_116 : memref<1x64x128xf32, #tpu.memory_space<vmem>> -> memref<64x128xf32, #tpu.memory_space<vmem>>
          %dma_start3A_118 = arith.constant 0 : i32
          %dma_start3A_119 = tpu.memref_slice %arg8[%mul3A_70, %dma_start3A_118] : memref<80x64xi32, #tpu.memory_space<vmem>> -> memref<1x64xi32, #tpu.memory_space<vmem>>
          %dma_start3A_120 = tpu.memref_squeeze %dma_start3A_119 : memref<1x64xi32, #tpu.memory_space<vmem>> -> memref<64xi32, #tpu.memory_space<vmem>>
          %dma_start3A_121 = arith.constant 0 : i32
          %dma_start3A_122 = arith.constant 0 : i32
          %dma_start3A_123 = tpu.memref_slice %arg10[%dma_start3A_121, %dma_start3A_122] : memref<10000x128xf32, #tpu.memory_space<vmem_shared>> -> memref<10000x128xf32, #tpu.memory_space<vmem_shared>>
          tpu.enqueue_indirect_dma source(%dma_start3A_117 : memref<64x128xf32, #tpu.memory_space<vmem>>) target(%dma_start3A_123 : memref<10000x128xf32, #tpu.memory_space<vmem_shared>>) offsets(%dma_start3A_120 : memref<64xi32, #tpu.memory_space<vmem>>) semaphore(%run_scoped3A_113 : memref<!tpu.dma_semaphore, #tpu.memory_space<semaphore_mem>>) {add = true}
          %dma_wait3A_124 = arith.constant 0 : i32
          %dma_wait3A_125 = arith.constant 0 : i32
          %dma_wait3A_126 = tpu.memref_slice %arg9[%run_scoped3A, %dma_wait3A_124, %dma_wait3A_125] : memref<2x64x128xf32, #tpu.memory_space<vmem>> -> memref<1x64x128xf32, #tpu.memory_space<vmem>>
          %dma_wait3A_127 = tpu.memref_squeeze %dma_wait3A_126 : memref<1x64x128xf32, #tpu.memory_space<vmem>> -> memref<64x128xf32, #tpu.memory_space<vmem>>
          %dma_wait3A_128 = arith.constant 0 : i32
          %dma_wait3A_129 = tpu.memref_slice %arg8[%mul3A_70, %dma_wait3A_128] : memref<80x64xi32, #tpu.memory_space<vmem>> -> memref<1x64xi32, #tpu.memory_space<vmem>>
          %dma_wait3A_130 = tpu.memref_squeeze %dma_wait3A_129 : memref<1x64xi32, #tpu.memory_space<vmem>> -> memref<64xi32, #tpu.memory_space<vmem>>
          %dma_wait3A_131 = arith.constant 0 : i32
          %dma_wait3A_132 = arith.constant 0 : i32
          %dma_wait3A_133 = tpu.memref_slice %arg10[%dma_wait3A_131, %dma_wait3A_132] : memref<10000x128xf32, #tpu.memory_space<vmem_shared>> -> memref<10000x128xf32, #tpu.memory_space<vmem_shared>>
          tpu.wait_indirect_dma semaphore(%run_scoped3A_113 : memref<!tpu.dma_semaphore, #tpu.memory_space<semaphore_mem>>) src(%dma_wait3A_127 : memref<64x128xf32, #tpu.memory_space<vmem>>) dst(%dma_wait3A_133 : memref<10000x128xf32, #tpu.memory_space<vmem_shared>>)
          tpu.yield
        }) : () -> ()
        %add3A_94 = arith.constant 1 : i32
        %add3A_95 = arith.addi %scan3A_68, %add3A_94 : i32
        %lt3A_96 = arith.constant 40 : i32
        %lt3A_97 = arith.cmpi slt, %add3A_95, %lt3A_96 : i32
        %convert_element_type3A_98 = arith.extui %lt3A_97 : i1 to i32
        %cond3A_99 = arith.constant 0 : i32
        %cond3A_100 = arith.cmpi ne, %convert_element_type3A_98, %cond3A_99 : i32
        scf.if %cond3A_100 {
          %add3A_113 = arith.constant 2 : i32
          %add3A_114 = arith.addi %mul3A_70, %add3A_113 : i32
          %dma_start3A_115 = arith.constant 0 : i32
          %dma_start3A_116 = arith.constant 0 : i32
          %dma_start3A_117 = arith.constant 0 : i32
          %dma_start3A_118 = tpu.memref_slice %arg9[%dma_start3A_115, %dma_start3A_116, %dma_start3A_117] : memref<2x64x128xf32, #tpu.memory_space<vmem>> -> memref<1x64x128xf32, #tpu.memory_space<vmem>>
          %dma_start3A_119 = tpu.memref_squeeze %dma_start3A_118 : memref<1x64x128xf32, #tpu.memory_space<vmem>> -> memref<64x128xf32, #tpu.memory_space<vmem>>
          %dma_start3A_120 = arith.constant 0 : i32
          %dma_start3A_121 = tpu.memref_slice %arg7[%add3A_114, %dma_start3A_120] : memref<80x64xi32, #tpu.memory_space<vmem>> -> memref<1x64xi32, #tpu.memory_space<vmem>>
          %dma_start3A_122 = tpu.memref_squeeze %dma_start3A_121 : memref<1x64xi32, #tpu.memory_space<vmem>> -> memref<64xi32, #tpu.memory_space<vmem>>
          %dma_start3A_123 = arith.constant 0 : i32
          %dma_start3A_124 = arith.constant 0 : i32
          %dma_start3A_125 = tpu.memref_slice %arg2[%dma_start3A_123, %dma_start3A_124] : memref<10000x128xf32, #tpu.memory_space<hbm>> -> memref<10000x128xf32, #tpu.memory_space<hbm>>
          tpu.enqueue_indirect_dma source(%dma_start3A_125 : memref<10000x128xf32, #tpu.memory_space<hbm>>) target(%dma_start3A_119 : memref<64x128xf32, #tpu.memory_space<vmem>>) offsets(%dma_start3A_122 : memref<64xi32, #tpu.memory_space<vmem>>) semaphore(%arg11 : memref<!tpu.dma_semaphore, #tpu.memory_space<semaphore_mem>>)
        } else {
        }
        %dma_wait3A_101 = arith.constant 1 : i32
        %dma_wait3A_102 = arith.constant 0 : i32
        %dma_wait3A_103 = arith.constant 0 : i32
        %dma_wait3A_104 = tpu.memref_slice %arg9[%dma_wait3A_101, %dma_wait3A_102, %dma_wait3A_103] : memref<2x64x128xf32, #tpu.memory_space<vmem>> -> memref<1x64x128xf32, #tpu.memory_space<vmem>>
        %dma_wait3A_105 = tpu.memref_squeeze %dma_wait3A_104 : memref<1x64x128xf32, #tpu.memory_space<vmem>> -> memref<64x128xf32, #tpu.memory_space<vmem>>
        %dma_wait3A_106 = arith.constant 0 : i32
        %dma_wait3A_107 = tpu.memref_slice %arg7[%add3A_72, %dma_wait3A_106] : memref<80x64xi32, #tpu.memory_space<vmem>> -> memref<1x64xi32, #tpu.memory_space<vmem>>
        %dma_wait3A_108 = tpu.memref_squeeze %dma_wait3A_107 : memref<1x64xi32, #tpu.memory_space<vmem>> -> memref<64xi32, #tpu.memory_space<vmem>>
        %dma_wait3A_109 = arith.constant 0 : i32
        %dma_wait3A_110 = arith.constant 0 : i32
        %dma_wait3A_111 = tpu.memref_slice %arg2[%dma_wait3A_109, %dma_wait3A_110] : memref<10000x128xf32, #tpu.memory_space<hbm>> -> memref<10000x128xf32, #tpu.memory_space<hbm>>
        tpu.wait_indirect_dma semaphore(%arg12 : memref<!tpu.dma_semaphore, #tpu.memory_space<semaphore_mem>>) src(%dma_wait3A_111 : memref<10000x128xf32, #tpu.memory_space<hbm>>) dst(%dma_wait3A_105 : memref<64x128xf32, #tpu.memory_space<vmem>>)
        %run_scoped3A_112 = arith.constant 1 : i32
        "tpu.region"() ({
          %run_scoped3A_113 = tpu.sem_alloc : memref<!tpu.dma_semaphore, #tpu.memory_space<semaphore_mem>>
          %dma_start3A_114 = arith.constant 0 : i32
          %dma_start3A_115 = arith.constant 0 : i32
          %dma_start3A_116 = tpu.memref_slice %arg9[%run_scoped3A_112, %dma_start3A_114, %dma_start3A_115] : memref<2x64x128xf32, #tpu.memory_space<vmem>> -> memref<1x64x128xf32, #tpu.memory_space<vmem>>
          %dma_start3A_117 = tpu.memref_squeeze %dma_start3A_116 : memref<1x64x128xf32, #tpu.memory_space<vmem>> -> memref<64x128xf32, #tpu.memory_space<vmem>>
          %dma_start3A_118 = arith.constant 0 : i32
          %dma_start3A_119 = tpu.memref_slice %arg8[%add3A_72, %dma_start3A_118] : memref<80x64xi32, #tpu.memory_space<vmem>> -> memref<1x64xi32, #tpu.memory_space<vmem>>
          %dma_start3A_120 = tpu.memref_squeeze %dma_start3A_119 : memref<1x64xi32, #tpu.memory_space<vmem>> -> memref<64xi32, #tpu.memory_space<vmem>>
          %dma_start3A_121 = arith.constant 0 : i32
          %dma_start3A_122 = arith.constant 0 : i32
          %dma_start3A_123 = tpu.memref_slice %arg10[%dma_start3A_121, %dma_start3A_122] : memref<10000x128xf32, #tpu.memory_space<vmem_shared>> -> memref<10000x128xf32, #tpu.memory_space<vmem_shared>>
          tpu.enqueue_indirect_dma source(%dma_start3A_117 : memref<64x128xf32, #tpu.memory_space<vmem>>) target(%dma_start3A_123 : memref<10000x128xf32, #tpu.memory_space<vmem_shared>>) offsets(%dma_start3A_120 : memref<64xi32, #tpu.memory_space<vmem>>) semaphore(%run_scoped3A_113 : memref<!tpu.dma_semaphore, #tpu.memory_space<semaphore_mem>>) {add = true}
          %dma_wait3A_124 = arith.constant 0 : i32
          %dma_wait3A_125 = arith.constant 0 : i32
          %dma_wait3A_126 = tpu.memref_slice %arg9[%run_scoped3A_112, %dma_wait3A_124, %dma_wait3A_125] : memref<2x64x128xf32, #tpu.memory_space<vmem>> -> memref<1x64x128xf32, #tpu.memory_space<vmem>>
          %dma_wait3A_127 = tpu.memref_squeeze %dma_wait3A_126 : memref<1x64x128xf32, #tpu.memory_space<vmem>> -> memref<64x128xf32, #tpu.memory_space<vmem>>
          %dma_wait3A_128 = arith.constant 0 : i32
          %dma_wait3A_129 = tpu.memref_slice %arg8[%add3A_72, %dma_wait3A_128] : memref<80x64xi32, #tpu.memory_space<vmem>> -> memref<1x64xi32, #tpu.memory_space<vmem>>
          %dma_wait3A_130 = tpu.memref_squeeze %dma_wait3A_129 : memref<1x64xi32, #tpu.memory_space<vmem>> -> memref<64xi32, #tpu.memory_space<vmem>>
          %dma_wait3A_131 = arith.constant 0 : i32
          %dma_wait3A_132 = arith.constant 0 : i32
          %dma_wait3A_133 = tpu.memref_slice %arg10[%dma_wait3A_131, %dma_wait3A_132] : memref<10000x128xf32, #tpu.memory_space<vmem_shared>> -> memref<10000x128xf32, #tpu.memory_space<vmem_shared>>
          tpu.wait_indirect_dma semaphore(%run_scoped3A_113 : memref<!tpu.dma_semaphore, #tpu.memory_space<semaphore_mem>>) src(%dma_wait3A_127 : memref<64x128xf32, #tpu.memory_space<vmem>>) dst(%dma_wait3A_133 : memref<10000x128xf32, #tpu.memory_space<vmem_shared>>)
          tpu.yield
        }) : () -> ()
      }
      %scan3A_67 = arith.constant 40 : i32
    } else {
    }
    %eq3A_12 = arith.constant 31 : i32
    %eq3A_13 = arith.cmpi eq, %add3A, %eq3A_12 : i32
    %convert_element_type3A_14 = arith.extui %eq3A_13 : i1 to i32
    %cond3A_15 = arith.constant 0 : i32
    %cond3A_16 = arith.cmpi ne, %convert_element_type3A_14, %cond3A_15 : i32
    scf.if %cond3A_16 {
      "tpu.region"() ({
        %run_scoped3A = tpu.sem_alloc : memref<!tpu.dma_semaphore, #tpu.memory_space<semaphore_mem>>
        %dma_start3A_44 = arith.constant 0 : i32
        %dma_start3A_45 = arith.constant 0 : i32
        %dma_start3A_46 = tpu.memref_slice %arg7[%dma_start3A_44, %dma_start3A_45] : memref<80x64xi32, #tpu.memory_space<vmem>> -> memref<40x64xi32, #tpu.memory_space<vmem>>
        %dma_start3A_47 = arith.constant 4960 : i32
        %dma_start3A_48 = arith.constant 0 : i32
        %dma_start3A_49 = tpu.memref_slice %arg3[%dma_start3A_47, %dma_start3A_48] : memref<5000x64xi32, #tpu.memory_space<hbm>> -> memref<40x64xi32, #tpu.memory_space<hbm>>
        %dma_start3A_50 = arith.constant 0 : i32
        %dma_start3A_51 = arith.constant 0 : i32
        %dma_start3A_52 = tpu.memref_slice %arg7[%dma_start3A_50, %dma_start3A_51] : memref<80x64xi32, #tpu.memory_space<vmem>> -> memref<40x64xi32, #tpu.memory_space<vmem>>
        %dma_start3A_53 = arith.constant 4960 : i32
        %dma_start3A_54 = arith.constant 0 : i32
        %dma_start3A_55 = tpu.memref_slice %arg3[%dma_start3A_53, %dma_start3A_54] : memref<5000x64xi32, #tpu.memory_space<hbm>> -> memref<40x64xi32, #tpu.memory_space<hbm>>
        tpu.enqueue_dma source(%dma_start3A_55 : memref<40x64xi32, #tpu.memory_space<hbm>>) target(%dma_start3A_52 : memref<40x64xi32, #tpu.memory_space<vmem>>) target_semaphore(%run_scoped3A : memref<!tpu.dma_semaphore, #tpu.memory_space<semaphore_mem>>)
        %dma_wait3A = arith.constant 0 : i32
        %dma_wait3A_56 = arith.constant 0 : i32
        %dma_wait3A_57 = tpu.memref_slice %arg7[%dma_wait3A, %dma_wait3A_56] : memref<80x64xi32, #tpu.memory_space<vmem>> -> memref<40x64xi32, #tpu.memory_space<vmem>>
        %dma_wait3A_58 = arith.constant 4960 : i32
        %dma_wait3A_59 = arith.constant 0 : i32
        %dma_wait3A_60 = tpu.memref_slice %arg3[%dma_wait3A_58, %dma_wait3A_59] : memref<5000x64xi32, #tpu.memory_space<hbm>> -> memref<40x64xi32, #tpu.memory_space<hbm>>
        %dma_wait3A_61 = arith.constant 0 : i32
        %dma_wait3A_62 = arith.constant 0 : i32
        %dma_wait3A_63 = tpu.memref_slice %arg7[%dma_wait3A_61, %dma_wait3A_62] : memref<80x64xi32, #tpu.memory_space<vmem>> -> memref<40x64xi32, #tpu.memory_space<vmem>>
        %dma_wait3A_64 = arith.constant 4960 : i32
        %dma_wait3A_65 = arith.constant 0 : i32
        %dma_wait3A_66 = tpu.memref_slice %arg3[%dma_wait3A_64, %dma_wait3A_65] : memref<5000x64xi32, #tpu.memory_space<hbm>> -> memref<40x64xi32, #tpu.memory_space<hbm>>
        tpu.wait_dma2 semaphore(%run_scoped3A : memref<!tpu.dma_semaphore, #tpu.memory_space<semaphore_mem>>) src(%dma_wait3A_66 : memref<40x64xi32, #tpu.memory_space<hbm>>) dst(%dma_wait3A_63 : memref<40x64xi32, #tpu.memory_space<vmem>>)
        tpu.yield
      }) : () -> ()
      "tpu.region"() ({
        %run_scoped3A = tpu.sem_alloc : memref<!tpu.dma_semaphore, #tpu.memory_space<semaphore_mem>>
        %dma_start3A_44 = arith.constant 0 : i32
        %dma_start3A_45 = arith.constant 0 : i32
        %dma_start3A_46 = tpu.memref_slice %arg8[%dma_start3A_44, %dma_start3A_45] : memref<80x64xi32, #tpu.memory_space<vmem>> -> memref<40x64xi32, #tpu.memory_space<vmem>>
        %dma_start3A_47 = arith.constant 4960 : i32
        %dma_start3A_48 = arith.constant 0 : i32
        %dma_start3A_49 = tpu.memref_slice %arg4[%dma_start3A_47, %dma_start3A_48] : memref<5000x64xi32, #tpu.memory_space<hbm>> -> memref<40x64xi32, #tpu.memory_space<hbm>>
        %dma_start3A_50 = arith.constant 0 : i32
        %dma_start3A_51 = arith.constant 0 : i32
        %dma_start3A_52 = tpu.memref_slice %arg8[%dma_start3A_50, %dma_start3A_51] : memref<80x64xi32, #tpu.memory_space<vmem>> -> memref<40x64xi32, #tpu.memory_space<vmem>>
        %dma_start3A_53 = arith.constant 4960 : i32
        %dma_start3A_54 = arith.constant 0 : i32
        %dma_start3A_55 = tpu.memref_slice %arg4[%dma_start3A_53, %dma_start3A_54] : memref<5000x64xi32, #tpu.memory_space<hbm>> -> memref<40x64xi32, #tpu.memory_space<hbm>>
        tpu.enqueue_dma source(%dma_start3A_55 : memref<40x64xi32, #tpu.memory_space<hbm>>) target(%dma_start3A_52 : memref<40x64xi32, #tpu.memory_space<vmem>>) target_semaphore(%run_scoped3A : memref<!tpu.dma_semaphore, #tpu.memory_space<semaphore_mem>>)
        %dma_wait3A = arith.constant 0 : i32
        %dma_wait3A_56 = arith.constant 0 : i32
        %dma_wait3A_57 = tpu.memref_slice %arg8[%dma_wait3A, %dma_wait3A_56] : memref<80x64xi32, #tpu.memory_space<vmem>> -> memref<40x64xi32, #tpu.memory_space<vmem>>
        %dma_wait3A_58 = arith.constant 4960 : i32
        %dma_wait3A_59 = arith.constant 0 : i32
        %dma_wait3A_60 = tpu.memref_slice %arg4[%dma_wait3A_58, %dma_wait3A_59] : memref<5000x64xi32, #tpu.memory_space<hbm>> -> memref<40x64xi32, #tpu.memory_space<hbm>>
        %dma_wait3A_61 = arith.constant 0 : i32
        %dma_wait3A_62 = arith.constant 0 : i32
        %dma_wait3A_63 = tpu.memref_slice %arg8[%dma_wait3A_61, %dma_wait3A_62] : memref<80x64xi32, #tpu.memory_space<vmem>> -> memref<40x64xi32, #tpu.memory_space<vmem>>
        %dma_wait3A_64 = arith.constant 4960 : i32
        %dma_wait3A_65 = arith.constant 0 : i32
        %dma_wait3A_66 = tpu.memref_slice %arg4[%dma_wait3A_64, %dma_wait3A_65] : memref<5000x64xi32, #tpu.memory_space<hbm>> -> memref<40x64xi32, #tpu.memory_space<hbm>>
        tpu.wait_dma2 semaphore(%run_scoped3A : memref<!tpu.dma_semaphore, #tpu.memory_space<semaphore_mem>>) src(%dma_wait3A_66 : memref<40x64xi32, #tpu.memory_space<hbm>>) dst(%dma_wait3A_63 : memref<40x64xi32, #tpu.memory_space<vmem>>)
        tpu.yield
      }) : () -> ()
      %dma_start3A = arith.constant 0 : i32
      %dma_start3A_28 = arith.constant 0 : i32
      %dma_start3A_29 = arith.constant 0 : i32
      %dma_start3A_30 = arith.constant 0 : i32
      %dma_start3A_31 = tpu.memref_slice %arg9[%dma_start3A_28, %dma_start3A_29, %dma_start3A_30] : memref<2x64x128xf32, #tpu.memory_space<vmem>> -> memref<1x64x128xf32, #tpu.memory_space<vmem>>
      %dma_start3A_32 = tpu.memref_squeeze %dma_start3A_31 : memref<1x64x128xf32, #tpu.memory_space<vmem>> -> memref<64x128xf32, #tpu.memory_space<vmem>>
      %dma_start3A_33 = arith.constant 0 : i32
      %dma_start3A_34 = tpu.memref_slice %arg7[%dma_start3A, %dma_start3A_33] : memref<80x64xi32, #tpu.memory_space<vmem>> -> memref<1x64xi32, #tpu.memory_space<vmem>>
      %dma_start3A_35 = tpu.memref_squeeze %dma_start3A_34 : memref<1x64xi32, #tpu.memory_space<vmem>> -> memref<64xi32, #tpu.memory_space<vmem>>
      %dma_start3A_36 = arith.constant 0 : i32
      %dma_start3A_37 = arith.constant 0 : i32
      %dma_start3A_38 = tpu.memref_slice %arg2[%dma_start3A_36, %dma_start3A_37] : memref<10000x128xf32, #tpu.memory_space<hbm>> -> memref<10000x128xf32, #tpu.memory_space<hbm>>
      tpu.enqueue_indirect_dma source(%dma_start3A_38 : memref<10000x128xf32, #tpu.memory_space<hbm>>) target(%dma_start3A_32 : memref<64x128xf32, #tpu.memory_space<vmem>>) offsets(%dma_start3A_35 : memref<64xi32, #tpu.memory_space<vmem>>) semaphore(%arg11 : memref<!tpu.dma_semaphore, #tpu.memory_space<semaphore_mem>>)
      %scan3A = arith.constant 0 : i32
      %scan3A_39 = arith.constant 0 : i32
      %scan3A_40 = arith.constant 20 : i32
      %scan3A_41 = arith.addi %scan3A_39, %scan3A_40 : i32
      %scan3A_42 = arith.constant 1 : i32
      scf.for %scan3A_44 = %scan3A_39 to %scan3A_41 step %scan3A_42  : i32 {
        %mul3A_45 = arith.constant 2 : i32
        %mul3A_46 = arith.muli %mul3A_45, %scan3A_44 : i32
        %add3A_47 = arith.constant 1 : i32
        %add3A_48 = arith.addi %mul3A_46, %add3A_47 : i32
        %dma_start3A_49 = arith.constant 1 : i32
        %dma_start3A_50 = arith.constant 0 : i32
        %dma_start3A_51 = arith.constant 0 : i32
        %dma_start3A_52 = tpu.memref_slice %arg9[%dma_start3A_49, %dma_start3A_50, %dma_start3A_51] : memref<2x64x128xf32, #tpu.memory_space<vmem>> -> memref<1x64x128xf32, #tpu.memory_space<vmem>>
        %dma_start3A_53 = tpu.memref_squeeze %dma_start3A_52 : memref<1x64x128xf32, #tpu.memory_space<vmem>> -> memref<64x128xf32, #tpu.memory_space<vmem>>
        %dma_start3A_54 = arith.constant 0 : i32
        %dma_start3A_55 = tpu.memref_slice %arg7[%add3A_48, %dma_start3A_54] : memref<80x64xi32, #tpu.memory_space<vmem>> -> memref<1x64xi32, #tpu.memory_space<vmem>>
        %dma_start3A_56 = tpu.memref_squeeze %dma_start3A_55 : memref<1x64xi32, #tpu.memory_space<vmem>> -> memref<64xi32, #tpu.memory_space<vmem>>
        %dma_start3A_57 = arith.constant 0 : i32
        %dma_start3A_58 = arith.constant 0 : i32
        %dma_start3A_59 = tpu.memref_slice %arg2[%dma_start3A_57, %dma_start3A_58] : memref<10000x128xf32, #tpu.memory_space<hbm>> -> memref<10000x128xf32, #tpu.memory_space<hbm>>
        tpu.enqueue_indirect_dma source(%dma_start3A_59 : memref<10000x128xf32, #tpu.memory_space<hbm>>) target(%dma_start3A_53 : memref<64x128xf32, #tpu.memory_space<vmem>>) offsets(%dma_start3A_56 : memref<64xi32, #tpu.memory_space<vmem>>) semaphore(%arg12 : memref<!tpu.dma_semaphore, #tpu.memory_space<semaphore_mem>>)
        %dma_wait3A = arith.constant 0 : i32
        %dma_wait3A_60 = arith.constant 0 : i32
        %dma_wait3A_61 = arith.constant 0 : i32
        %dma_wait3A_62 = tpu.memref_slice %arg9[%dma_wait3A, %dma_wait3A_60, %dma_wait3A_61] : memref<2x64x128xf32, #tpu.memory_space<vmem>> -> memref<1x64x128xf32, #tpu.memory_space<vmem>>
        %dma_wait3A_63 = tpu.memref_squeeze %dma_wait3A_62 : memref<1x64x128xf32, #tpu.memory_space<vmem>> -> memref<64x128xf32, #tpu.memory_space<vmem>>
        %dma_wait3A_64 = arith.constant 0 : i32
        %dma_wait3A_65 = tpu.memref_slice %arg7[%mul3A_46, %dma_wait3A_64] : memref<80x64xi32, #tpu.memory_space<vmem>> -> memref<1x64xi32, #tpu.memory_space<vmem>>
        %dma_wait3A_66 = tpu.memref_squeeze %dma_wait3A_65 : memref<1x64xi32, #tpu.memory_space<vmem>> -> memref<64xi32, #tpu.memory_space<vmem>>
        %dma_wait3A_67 = arith.constant 0 : i32
        %dma_wait3A_68 = arith.constant 0 : i32
        %dma_wait3A_69 = tpu.memref_slice %arg2[%dma_wait3A_67, %dma_wait3A_68] : memref<10000x128xf32, #tpu.memory_space<hbm>> -> memref<10000x128xf32, #tpu.memory_space<hbm>>
        tpu.wait_indirect_dma semaphore(%arg11 : memref<!tpu.dma_semaphore, #tpu.memory_space<semaphore_mem>>) src(%dma_wait3A_69 : memref<10000x128xf32, #tpu.memory_space<hbm>>) dst(%dma_wait3A_63 : memref<64x128xf32, #tpu.memory_space<vmem>>)
        %run_scoped3A = arith.constant 0 : i32
        "tpu.region"() ({
          %run_scoped3A_89 = tpu.sem_alloc : memref<!tpu.dma_semaphore, #tpu.memory_space<semaphore_mem>>
          %dma_start3A_90 = arith.constant 0 : i32
          %dma_start3A_91 = arith.constant 0 : i32
          %dma_start3A_92 = tpu.memref_slice %arg9[%run_scoped3A, %dma_start3A_90, %dma_start3A_91] : memref<2x64x128xf32, #tpu.memory_space<vmem>> -> memref<1x64x128xf32, #tpu.memory_space<vmem>>
          %dma_start3A_93 = tpu.memref_squeeze %dma_start3A_92 : memref<1x64x128xf32, #tpu.memory_space<vmem>> -> memref<64x128xf32, #tpu.memory_space<vmem>>
          %dma_start3A_94 = arith.constant 0 : i32
          %dma_start3A_95 = tpu.memref_slice %arg8[%mul3A_46, %dma_start3A_94] : memref<80x64xi32, #tpu.memory_space<vmem>> -> memref<1x64xi32, #tpu.memory_space<vmem>>
          %dma_start3A_96 = tpu.memref_squeeze %dma_start3A_95 : memref<1x64xi32, #tpu.memory_space<vmem>> -> memref<64xi32, #tpu.memory_space<vmem>>
          %dma_start3A_97 = arith.constant 0 : i32
          %dma_start3A_98 = arith.constant 0 : i32
          %dma_start3A_99 = tpu.memref_slice %arg10[%dma_start3A_97, %dma_start3A_98] : memref<10000x128xf32, #tpu.memory_space<vmem_shared>> -> memref<10000x128xf32, #tpu.memory_space<vmem_shared>>
          tpu.enqueue_indirect_dma source(%dma_start3A_93 : memref<64x128xf32, #tpu.memory_space<vmem>>) target(%dma_start3A_99 : memref<10000x128xf32, #tpu.memory_space<vmem_shared>>) offsets(%dma_start3A_96 : memref<64xi32, #tpu.memory_space<vmem>>) semaphore(%run_scoped3A_89 : memref<!tpu.dma_semaphore, #tpu.memory_space<semaphore_mem>>) {add = true}
          %dma_wait3A_100 = arith.constant 0 : i32
          %dma_wait3A_101 = arith.constant 0 : i32
          %dma_wait3A_102 = tpu.memref_slice %arg9[%run_scoped3A, %dma_wait3A_100, %dma_wait3A_101] : memref<2x64x128xf32, #tpu.memory_space<vmem>> -> memref<1x64x128xf32, #tpu.memory_space<vmem>>
          %dma_wait3A_103 = tpu.memref_squeeze %dma_wait3A_102 : memref<1x64x128xf32, #tpu.memory_space<vmem>> -> memref<64x128xf32, #tpu.memory_space<vmem>>
          %dma_wait3A_104 = arith.constant 0 : i32
          %dma_wait3A_105 = tpu.memref_slice %arg8[%mul3A_46, %dma_wait3A_104] : memref<80x64xi32, #tpu.memory_space<vmem>> -> memref<1x64xi32, #tpu.memory_space<vmem>>
          %dma_wait3A_106 = tpu.memref_squeeze %dma_wait3A_105 : memref<1x64xi32, #tpu.memory_space<vmem>> -> memref<64xi32, #tpu.memory_space<vmem>>
          %dma_wait3A_107 = arith.constant 0 : i32
          %dma_wait3A_108 = arith.constant 0 : i32
          %dma_wait3A_109 = tpu.memref_slice %arg10[%dma_wait3A_107, %dma_wait3A_108] : memref<10000x128xf32, #tpu.memory_space<vmem_shared>> -> memref<10000x128xf32, #tpu.memory_space<vmem_shared>>
          tpu.wait_indirect_dma semaphore(%run_scoped3A_89 : memref<!tpu.dma_semaphore, #tpu.memory_space<semaphore_mem>>) src(%dma_wait3A_103 : memref<64x128xf32, #tpu.memory_space<vmem>>) dst(%dma_wait3A_109 : memref<10000x128xf32, #tpu.memory_space<vmem_shared>>)
          tpu.yield
        }) : () -> ()
        %add3A_70 = arith.constant 1 : i32
        %add3A_71 = arith.addi %scan3A_44, %add3A_70 : i32
        %lt3A_72 = arith.constant 20 : i32
        %lt3A_73 = arith.cmpi slt, %add3A_71, %lt3A_72 : i32
        %convert_element_type3A_74 = arith.extui %lt3A_73 : i1 to i32
        %cond3A_75 = arith.constant 0 : i32
        %cond3A_76 = arith.cmpi ne, %convert_element_type3A_74, %cond3A_75 : i32
        scf.if %cond3A_76 {
          %add3A_89 = arith.constant 2 : i32
          %add3A_90 = arith.addi %mul3A_46, %add3A_89 : i32
          %dma_start3A_91 = arith.constant 0 : i32
          %dma_start3A_92 = arith.constant 0 : i32
          %dma_start3A_93 = arith.constant 0 : i32
          %dma_start3A_94 = tpu.memref_slice %arg9[%dma_start3A_91, %dma_start3A_92, %dma_start3A_93] : memref<2x64x128xf32, #tpu.memory_space<vmem>> -> memref<1x64x128xf32, #tpu.memory_space<vmem>>
          %dma_start3A_95 = tpu.memref_squeeze %dma_start3A_94 : memref<1x64x128xf32, #tpu.memory_space<vmem>> -> memref<64x128xf32, #tpu.memory_space<vmem>>
          %dma_start3A_96 = arith.constant 0 : i32
          %dma_start3A_97 = tpu.memref_slice %arg7[%add3A_90, %dma_start3A_96] : memref<80x64xi32, #tpu.memory_space<vmem>> -> memref<1x64xi32, #tpu.memory_space<vmem>>
          %dma_start3A_98 = tpu.memref_squeeze %dma_start3A_97 : memref<1x64xi32, #tpu.memory_space<vmem>> -> memref<64xi32, #tpu.memory_space<vmem>>
          %dma_start3A_99 = arith.constant 0 : i32
          %dma_start3A_100 = arith.constant 0 : i32
          %dma_start3A_101 = tpu.memref_slice %arg2[%dma_start3A_99, %dma_start3A_100] : memref<10000x128xf32, #tpu.memory_space<hbm>> -> memref<10000x128xf32, #tpu.memory_space<hbm>>
          tpu.enqueue_indirect_dma source(%dma_start3A_101 : memref<10000x128xf32, #tpu.memory_space<hbm>>) target(%dma_start3A_95 : memref<64x128xf32, #tpu.memory_space<vmem>>) offsets(%dma_start3A_98 : memref<64xi32, #tpu.memory_space<vmem>>) semaphore(%arg11 : memref<!tpu.dma_semaphore, #tpu.memory_space<semaphore_mem>>)
        } else {
        }
        %dma_wait3A_77 = arith.constant 1 : i32
        %dma_wait3A_78 = arith.constant 0 : i32
        %dma_wait3A_79 = arith.constant 0 : i32
        %dma_wait3A_80 = tpu.memref_slice %arg9[%dma_wait3A_77, %dma_wait3A_78, %dma_wait3A_79] : memref<2x64x128xf32, #tpu.memory_space<vmem>> -> memref<1x64x128xf32, #tpu.memory_space<vmem>>
        %dma_wait3A_81 = tpu.memref_squeeze %dma_wait3A_80 : memref<1x64x128xf32, #tpu.memory_space<vmem>> -> memref<64x128xf32, #tpu.memory_space<vmem>>
        %dma_wait3A_82 = arith.constant 0 : i32
        %dma_wait3A_83 = tpu.memref_slice %arg7[%add3A_48, %dma_wait3A_82] : memref<80x64xi32, #tpu.memory_space<vmem>> -> memref<1x64xi32, #tpu.memory_space<vmem>>
        %dma_wait3A_84 = tpu.memref_squeeze %dma_wait3A_83 : memref<1x64xi32, #tpu.memory_space<vmem>> -> memref<64xi32, #tpu.memory_space<vmem>>
        %dma_wait3A_85 = arith.constant 0 : i32
        %dma_wait3A_86 = arith.constant 0 : i32
        %dma_wait3A_87 = tpu.memref_slice %arg2[%dma_wait3A_85, %dma_wait3A_86] : memref<10000x128xf32, #tpu.memory_space<hbm>> -> memref<10000x128xf32, #tpu.memory_space<hbm>>
        tpu.wait_indirect_dma semaphore(%arg12 : memref<!tpu.dma_semaphore, #tpu.memory_space<semaphore_mem>>) src(%dma_wait3A_87 : memref<10000x128xf32, #tpu.memory_space<hbm>>) dst(%dma_wait3A_81 : memref<64x128xf32, #tpu.memory_space<vmem>>)
        %run_scoped3A_88 = arith.constant 1 : i32
        "tpu.region"() ({
          %run_scoped3A_89 = tpu.sem_alloc : memref<!tpu.dma_semaphore, #tpu.memory_space<semaphore_mem>>
          %dma_start3A_90 = arith.constant 0 : i32
          %dma_start3A_91 = arith.constant 0 : i32
          %dma_start3A_92 = tpu.memref_slice %arg9[%run_scoped3A_88, %dma_start3A_90, %dma_start3A_91] : memref<2x64x128xf32, #tpu.memory_space<vmem>> -> memref<1x64x128xf32, #tpu.memory_space<vmem>>
          %dma_start3A_93 = tpu.memref_squeeze %dma_start3A_92 : memref<1x64x128xf32, #tpu.memory_space<vmem>> -> memref<64x128xf32, #tpu.memory_space<vmem>>
          %dma_start3A_94 = arith.constant 0 : i32
          %dma_start3A_95 = tpu.memref_slice %arg8[%add3A_48, %dma_start3A_94] : memref<80x64xi32, #tpu.memory_space<vmem>> -> memref<1x64xi32, #tpu.memory_space<vmem>>
          %dma_start3A_96 = tpu.memref_squeeze %dma_start3A_95 : memref<1x64xi32, #tpu.memory_space<vmem>> -> memref<64xi32, #tpu.memory_space<vmem>>
          %dma_start3A_97 = arith.constant 0 : i32
          %dma_start3A_98 = arith.constant 0 : i32
          %dma_start3A_99 = tpu.memref_slice %arg10[%dma_start3A_97, %dma_start3A_98] : memref<10000x128xf32, #tpu.memory_space<vmem_shared>> -> memref<10000x128xf32, #tpu.memory_space<vmem_shared>>
          tpu.enqueue_indirect_dma source(%dma_start3A_93 : memref<64x128xf32, #tpu.memory_space<vmem>>) target(%dma_start3A_99 : memref<10000x128xf32, #tpu.memory_space<vmem_shared>>) offsets(%dma_start3A_96 : memref<64xi32, #tpu.memory_space<vmem>>) semaphore(%run_scoped3A_89 : memref<!tpu.dma_semaphore, #tpu.memory_space<semaphore_mem>>) {add = true}
          %dma_wait3A_100 = arith.constant 0 : i32
          %dma_wait3A_101 = arith.constant 0 : i32
          %dma_wait3A_102 = tpu.memref_slice %arg9[%run_scoped3A_88, %dma_wait3A_100, %dma_wait3A_101] : memref<2x64x128xf32, #tpu.memory_space<vmem>> -> memref<1x64x128xf32, #tpu.memory_space<vmem>>
          %dma_wait3A_103 = tpu.memref_squeeze %dma_wait3A_102 : memref<1x64x128xf32, #tpu.memory_space<vmem>> -> memref<64x128xf32, #tpu.memory_space<vmem>>
          %dma_wait3A_104 = arith.constant 0 : i32
          %dma_wait3A_105 = tpu.memref_slice %arg8[%add3A_48, %dma_wait3A_104] : memref<80x64xi32, #tpu.memory_space<vmem>> -> memref<1x64xi32, #tpu.memory_space<vmem>>
          %dma_wait3A_106 = tpu.memref_squeeze %dma_wait3A_105 : memref<1x64xi32, #tpu.memory_space<vmem>> -> memref<64xi32, #tpu.memory_space<vmem>>
          %dma_wait3A_107 = arith.constant 0 : i32
          %dma_wait3A_108 = arith.constant 0 : i32
          %dma_wait3A_109 = tpu.memref_slice %arg10[%dma_wait3A_107, %dma_wait3A_108] : memref<10000x128xf32, #tpu.memory_space<vmem_shared>> -> memref<10000x128xf32, #tpu.memory_space<vmem_shared>>
          tpu.wait_indirect_dma semaphore(%run_scoped3A_89 : memref<!tpu.dma_semaphore, #tpu.memory_space<semaphore_mem>>) src(%dma_wait3A_103 : memref<64x128xf32, #tpu.memory_space<vmem>>) dst(%dma_wait3A_109 : memref<10000x128xf32, #tpu.memory_space<vmem_shared>>)
          tpu.yield
        }) : () -> ()
      }
      %scan3A_43 = arith.constant 20 : i32
    } else {
    }
    %barrier3A_17 = arith.constant 0 : index
    tpu.barrier barrier_id(%barrier3A_17)
    %lt3A_18 = arith.constant 15 : i32
    %lt3A_19 = arith.cmpi slt, %arg1, %lt3A_18 : i32
    %convert_element_type3A_20 = arith.extui %lt3A_19 : i1 to i32
    %cond3A_21 = arith.constant 0 : i32
    %cond3A_22 = arith.cmpi ne, %convert_element_type3A_20, %cond3A_21 : i32
    scf.if %cond3A_22 {
      %mul3A_28 = arith.constant 624 : i32
      %mul3A_29 = arith.muli %arg1, %mul3A_28 : i32
      %mul3A_30 = arith.constant 624 : i32
      %mul3A_31 = arith.muli %arg1, %mul3A_30 : i32
      "tpu.region"() ({
        %run_scoped3A = tpu.sem_alloc : memref<!tpu.dma_semaphore, #tpu.memory_space<semaphore_mem>>
        %dma_start3A = arith.constant 0 : i32
        %dma_start3A_32 = tpu.memref_slice %arg6[%arg0, %mul3A_31, %dma_start3A] : memref<2x10000x128xf32, #tpu.memory_space<hbm>> -> memref<1x624x128xf32, #tpu.memory_space<hbm>>
        %dma_start3A_33 = tpu.memref_squeeze %dma_start3A_32 : memref<1x624x128xf32, #tpu.memory_space<hbm>> -> memref<624x128xf32, #tpu.memory_space<hbm>>
        %dma_start3A_34 = arith.constant 0 : i32
        %dma_start3A_35 = tpu.memref_slice %arg10[%mul3A_29, %dma_start3A_34] : memref<10000x128xf32, #tpu.memory_space<vmem_shared>> -> memref<624x128xf32, #tpu.memory_space<vmem_shared>>
        tpu.enqueue_dma source(%dma_start3A_35 : memref<624x128xf32, #tpu.memory_space<vmem_shared>>) target(%dma_start3A_33 : memref<624x128xf32, #tpu.memory_space<hbm>>) target_semaphore(%run_scoped3A : memref<!tpu.dma_semaphore, #tpu.memory_space<semaphore_mem>>)
        %dma_wait3A = arith.constant 0 : i32
        %dma_wait3A_36 = tpu.memref_slice %arg6[%arg0, %mul3A_31, %dma_wait3A] : memref<2x10000x128xf32, #tpu.memory_space<hbm>> -> memref<1x624x128xf32, #tpu.memory_space<hbm>>
        %dma_wait3A_37 = tpu.memref_squeeze %dma_wait3A_36 : memref<1x624x128xf32, #tpu.memory_space<hbm>> -> memref<624x128xf32, #tpu.memory_space<hbm>>
        %dma_wait3A_38 = arith.constant 0 : i32
        %dma_wait3A_39 = tpu.memref_slice %arg10[%mul3A_29, %dma_wait3A_38] : memref<10000x128xf32, #tpu.memory_space<vmem_shared>> -> memref<624x128xf32, #tpu.memory_space<vmem_shared>>
        tpu.wait_dma2 semaphore(%run_scoped3A : memref<!tpu.dma_semaphore, #tpu.memory_space<semaphore_mem>>) src(%dma_wait3A_39 : memref<624x128xf32, #tpu.memory_space<vmem_shared>>) dst(%dma_wait3A_37 : memref<624x128xf32, #tpu.memory_space<hbm>>)
        tpu.yield
      }) : () -> ()
    } else {
    }
    %eq3A_23 = arith.constant 15 : i32
    %eq3A_24 = arith.cmpi eq, %arg1, %eq3A_23 : i32
    %convert_element_type3A_25 = arith.extui %eq3A_24 : i1 to i32
    %cond3A_26 = arith.constant 0 : i32
    %cond3A_27 = arith.cmpi ne, %convert_element_type3A_25, %cond3A_26 : i32
    scf.if %cond3A_27 {
      "tpu.region"() ({
        %run_scoped3A = tpu.sem_alloc : memref<!tpu.dma_semaphore, #tpu.memory_space<semaphore_mem>>
        %dma_start3A = arith.constant 9360 : i32
        %dma_start3A_28 = arith.constant 0 : i32
        %dma_start3A_29 = tpu.memref_slice %arg6[%arg0, %dma_start3A, %dma_start3A_28] : memref<2x10000x128xf32, #tpu.memory_space<hbm>> -> memref<1x640x128xf32, #tpu.memory_space<hbm>>
        %dma_start3A_30 = tpu.memref_squeeze %dma_start3A_29 : memref<1x640x128xf32, #tpu.memory_space<hbm>> -> memref<640x128xf32, #tpu.memory_space<hbm>>
        %dma_start3A_31 = arith.constant 9360 : i32
        %dma_start3A_32 = arith.constant 0 : i32
        %dma_start3A_33 = tpu.memref_slice %arg10[%dma_start3A_31, %dma_start3A_32] : memref<10000x128xf32, #tpu.memory_space<vmem_shared>> -> memref<640x128xf32, #tpu.memory_space<vmem_shared>>
        tpu.enqueue_dma source(%dma_start3A_33 : memref<640x128xf32, #tpu.memory_space<vmem_shared>>) target(%dma_start3A_30 : memref<640x128xf32, #tpu.memory_space<hbm>>) target_semaphore(%run_scoped3A : memref<!tpu.dma_semaphore, #tpu.memory_space<semaphore_mem>>)
        %dma_wait3A = arith.constant 9360 : i32
        %dma_wait3A_34 = arith.constant 0 : i32
        %dma_wait3A_35 = tpu.memref_slice %arg6[%arg0, %dma_wait3A, %dma_wait3A_34] : memref<2x10000x128xf32, #tpu.memory_space<hbm>> -> memref<1x640x128xf32, #tpu.memory_space<hbm>>
        %dma_wait3A_36 = tpu.memref_squeeze %dma_wait3A_35 : memref<1x640x128xf32, #tpu.memory_space<hbm>> -> memref<640x128xf32, #tpu.memory_space<hbm>>
        %dma_wait3A_37 = arith.constant 9360 : i32
        %dma_wait3A_38 = arith.constant 0 : i32
        %dma_wait3A_39 = tpu.memref_slice %arg10[%dma_wait3A_37, %dma_wait3A_38] : memref<10000x128xf32, #tpu.memory_space<vmem_shared>> -> memref<640x128xf32, #tpu.memory_space<vmem_shared>>
        tpu.wait_dma2 semaphore(%run_scoped3A : memref<!tpu.dma_semaphore, #tpu.memory_space<semaphore_mem>>) src(%dma_wait3A_39 : memref<640x128xf32, #tpu.memory_space<vmem_shared>>) dst(%dma_wait3A_36 : memref<640x128xf32, #tpu.memory_space<hbm>>)
        tpu.yield
      }) : () -> ()
    } else {
    }
    return
  }
}

module attributes {stable_mosaic.version = 14 : i64} {
  func.func @_tc1_body(%arg0: i32, %arg1: memref<1000x128xf32, #tpu.memory_space<vmem>>, %arg2: memref<1000x128xf32, #tpu.memory_space<vmem>>, %arg3: memref<1000x128xf32, #tpu.memory_space<vmem>>, %arg4: memref<1x1x1000xi32, #tpu.memory_space<vmem>>, %arg5: memref<128x64xf32, #tpu.memory_space<vmem>>, %arg6: memref<1x64xf32, #tpu.memory_space<vmem>>, %arg7: memref<64x2xf32, #tpu.memory_space<vmem>>, %arg8: memref<1x2xf32, #tpu.memory_space<vmem>>, %arg9: memref<1000x2xf32, #tpu.memory_space<vmem>>, %arg10: memref<1000x128xf32, #tpu.memory_space<vmem>>, %arg11: memref<1000x128xf32, #tpu.memory_space<vmem>>, %arg12: memref<128x64xf32, #tpu.memory_space<vmem>>) attributes {dimension_semantics = [#tpu.dimension_semantics<arbitrary>], iteration_bounds = array<i64: 10>, scalar_prefetch = 0 : i64, scratch_operands = 0 : i64, tpu.core_type = #tpu.core_type<tc>, window_params = [{transform_indices = @transform_0, window_bounds = array<i64: 1000, 128>}, {transform_indices = @transform_1, window_bounds = array<i64: 1000, 128>}, {transform_indices = @transform_2, window_bounds = array<i64: 1000, 128>}, {transform_indices = @transform_3, window_bounds = array<i64: 1, 1, 1000>}, {pipeline_mode = #tpu.pipeline_mode<synchronous>, transform_indices = @transform_4, window_bounds = array<i64: 128, 64>}, {pipeline_mode = #tpu.pipeline_mode<synchronous>, transform_indices = @transform_5, window_bounds = array<i64: 1, 64>}, {pipeline_mode = #tpu.pipeline_mode<synchronous>, transform_indices = @transform_6, window_bounds = array<i64: 64, 2>}, {pipeline_mode = #tpu.pipeline_mode<synchronous>, transform_indices = @transform_7, window_bounds = array<i64: 1, 2>}, {transform_indices = @transform_8, window_bounds = array<i64: 1000, 2>}, {transform_indices = @transform_9, window_bounds = array<i64: 1000, 128>}, {transform_indices = @transform_10, window_bounds = array<i64: 1000, 128>}, {pipeline_mode = #tpu.pipeline_mode<synchronous>, transform_indices = @transform_11, window_bounds = array<i64: 128, 64>}]} {
    %get3A = arith.constant 0 : index
    %get3A_0 = arith.constant 0 : index
    %get3A_1 = vector.load %arg1[%get3A, %get3A_0] : memref<1000x128xf32, #tpu.memory_space<vmem>>, vector<1000x128xf32>
    %get3A_2 = arith.constant 0 : index
    %get3A_3 = arith.constant 0 : index
    %get3A_4 = vector.load %arg2[%get3A_2, %get3A_3] : memref<1000x128xf32, #tpu.memory_space<vmem>>, vector<1000x128xf32>
    %add3A = arith.addf %get3A_1, %get3A_4 : vector<1000x128xf32>
    %swap3A = arith.constant 0 : index
    %swap3A_5 = arith.constant 0 : index
    %swap3A_6 = vector.load %arg11[%swap3A, %swap3A_5] : memref<1000x128xf32, #tpu.memory_space<vmem>>, vector<1000x128xf32>
    tpu.vector_store %arg11[%swap3A, %swap3A_5], %add3A {strides = array<i32>} : memref<1000x128xf32, #tpu.memory_space<vmem>>, vector<1000x128xf32>,
    %get3A_7 = arith.constant 0 : index
    %get3A_8 = arith.constant 0 : index
    %get3A_9 = vector.load %arg5[%get3A_7, %get3A_8] : memref<128x64xf32, #tpu.memory_space<vmem>>, vector<128x64xf32>
    %convert_element_type3A = arith.truncf %add3A : vector<1000x128xf32> to vector<1000x128xbf16>
    %convert_element_type3A_10 = arith.truncf %get3A_9 : vector<128x64xf32> to vector<128x64xbf16>
    %dot_general3A = arith.constant dense<0.000000e+00> : vector<1000x64xf32>
    %dot_general3A_11 = tpu.matmul %convert_element_type3A, %convert_element_type3A_10, %dot_general3A {dimension_numbers = #tpu.dot_dimension_numbers<[1], [0], [0], [1], [0, 0, 1, 1], [], []>, transpose_lhs_hint = false} : vector<1000x128xbf16>, vector<128x64xbf16>, vector<1000x64xf32> -> vector<1000x64xf32>
    %get3A_12 = arith.constant 0 : index
    %get3A_13 = arith.constant 0 : index
    %get3A_14 = vector.load %arg6[%get3A_12, %get3A_13] : memref<1x64xf32, #tpu.memory_space<vmem>>, vector<1x64xf32>
    %add3A_15 = vector.broadcast %get3A_14 : vector<1x64xf32> to vector<1000x64xf32>
    %add3A_16 = arith.addf %dot_general3A_11, %add3A_15 : vector<1000x64xf32>
    %max3A = arith.constant 0.000000e+00 : f32
    %max3A_17 = vector.broadcast %max3A : f32 to vector<1000x64xf32>
    %max3A_18 = arith.maximumf %add3A_16, %max3A_17 : vector<1000x64xf32>
    %get3A_19 = arith.constant 0 : index
    %get3A_20 = arith.constant 0 : index
    %get3A_21 = vector.load %arg7[%get3A_19, %get3A_20] : memref<64x2xf32, #tpu.memory_space<vmem>>, vector<64x2xf32>
    %convert_element_type3A_22 = arith.truncf %max3A_18 : vector<1000x64xf32> to vector<1000x64xbf16>
    %convert_element_type3A_23 = arith.truncf %get3A_21 : vector<64x2xf32> to vector<64x2xbf16>
    %dot_general3A_24 = arith.constant dense<0.000000e+00> : vector<1000x2xf32>
    %dot_general3A_25 = tpu.matmul %convert_element_type3A_22, %convert_element_type3A_23, %dot_general3A_24 {dimension_numbers = #tpu.dot_dimension_numbers<[1], [0], [0], [1], [0, 0, 1, 1], [], []>, transpose_lhs_hint = false} : vector<1000x64xbf16>, vector<64x2xbf16>, vector<1000x2xf32> -> vector<1000x2xf32>
    %get3A_26 = arith.constant 0 : index
    %get3A_27 = arith.constant 0 : index
    %get3A_28 = vector.load %arg8[%get3A_26, %get3A_27] : memref<1x2xf32, #tpu.memory_space<vmem>>, vector<1x2xf32>
    %add3A_29 = vector.broadcast %get3A_28 : vector<1x2xf32> to vector<1000x2xf32>
    %add3A_30 = arith.addf %dot_general3A_25, %add3A_29 : vector<1000x2xf32>
    %reduce_max3A = arith.constant dense<0xFF800000> : vector<1000xf32>
    %reduce_max3A_31 = vector.multi_reduction <maximumf>, %add3A_30, %reduce_max3A [1] : vector<1000x2xf32> to vector<1000xf32>
    %broadcast_in_dim3A = vector.shape_cast %reduce_max3A_31 : vector<1000xf32> to vector<1000x1xf32>
    %sub3A = vector.broadcast %broadcast_in_dim3A : vector<1000x1xf32> to vector<1000x2xf32>
    %sub3A_32 = arith.subf %add3A_30, %sub3A : vector<1000x2xf32>
    %exp3A = math.exp %sub3A_32 : vector<1000x2xf32>
    %reduce_sum3A = arith.constant dense<0.000000e+00> : vector<1000xf32>
    %reduce_sum3A_33 = vector.multi_reduction <add>, %exp3A, %reduce_sum3A [1] : vector<1000x2xf32> to vector<1000xf32>
    %broadcast_in_dim3A_34 = vector.shape_cast %reduce_sum3A_33 : vector<1000xf32> to vector<1000x1xf32>
    %div3A = vector.broadcast %broadcast_in_dim3A_34 : vector<1000x1xf32> to vector<1000x2xf32>
    %div3A_35 = arith.divf %exp3A, %div3A : vector<1000x2xf32>
    %swap3A_36 = arith.constant 0 : index
    %swap3A_37 = arith.constant 0 : index
    %swap3A_38 = vector.load %arg9[%swap3A_36, %swap3A_37] : memref<1000x2xf32, #tpu.memory_space<vmem>>, vector<1000x2xf32>
    tpu.vector_store %arg9[%swap3A_36, %swap3A_37], %div3A_35 {strides = array<i32>} : memref<1000x2xf32, #tpu.memory_space<vmem>>, vector<1000x2xf32>,
    %get3A_39 = arith.constant 0 : index
    %get3A_40 = arith.constant 0 : index
    %get3A_41 = vector.load %arg3[%get3A_39, %get3A_40] : memref<1000x128xf32, #tpu.memory_space<vmem>>, vector<1000x128xf32>
    %slice3A = vector.extract_strided_slice %div3A_35 {offsets = [0, 0], sizes = [1000, 1], strides = [1, 1]} : vector<1000x2xf32> to vector<1000x1xf32>
    %mul3A = vector.broadcast %slice3A : vector<1000x1xf32> to vector<1000x128xf32>
    %mul3A_42 = arith.mulf %get3A_41, %mul3A : vector<1000x128xf32>
    %swap3A_43 = arith.constant 0 : index
    %swap3A_44 = arith.constant 0 : index
    %swap3A_45 = vector.load %arg10[%swap3A_43, %swap3A_44] : memref<1000x128xf32, #tpu.memory_space<vmem>>, vector<1000x128xf32>
    tpu.vector_store %arg10[%swap3A_43, %swap3A_44], %mul3A_42 {strides = array<i32>} : memref<1000x128xf32, #tpu.memory_space<vmem>>, vector<1000x128xf32>,
    %get3A_46 = arith.constant 0 : index
    %get3A_47 = arith.constant 0 : index
    %get3A_48 = arith.constant 0 : index
    %get3A_49 = vector.load %arg4[%get3A_46, %get3A_47, %get3A_48] : memref<1x1x1000xi32, #tpu.memory_space<vmem>>, vector<1x1x1000xi32>
    %get3A_50 = vector.shape_cast %get3A_49 : vector<1x1x1000xi32> to vector<1000xi32>
    %convert_element_type3A_51 = arith.sitofp %get3A_50 : vector<1000xi32> to vector<1000xf32>
    %broadcast_in_dim3A_52 = vector.shape_cast %convert_element_type3A_51 : vector<1000xf32> to vector<1000x1xf32>
    %iota3A = tpu.iota {dimensions = array<i32: 1>} : vector<1000x128xi32>
    %convert_element_type3A_53 = arith.sitofp %iota3A : vector<1000x128xi32> to vector<1000x128xf32>
    %sub3A_54 = vector.broadcast %broadcast_in_dim3A_52 : vector<1000x1xf32> to vector<1000x128xf32>
    %sub3A_55 = arith.subf %sub3A_54, %convert_element_type3A_53 : vector<1000x128xf32>
    %abs3A = math.absf %sub3A_55 : vector<1000x128xf32>
    %sub3A_56 = arith.constant 1.000000e+00 : f32
    %sub3A_57 = vector.broadcast %sub3A_56 : f32 to vector<1000x128xf32>
    %sub3A_58 = arith.subf %sub3A_57, %abs3A : vector<1000x128xf32>
    %max3A_59 = arith.constant 0.000000e+00 : f32
    %max3A_60 = vector.broadcast %max3A_59 : f32 to vector<1000x128xf32>
    %max3A_61 = arith.maximumf %sub3A_58, %max3A_60 : vector<1000x128xf32>
    %dot_general3A_62 = arith.constant dense<0.000000e+00> : vector<128x64xf32>
    %dot_general3A_63 = tpu.matmul %max3A_61, %max3A_18, %dot_general3A_62 {dimension_numbers = #tpu.dot_dimension_numbers<[0], [0], [1], [1], [0, 1, 1, 1], [], []>, precision = #tpu.contract_precision<fp32>, transpose_lhs_hint = false} : vector<1000x128xf32>, vector<1000x64xf32>, vector<128x64xf32> -> vector<128x64xf32>
    %eq3A = arith.constant 0 : i32
    %eq3A_64 = arith.cmpi eq, %arg0, %eq3A : i32
    %convert_element_type3A_65 = arith.extui %eq3A_64 : i1 to i32
    %cond3A = arith.constant 0 : i32
    %cond3A_66 = arith.cmpi ne, %convert_element_type3A_65, %cond3A : i32
    scf.if %cond3A_66 {
      %broadcast_in_dim3A_74 = arith.constant 0.000000e+00 : f32
      %broadcast_in_dim3A_75 = vector.broadcast %broadcast_in_dim3A_74 : f32 to vector<128x64xf32>
      %swap3A_76 = arith.constant 0 : index
      %swap3A_77 = arith.constant 0 : index
      %swap3A_78 = vector.load %arg12[%swap3A_76, %swap3A_77] : memref<128x64xf32, #tpu.memory_space<vmem>>, vector<128x64xf32>
      tpu.vector_store %arg12[%swap3A_76, %swap3A_77], %broadcast_in_dim3A_75 {strides = array<i32>} : memref<128x64xf32, #tpu.memory_space<vmem>>, vector<128x64xf32>,
    } else {
    }
    %get3A_67 = arith.constant 0 : index
    %get3A_68 = arith.constant 0 : index
    %get3A_69 = vector.load %arg12[%get3A_67, %get3A_68] : memref<128x64xf32, #tpu.memory_space<vmem>>, vector<128x64xf32>
    %add3A_70 = arith.addf %get3A_69, %dot_general3A_63 : vector<128x64xf32>
    %swap3A_71 = arith.constant 0 : index
    %swap3A_72 = arith.constant 0 : index
    %swap3A_73 = vector.load %arg12[%swap3A_71, %swap3A_72] : memref<128x64xf32, #tpu.memory_space<vmem>>, vector<128x64xf32>
    tpu.vector_store %arg12[%swap3A_71, %swap3A_72], %add3A_70 {strides = array<i32>} : memref<128x64xf32, #tpu.memory_space<vmem>>, vector<128x64xf32>,
    return
  }
  func.func @transform_0(%arg0: i32) -> (i32, i32) {
    %c0_i32 = arith.constant 0 : i32
    %c0_i32_0 = arith.constant 0 : i32
    return %arg0, %c0_i32 : i32, i32
  }
  func.func @transform_1(%arg0: i32) -> (i32, i32) {
    %c0_i32 = arith.constant 0 : i32
    %c0_i32_0 = arith.constant 0 : i32
    return %arg0, %c0_i32 : i32, i32
  }
  func.func @transform_2(%arg0: i32) -> (i32, i32) {
    %c0_i32 = arith.constant 0 : i32
    %c0_i32_0 = arith.constant 0 : i32
    return %arg0, %c0_i32 : i32, i32
  }
  func.func @transform_3(%arg0: i32) -> (i32, i32, i32) {
    %c0_i32 = arith.constant 0 : i32
    %c0_i32_0 = arith.constant 0 : i32
    %c0_i32_1 = arith.constant 0 : i32
    return %arg0, %c0_i32, %c0_i32_0 : i32, i32, i32
  }
  func.func @transform_4(%arg0: i32) -> (i32, i32) {
    %c0_i32 = arith.constant 0 : i32
    %c0_i32_0 = arith.constant 0 : i32
    %c0_i32_1 = arith.constant 0 : i32
    return %c0_i32, %c0_i32_0 : i32, i32
  }
  func.func @transform_5(%arg0: i32) -> (i32, i32) {
    %c0_i32 = arith.constant 0 : i32
    %c0_i32_0 = arith.constant 0 : i32
    %c0_i32_1 = arith.constant 0 : i32
    return %c0_i32, %c0_i32_0 : i32, i32
  }
  func.func @transform_6(%arg0: i32) -> (i32, i32) {
    %c0_i32 = arith.constant 0 : i32
    %c0_i32_0 = arith.constant 0 : i32
    %c0_i32_1 = arith.constant 0 : i32
    return %c0_i32, %c0_i32_0 : i32, i32
  }
  func.func @transform_7(%arg0: i32) -> (i32, i32) {
    %c0_i32 = arith.constant 0 : i32
    %c0_i32_0 = arith.constant 0 : i32
    %c0_i32_1 = arith.constant 0 : i32
    return %c0_i32, %c0_i32_0 : i32, i32
  }
  func.func @transform_8(%arg0: i32) -> (i32, i32) {
    %c0_i32 = arith.constant 0 : i32
    %c0_i32_0 = arith.constant 0 : i32
    return %arg0, %c0_i32 : i32, i32
  }
  func.func @transform_9(%arg0: i32) -> (i32, i32) {
    %c0_i32 = arith.constant 0 : i32
    %c0_i32_0 = arith.constant 0 : i32
    return %arg0, %c0_i32 : i32, i32
  }
  func.func @transform_10(%arg0: i32) -> (i32, i32) {
    %c0_i32 = arith.constant 0 : i32
    %c0_i32_0 = arith.constant 0 : i32
    return %arg0, %c0_i32 : i32, i32
  }
  func.func @transform_11(%arg0: i32) -> (i32, i32) {
    %c0_i32 = arith.constant 0 : i32
    %c0_i32_0 = arith.constant 0 : i32
    %c0_i32_1 = arith.constant 0 : i32
    return %c0_i32, %c0_i32_0 : i32, i32
  }
}

module attributes {stable_mosaic.version = 14 : i64} {
  func.func @_tc2_body(%arg0: i32, %arg1: memref<1000x128xf32, #tpu.memory_space<vmem>>, %arg2: memref<1000x128xf32, #tpu.memory_space<vmem>>, %arg3: memref<1000x128xf32, #tpu.memory_space<vmem>>, %arg4: memref<1000x2xf32, #tpu.memory_space<vmem>>, %arg5: memref<1x1x1000xi32, #tpu.memory_space<vmem>>, %arg6: memref<128x64xf32, #tpu.memory_space<vmem>>, %arg7: memref<1x64xf32, #tpu.memory_space<vmem>>, %arg8: memref<128x64xf32, #tpu.memory_space<vmem>>, %arg9: memref<1x64xf32, #tpu.memory_space<vmem>>, %arg10: memref<128x64xf32, #tpu.memory_space<vmem>>, %arg11: memref<128x64xf32, #tpu.memory_space<vmem>>) attributes {dimension_semantics = [#tpu.dimension_semantics<arbitrary>], iteration_bounds = array<i64: 10>, scalar_prefetch = 0 : i64, scratch_operands = 0 : i64, tpu.core_type = #tpu.core_type<tc>, window_params = [{transform_indices = @transform_0, window_bounds = array<i64: 1000, 128>}, {transform_indices = @transform_1, window_bounds = array<i64: 1000, 128>}, {transform_indices = @transform_2, window_bounds = array<i64: 1000, 128>}, {transform_indices = @transform_3, window_bounds = array<i64: 1000, 2>}, {transform_indices = @transform_4, window_bounds = array<i64: 1, 1, 1000>}, {pipeline_mode = #tpu.pipeline_mode<synchronous>, transform_indices = @transform_5, window_bounds = array<i64: 128, 64>}, {pipeline_mode = #tpu.pipeline_mode<synchronous>, transform_indices = @transform_6, window_bounds = array<i64: 1, 64>}, {pipeline_mode = #tpu.pipeline_mode<synchronous>, transform_indices = @transform_7, window_bounds = array<i64: 128, 64>}, {pipeline_mode = #tpu.pipeline_mode<synchronous>, transform_indices = @transform_8, window_bounds = array<i64: 1, 64>}, {pipeline_mode = #tpu.pipeline_mode<synchronous>, transform_indices = @transform_9, window_bounds = array<i64: 128, 64>}, {pipeline_mode = #tpu.pipeline_mode<synchronous>, transform_indices = @transform_10, window_bounds = array<i64: 128, 64>}]} {
    %get3A = arith.constant 0 : index
    %get3A_0 = arith.constant 0 : index
    %get3A_1 = vector.load %arg4[%get3A, %get3A_0] : memref<1000x2xf32, #tpu.memory_space<vmem>>, vector<1000x2xf32>
    %get3A_2 = arith.constant 0 : index
    %get3A_3 = arith.constant 0 : index
    %get3A_4 = vector.load %arg1[%get3A_2, %get3A_3] : memref<1000x128xf32, #tpu.memory_space<vmem>>, vector<1000x128xf32>
    %get3A_5 = arith.constant 0 : index
    %get3A_6 = arith.constant 0 : index
    %get3A_7 = vector.load %arg2[%get3A_5, %get3A_6] : memref<1000x128xf32, #tpu.memory_space<vmem>>, vector<1000x128xf32>
    %add3A = arith.addf %get3A_4, %get3A_7 : vector<1000x128xf32>
    %slice3A = vector.extract_strided_slice %get3A_1 {offsets = [0, 0], sizes = [1000, 1], strides = [1, 1]} : vector<1000x2xf32> to vector<1000x1xf32>
    %mul3A = vector.broadcast %slice3A : vector<1000x1xf32> to vector<1000x128xf32>
    %mul3A_8 = arith.mulf %add3A, %mul3A : vector<1000x128xf32>
    %get3A_9 = arith.constant 0 : index
    %get3A_10 = arith.constant 0 : index
    %get3A_11 = vector.load %arg3[%get3A_9, %get3A_10] : memref<1000x128xf32, #tpu.memory_space<vmem>>, vector<1000x128xf32>
    %sub3A = arith.subf %get3A_11, %add3A : vector<1000x128xf32>
    %slice3A_12 = vector.extract_strided_slice %get3A_1 {offsets = [0, 1], sizes = [1000, 1], strides = [1, 1]} : vector<1000x2xf32> to vector<1000x1xf32>
    %mul3A_13 = vector.broadcast %slice3A_12 : vector<1000x1xf32> to vector<1000x128xf32>
    %mul3A_14 = arith.mulf %sub3A, %mul3A_13 : vector<1000x128xf32>
    %get3A_15 = arith.constant 0 : index
    %get3A_16 = arith.constant 0 : index
    %get3A_17 = vector.load %arg6[%get3A_15, %get3A_16] : memref<128x64xf32, #tpu.memory_space<vmem>>, vector<128x64xf32>
    %convert_element_type3A = arith.truncf %mul3A_14 : vector<1000x128xf32> to vector<1000x128xbf16>
    %convert_element_type3A_18 = arith.truncf %get3A_17 : vector<128x64xf32> to vector<128x64xbf16>
    %dot_general3A = arith.constant dense<0.000000e+00> : vector<1000x64xf32>
    %dot_general3A_19 = tpu.matmul %convert_element_type3A, %convert_element_type3A_18, %dot_general3A {dimension_numbers = #tpu.dot_dimension_numbers<[1], [0], [0], [1], [0, 0, 1, 1], [], []>, transpose_lhs_hint = false} : vector<1000x128xbf16>, vector<128x64xbf16>, vector<1000x64xf32> -> vector<1000x64xf32>
    %get3A_20 = arith.constant 0 : index
    %get3A_21 = arith.constant 0 : index
    %get3A_22 = vector.load %arg7[%get3A_20, %get3A_21] : memref<1x64xf32, #tpu.memory_space<vmem>>, vector<1x64xf32>
    %add3A_23 = vector.broadcast %get3A_22 : vector<1x64xf32> to vector<1000x64xf32>
    %add3A_24 = arith.addf %dot_general3A_19, %add3A_23 : vector<1000x64xf32>
    %max3A = arith.constant 0.000000e+00 : f32
    %max3A_25 = vector.broadcast %max3A : f32 to vector<1000x64xf32>
    %max3A_26 = arith.maximumf %add3A_24, %max3A_25 : vector<1000x64xf32>
    %get3A_27 = arith.constant 0 : index
    %get3A_28 = arith.constant 0 : index
    %get3A_29 = vector.load %arg8[%get3A_27, %get3A_28] : memref<128x64xf32, #tpu.memory_space<vmem>>, vector<128x64xf32>
    %convert_element_type3A_30 = arith.truncf %mul3A_8 : vector<1000x128xf32> to vector<1000x128xbf16>
    %convert_element_type3A_31 = arith.truncf %get3A_29 : vector<128x64xf32> to vector<128x64xbf16>
    %dot_general3A_32 = arith.constant dense<0.000000e+00> : vector<1000x64xf32>
    %dot_general3A_33 = tpu.matmul %convert_element_type3A_30, %convert_element_type3A_31, %dot_general3A_32 {dimension_numbers = #tpu.dot_dimension_numbers<[1], [0], [0], [1], [0, 0, 1, 1], [], []>, transpose_lhs_hint = false} : vector<1000x128xbf16>, vector<128x64xbf16>, vector<1000x64xf32> -> vector<1000x64xf32>
    %get3A_34 = arith.constant 0 : index
    %get3A_35 = arith.constant 0 : index
    %get3A_36 = vector.load %arg9[%get3A_34, %get3A_35] : memref<1x64xf32, #tpu.memory_space<vmem>>, vector<1x64xf32>
    %add3A_37 = vector.broadcast %get3A_36 : vector<1x64xf32> to vector<1000x64xf32>
    %add3A_38 = arith.addf %dot_general3A_33, %add3A_37 : vector<1000x64xf32>
    %max3A_39 = arith.constant 0.000000e+00 : f32
    %max3A_40 = vector.broadcast %max3A_39 : f32 to vector<1000x64xf32>
    %max3A_41 = arith.maximumf %add3A_38, %max3A_40 : vector<1000x64xf32>
    %get3A_42 = arith.constant 0 : index
    %get3A_43 = arith.constant 0 : index
    %get3A_44 = arith.constant 0 : index
    %get3A_45 = vector.load %arg5[%get3A_42, %get3A_43, %get3A_44] : memref<1x1x1000xi32, #tpu.memory_space<vmem>>, vector<1x1x1000xi32>
    %get3A_46 = vector.shape_cast %get3A_45 : vector<1x1x1000xi32> to vector<1000xi32>
    %convert_element_type3A_47 = arith.sitofp %get3A_46 : vector<1000xi32> to vector<1000xf32>
    %broadcast_in_dim3A = vector.shape_cast %convert_element_type3A_47 : vector<1000xf32> to vector<1000x1xf32>
    %iota3A = tpu.iota {dimensions = array<i32: 1>} : vector<1000x128xi32>
    %convert_element_type3A_48 = arith.sitofp %iota3A : vector<1000x128xi32> to vector<1000x128xf32>
    %sub3A_49 = vector.broadcast %broadcast_in_dim3A : vector<1000x1xf32> to vector<1000x128xf32>
    %sub3A_50 = arith.subf %sub3A_49, %convert_element_type3A_48 : vector<1000x128xf32>
    %abs3A = math.absf %sub3A_50 : vector<1000x128xf32>
    %sub3A_51 = arith.constant 1.000000e+00 : f32
    %sub3A_52 = vector.broadcast %sub3A_51 : f32 to vector<1000x128xf32>
    %sub3A_53 = arith.subf %sub3A_52, %abs3A : vector<1000x128xf32>
    %max3A_54 = arith.constant 0.000000e+00 : f32
    %max3A_55 = vector.broadcast %max3A_54 : f32 to vector<1000x128xf32>
    %max3A_56 = arith.maximumf %sub3A_53, %max3A_55 : vector<1000x128xf32>
    %eq3A = arith.constant 0 : i32
    %eq3A_57 = arith.cmpi eq, %arg0, %eq3A : i32
    %convert_element_type3A_58 = arith.extui %eq3A_57 : i1 to i32
    %cond3A = arith.constant 0 : i32
    %cond3A_59 = arith.cmpi ne, %convert_element_type3A_58, %cond3A : i32
    scf.if %cond3A_59 {
      %broadcast_in_dim3A_77 = arith.constant 0.000000e+00 : f32
      %broadcast_in_dim3A_78 = vector.broadcast %broadcast_in_dim3A_77 : f32 to vector<128x64xf32>
      %swap3A_79 = arith.constant 0 : index
      %swap3A_80 = arith.constant 0 : index
      %swap3A_81 = vector.load %arg10[%swap3A_79, %swap3A_80] : memref<128x64xf32, #tpu.memory_space<vmem>>, vector<128x64xf32>
      tpu.vector_store %arg10[%swap3A_79, %swap3A_80], %broadcast_in_dim3A_78 {strides = array<i32>} : memref<128x64xf32, #tpu.memory_space<vmem>>, vector<128x64xf32>,
      %broadcast_in_dim3A_82 = arith.constant 0.000000e+00 : f32
      %broadcast_in_dim3A_83 = vector.broadcast %broadcast_in_dim3A_82 : f32 to vector<128x64xf32>
      %swap3A_84 = arith.constant 0 : index
      %swap3A_85 = arith.constant 0 : index
      %swap3A_86 = vector.load %arg11[%swap3A_84, %swap3A_85] : memref<128x64xf32, #tpu.memory_space<vmem>>, vector<128x64xf32>
      tpu.vector_store %arg11[%swap3A_84, %swap3A_85], %broadcast_in_dim3A_83 {strides = array<i32>} : memref<128x64xf32, #tpu.memory_space<vmem>>, vector<128x64xf32>,
    } else {
    }
    %get3A_60 = arith.constant 0 : index
    %get3A_61 = arith.constant 0 : index
    %get3A_62 = vector.load %arg10[%get3A_60, %get3A_61] : memref<128x64xf32, #tpu.memory_space<vmem>>, vector<128x64xf32>
    %dot_general3A_63 = arith.constant dense<0.000000e+00> : vector<128x64xf32>
    %dot_general3A_64 = tpu.matmul %max3A_56, %max3A_26, %dot_general3A_63 {dimension_numbers = #tpu.dot_dimension_numbers<[0], [0], [1], [1], [0, 1, 1, 1], [], []>, precision = #tpu.contract_precision<fp32>, transpose_lhs_hint = false} : vector<1000x128xf32>, vector<1000x64xf32>, vector<128x64xf32> -> vector<128x64xf32>
    %add3A_65 = arith.addf %get3A_62, %dot_general3A_64 : vector<128x64xf32>
    %swap3A = arith.constant 0 : index
    %swap3A_66 = arith.constant 0 : index
    %swap3A_67 = vector.load %arg10[%swap3A, %swap3A_66] : memref<128x64xf32, #tpu.memory_space<vmem>>, vector<128x64xf32>
    tpu.vector_store %arg10[%swap3A, %swap3A_66], %add3A_65 {strides = array<i32>} : memref<128x64xf32, #tpu.memory_space<vmem>>, vector<128x64xf32>,
    %get3A_68 = arith.constant 0 : index
    %get3A_69 = arith.constant 0 : index
    %get3A_70 = vector.load %arg11[%get3A_68, %get3A_69] : memref<128x64xf32, #tpu.memory_space<vmem>>, vector<128x64xf32>
    %dot_general3A_71 = arith.constant dense<0.000000e+00> : vector<128x64xf32>
    %dot_general3A_72 = tpu.matmul %max3A_56, %max3A_41, %dot_general3A_71 {dimension_numbers = #tpu.dot_dimension_numbers<[0], [0], [1], [1], [0, 1, 1, 1], [], []>, precision = #tpu.contract_precision<fp32>, transpose_lhs_hint = false} : vector<1000x128xf32>, vector<1000x64xf32>, vector<128x64xf32> -> vector<128x64xf32>
    %add3A_73 = arith.addf %get3A_70, %dot_general3A_72 : vector<128x64xf32>
    %swap3A_74 = arith.constant 0 : index
    %swap3A_75 = arith.constant 0 : index
    %swap3A_76 = vector.load %arg11[%swap3A_74, %swap3A_75] : memref<128x64xf32, #tpu.memory_space<vmem>>, vector<128x64xf32>
    tpu.vector_store %arg11[%swap3A_74, %swap3A_75], %add3A_73 {strides = array<i32>} : memref<128x64xf32, #tpu.memory_space<vmem>>, vector<128x64xf32>,
    return
  }
  func.func @transform_0(%arg0: i32) -> (i32, i32) {
    %c0_i32 = arith.constant 0 : i32
    %c0_i32_0 = arith.constant 0 : i32
    return %arg0, %c0_i32 : i32, i32
  }
  func.func @transform_1(%arg0: i32) -> (i32, i32) {
    %c0_i32 = arith.constant 0 : i32
    %c0_i32_0 = arith.constant 0 : i32
    return %arg0, %c0_i32 : i32, i32
  }
  func.func @transform_2(%arg0: i32) -> (i32, i32) {
    %c0_i32 = arith.constant 0 : i32
    %c0_i32_0 = arith.constant 0 : i32
    return %arg0, %c0_i32 : i32, i32
  }
  func.func @transform_3(%arg0: i32) -> (i32, i32) {
    %c0_i32 = arith.constant 0 : i32
    %c0_i32_0 = arith.constant 0 : i32
    return %arg0, %c0_i32 : i32, i32
  }
  func.func @transform_4(%arg0: i32) -> (i32, i32, i32) {
    %c0_i32 = arith.constant 0 : i32
    %c0_i32_0 = arith.constant 0 : i32
    %c0_i32_1 = arith.constant 0 : i32
    return %arg0, %c0_i32, %c0_i32_0 : i32, i32, i32
  }
  func.func @transform_5(%arg0: i32) -> (i32, i32) {
    %c0_i32 = arith.constant 0 : i32
    %c0_i32_0 = arith.constant 0 : i32
    %c0_i32_1 = arith.constant 0 : i32
    return %c0_i32, %c0_i32_0 : i32, i32
  }
  func.func @transform_6(%arg0: i32) -> (i32, i32) {
    %c0_i32 = arith.constant 0 : i32
    %c0_i32_0 = arith.constant 0 : i32
    %c0_i32_1 = arith.constant 0 : i32
    return %c0_i32, %c0_i32_0 : i32, i32
  }
  func.func @transform_7(%arg0: i32) -> (i32, i32) {
    %c0_i32 = arith.constant 0 : i32
    %c0_i32_0 = arith.constant 0 : i32
    %c0_i32_1 = arith.constant 0 : i32
    return %c0_i32, %c0_i32_0 : i32, i32
  }
  func.func @transform_8(%arg0: i32) -> (i32, i32) {
    %c0_i32 = arith.constant 0 : i32
    %c0_i32_0 = arith.constant 0 : i32
    %c0_i32_1 = arith.constant 0 : i32
    return %c0_i32, %c0_i32_0 : i32, i32
  }
  func.func @transform_9(%arg0: i32) -> (i32, i32) {
    %c0_i32 = arith.constant 0 : i32
    %c0_i32_0 = arith.constant 0 : i32
    %c0_i32_1 = arith.constant 0 : i32
    return %c0_i32, %c0_i32_0 : i32, i32
  }
  func.func @transform_10(%arg0: i32) -> (i32, i32) {
    %c0_i32 = arith.constant 0 : i32
    %c0_i32_0 = arith.constant 0 : i32
    %c0_i32_1 = arith.constant 0 : i32
    return %c0_i32, %c0_i32_0 : i32, i32
  }
}

module attributes {stable_mosaic.version = 14 : i64} {
  func.func @_tc3_body(%arg0: memref<128x64xf32, #tpu.memory_space<vmem>>, %arg1: memref<128x64xf32, #tpu.memory_space<vmem>>, %arg2: memref<128x64xf32, #tpu.memory_space<vmem>>, %arg3: memref<128x128xf32, #tpu.memory_space<vmem>>, %arg4: memref<64x2xf32, #tpu.memory_space<vmem>>, %arg5: memref<1x2xf32, #tpu.memory_space<vmem>>, %arg6: memref<64x2xf32, #tpu.memory_space<vmem>>, %arg7: memref<1x2xf32, #tpu.memory_space<vmem>>, %arg8: memref<64x64xf32, #tpu.memory_space<vmem>>, %arg9: memref<1x64xf32, #tpu.memory_space<vmem>>, %arg10: memref<64x2xf32, #tpu.memory_space<vmem>>, %arg11: memref<1x2xf32, #tpu.memory_space<vmem>>, %arg12: memref<64x64xf32, #tpu.memory_space<vmem>>, %arg13: memref<1x64xf32, #tpu.memory_space<vmem>>, %arg14: memref<64x2xf32, #tpu.memory_space<vmem>>, %arg15: memref<1x2xf32, #tpu.memory_space<vmem>>, %arg16: memref<64x64xf32, #tpu.memory_space<vmem>>, %arg17: memref<1x64xf32, #tpu.memory_space<vmem>>, %arg18: memref<64x2xf32, #tpu.memory_space<vmem>>, %arg19: memref<1x2xf32, #tpu.memory_space<vmem>>, %arg20: memref<128x2xf32, #tpu.memory_space<vmem>>, %arg21: memref<128x2xf32, #tpu.memory_space<vmem>>, %arg22: memref<128x2xf32, #tpu.memory_space<vmem>>, %arg23: memref<128x2xf32, #tpu.memory_space<vmem>>, %arg24: memref<128x2xf32, #tpu.memory_space<vmem>>) attributes {dimension_semantics = [], scalar_prefetch = 0 : i64, scratch_operands = 0 : i64, tpu.core_type = #tpu.core_type<tc>} {
    %get3A = arith.constant 0 : index
    %get3A_0 = arith.constant 0 : index
    %get3A_1 = vector.load %arg3[%get3A, %get3A_0] : memref<128x128xf32, #tpu.memory_space<vmem>>, vector<128x128xf32>
    %get3A_2 = arith.constant 0 : index
    %get3A_3 = arith.constant 0 : index
    %get3A_4 = vector.load %arg0[%get3A_2, %get3A_3] : memref<128x64xf32, #tpu.memory_space<vmem>>, vector<128x64xf32>
    %get3A_5 = arith.constant 0 : index
    %get3A_6 = arith.constant 0 : index
    %get3A_7 = vector.load %arg1[%get3A_5, %get3A_6] : memref<128x64xf32, #tpu.memory_space<vmem>>, vector<128x64xf32>
    %get3A_8 = arith.constant 0 : index
    %get3A_9 = arith.constant 0 : index
    %get3A_10 = vector.load %arg2[%get3A_8, %get3A_9] : memref<128x64xf32, #tpu.memory_space<vmem>>, vector<128x64xf32>
    %dot_general3A = arith.constant dense<0.000000e+00> : vector<128x64xf32>
    %dot_general3A_11 = tpu.matmul %get3A_1, %get3A_10, %dot_general3A {dimension_numbers = #tpu.dot_dimension_numbers<[1], [0], [0], [1], [0, 0, 1, 1], [], []>, precision = #tpu.contract_precision<fp32>, transpose_lhs_hint = false} : vector<128x128xf32>, vector<128x64xf32>, vector<128x64xf32> -> vector<128x64xf32>
    %add3A = arith.addf %dot_general3A_11, %get3A_7 : vector<128x64xf32>
    %dot_general3A_12 = arith.constant dense<0.000000e+00> : vector<128x64xf32>
    %dot_general3A_13 = tpu.matmul %get3A_1, %get3A_7, %dot_general3A_12 {dimension_numbers = #tpu.dot_dimension_numbers<[1], [0], [0], [1], [0, 0, 1, 1], [], []>, precision = #tpu.contract_precision<fp32>, transpose_lhs_hint = false} : vector<128x128xf32>, vector<128x64xf32>, vector<128x64xf32> -> vector<128x64xf32>
    %add3A_14 = arith.addf %get3A_10, %dot_general3A_13 : vector<128x64xf32>
    %get3A_15 = arith.constant 0 : index
    %get3A_16 = arith.constant 0 : index
    %get3A_17 = vector.load %arg8[%get3A_15, %get3A_16] : memref<64x64xf32, #tpu.memory_space<vmem>>, vector<64x64xf32>
    %convert_element_type3A = arith.truncf %add3A : vector<128x64xf32> to vector<128x64xbf16>
    %convert_element_type3A_18 = arith.truncf %get3A_17 : vector<64x64xf32> to vector<64x64xbf16>
    %dot_general3A_19 = arith.constant dense<0.000000e+00> : vector<128x64xf32>
    %dot_general3A_20 = tpu.matmul %convert_element_type3A, %convert_element_type3A_18, %dot_general3A_19 {dimension_numbers = #tpu.dot_dimension_numbers<[1], [0], [0], [1], [0, 0, 1, 1], [], []>, transpose_lhs_hint = false} : vector<128x64xbf16>, vector<64x64xbf16>, vector<128x64xf32> -> vector<128x64xf32>
    %get3A_21 = arith.constant 0 : index
    %get3A_22 = arith.constant 0 : index
    %get3A_23 = vector.load %arg9[%get3A_21, %get3A_22] : memref<1x64xf32, #tpu.memory_space<vmem>>, vector<1x64xf32>
    %add3A_24 = vector.broadcast %get3A_23 : vector<1x64xf32> to vector<128x64xf32>
    %add3A_25 = arith.addf %dot_general3A_20, %add3A_24 : vector<128x64xf32>
    %max3A = arith.constant 0.000000e+00 : f32
    %max3A_26 = vector.broadcast %max3A : f32 to vector<128x64xf32>
    %max3A_27 = arith.maximumf %add3A_25, %max3A_26 : vector<128x64xf32>
    %get3A_28 = arith.constant 0 : index
    %get3A_29 = arith.constant 0 : index
    %get3A_30 = vector.load %arg10[%get3A_28, %get3A_29] : memref<64x2xf32, #tpu.memory_space<vmem>>, vector<64x2xf32>
    %convert_element_type3A_31 = arith.truncf %max3A_27 : vector<128x64xf32> to vector<128x64xbf16>
    %convert_element_type3A_32 = arith.truncf %get3A_30 : vector<64x2xf32> to vector<64x2xbf16>
    %dot_general3A_33 = arith.constant dense<0.000000e+00> : vector<128x2xf32>
    %dot_general3A_34 = tpu.matmul %convert_element_type3A_31, %convert_element_type3A_32, %dot_general3A_33 {dimension_numbers = #tpu.dot_dimension_numbers<[1], [0], [0], [1], [0, 0, 1, 1], [], []>, transpose_lhs_hint = false} : vector<128x64xbf16>, vector<64x2xbf16>, vector<128x2xf32> -> vector<128x2xf32>
    %get3A_35 = arith.constant 0 : index
    %get3A_36 = arith.constant 0 : index
    %get3A_37 = vector.load %arg11[%get3A_35, %get3A_36] : memref<1x2xf32, #tpu.memory_space<vmem>>, vector<1x2xf32>
    %add3A_38 = vector.broadcast %get3A_37 : vector<1x2xf32> to vector<128x2xf32>
    %add3A_39 = arith.addf %dot_general3A_34, %add3A_38 : vector<128x2xf32>
    %swap3A = arith.constant 0 : index
    %swap3A_40 = arith.constant 0 : index
    %swap3A_41 = vector.load %arg20[%swap3A, %swap3A_40] : memref<128x2xf32, #tpu.memory_space<vmem>>, vector<128x2xf32>
    tpu.vector_store %arg20[%swap3A, %swap3A_40], %add3A_39 {strides = array<i32>} : memref<128x2xf32, #tpu.memory_space<vmem>>, vector<128x2xf32>,
    %get3A_42 = arith.constant 0 : index
    %get3A_43 = arith.constant 0 : index
    %get3A_44 = vector.load %arg12[%get3A_42, %get3A_43] : memref<64x64xf32, #tpu.memory_space<vmem>>, vector<64x64xf32>
    %convert_element_type3A_45 = arith.truncf %get3A_7 : vector<128x64xf32> to vector<128x64xbf16>
    %convert_element_type3A_46 = arith.truncf %get3A_44 : vector<64x64xf32> to vector<64x64xbf16>
    %dot_general3A_47 = arith.constant dense<0.000000e+00> : vector<128x64xf32>
    %dot_general3A_48 = tpu.matmul %convert_element_type3A_45, %convert_element_type3A_46, %dot_general3A_47 {dimension_numbers = #tpu.dot_dimension_numbers<[1], [0], [0], [1], [0, 0, 1, 1], [], []>, transpose_lhs_hint = false} : vector<128x64xbf16>, vector<64x64xbf16>, vector<128x64xf32> -> vector<128x64xf32>
    %get3A_49 = arith.constant 0 : index
    %get3A_50 = arith.constant 0 : index
    %get3A_51 = vector.load %arg13[%get3A_49, %get3A_50] : memref<1x64xf32, #tpu.memory_space<vmem>>, vector<1x64xf32>
    %add3A_52 = vector.broadcast %get3A_51 : vector<1x64xf32> to vector<128x64xf32>
    %add3A_53 = arith.addf %dot_general3A_48, %add3A_52 : vector<128x64xf32>
    %max3A_54 = arith.constant 0.000000e+00 : f32
    %max3A_55 = vector.broadcast %max3A_54 : f32 to vector<128x64xf32>
    %max3A_56 = arith.maximumf %add3A_53, %max3A_55 : vector<128x64xf32>
    %get3A_57 = arith.constant 0 : index
    %get3A_58 = arith.constant 0 : index
    %get3A_59 = vector.load %arg14[%get3A_57, %get3A_58] : memref<64x2xf32, #tpu.memory_space<vmem>>, vector<64x2xf32>
    %convert_element_type3A_60 = arith.truncf %max3A_56 : vector<128x64xf32> to vector<128x64xbf16>
    %convert_element_type3A_61 = arith.truncf %get3A_59 : vector<64x2xf32> to vector<64x2xbf16>
    %dot_general3A_62 = arith.constant dense<0.000000e+00> : vector<128x2xf32>
    %dot_general3A_63 = tpu.matmul %convert_element_type3A_60, %convert_element_type3A_61, %dot_general3A_62 {dimension_numbers = #tpu.dot_dimension_numbers<[1], [0], [0], [1], [0, 0, 1, 1], [], []>, transpose_lhs_hint = false} : vector<128x64xbf16>, vector<64x2xbf16>, vector<128x2xf32> -> vector<128x2xf32>
    %get3A_64 = arith.constant 0 : index
    %get3A_65 = arith.constant 0 : index
    %get3A_66 = vector.load %arg15[%get3A_64, %get3A_65] : memref<1x2xf32, #tpu.memory_space<vmem>>, vector<1x2xf32>
    %add3A_67 = vector.broadcast %get3A_66 : vector<1x2xf32> to vector<128x2xf32>
    %add3A_68 = arith.addf %dot_general3A_63, %add3A_67 : vector<128x2xf32>
    %swap3A_69 = arith.constant 0 : index
    %swap3A_70 = arith.constant 0 : index
    %swap3A_71 = vector.load %arg21[%swap3A_69, %swap3A_70] : memref<128x2xf32, #tpu.memory_space<vmem>>, vector<128x2xf32>
    tpu.vector_store %arg21[%swap3A_69, %swap3A_70], %add3A_68 {strides = array<i32>} : memref<128x2xf32, #tpu.memory_space<vmem>>, vector<128x2xf32>,
    %get3A_72 = arith.constant 0 : index
    %get3A_73 = arith.constant 0 : index
    %get3A_74 = vector.load %arg16[%get3A_72, %get3A_73] : memref<64x64xf32, #tpu.memory_space<vmem>>, vector<64x64xf32>
    %convert_element_type3A_75 = arith.truncf %add3A_14 : vector<128x64xf32> to vector<128x64xbf16>
    %convert_element_type3A_76 = arith.truncf %get3A_74 : vector<64x64xf32> to vector<64x64xbf16>
    %dot_general3A_77 = arith.constant dense<0.000000e+00> : vector<128x64xf32>
    %dot_general3A_78 = tpu.matmul %convert_element_type3A_75, %convert_element_type3A_76, %dot_general3A_77 {dimension_numbers = #tpu.dot_dimension_numbers<[1], [0], [0], [1], [0, 0, 1, 1], [], []>, transpose_lhs_hint = false} : vector<128x64xbf16>, vector<64x64xbf16>, vector<128x64xf32> -> vector<128x64xf32>
    %get3A_79 = arith.constant 0 : index
    %get3A_80 = arith.constant 0 : index
    %get3A_81 = vector.load %arg17[%get3A_79, %get3A_80] : memref<1x64xf32, #tpu.memory_space<vmem>>, vector<1x64xf32>
    %add3A_82 = vector.broadcast %get3A_81 : vector<1x64xf32> to vector<128x64xf32>
    %add3A_83 = arith.addf %dot_general3A_78, %add3A_82 : vector<128x64xf32>
    %max3A_84 = arith.constant 0.000000e+00 : f32
    %max3A_85 = vector.broadcast %max3A_84 : f32 to vector<128x64xf32>
    %max3A_86 = arith.maximumf %add3A_83, %max3A_85 : vector<128x64xf32>
    %get3A_87 = arith.constant 0 : index
    %get3A_88 = arith.constant 0 : index
    %get3A_89 = vector.load %arg18[%get3A_87, %get3A_88] : memref<64x2xf32, #tpu.memory_space<vmem>>, vector<64x2xf32>
    %convert_element_type3A_90 = arith.truncf %max3A_86 : vector<128x64xf32> to vector<128x64xbf16>
    %convert_element_type3A_91 = arith.truncf %get3A_89 : vector<64x2xf32> to vector<64x2xbf16>
    %dot_general3A_92 = arith.constant dense<0.000000e+00> : vector<128x2xf32>
    %dot_general3A_93 = tpu.matmul %convert_element_type3A_90, %convert_element_type3A_91, %dot_general3A_92 {dimension_numbers = #tpu.dot_dimension_numbers<[1], [0], [0], [1], [0, 0, 1, 1], [], []>, transpose_lhs_hint = false} : vector<128x64xbf16>, vector<64x2xbf16>, vector<128x2xf32> -> vector<128x2xf32>
    %get3A_94 = arith.constant 0 : index
    %get3A_95 = arith.constant 0 : index
    %get3A_96 = vector.load %arg19[%get3A_94, %get3A_95] : memref<1x2xf32, #tpu.memory_space<vmem>>, vector<1x2xf32>
    %add3A_97 = vector.broadcast %get3A_96 : vector<1x2xf32> to vector<128x2xf32>
    %add3A_98 = arith.addf %dot_general3A_93, %add3A_97 : vector<128x2xf32>
    %swap3A_99 = arith.constant 0 : index
    %swap3A_100 = arith.constant 0 : index
    %swap3A_101 = vector.load %arg22[%swap3A_99, %swap3A_100] : memref<128x2xf32, #tpu.memory_space<vmem>>, vector<128x2xf32>
    tpu.vector_store %arg22[%swap3A_99, %swap3A_100], %add3A_98 {strides = array<i32>} : memref<128x2xf32, #tpu.memory_space<vmem>>, vector<128x2xf32>,
    %get3A_102 = arith.constant 0 : index
    %get3A_103 = arith.constant 0 : index
    %get3A_104 = vector.load %arg4[%get3A_102, %get3A_103] : memref<64x2xf32, #tpu.memory_space<vmem>>, vector<64x2xf32>
    %convert_element_type3A_105 = arith.truncf %get3A_4 : vector<128x64xf32> to vector<128x64xbf16>
    %convert_element_type3A_106 = arith.truncf %get3A_104 : vector<64x2xf32> to vector<64x2xbf16>
    %dot_general3A_107 = arith.constant dense<0.000000e+00> : vector<128x2xf32>
    %dot_general3A_108 = tpu.matmul %convert_element_type3A_105, %convert_element_type3A_106, %dot_general3A_107 {dimension_numbers = #tpu.dot_dimension_numbers<[1], [0], [0], [1], [0, 0, 1, 1], [], []>, transpose_lhs_hint = false} : vector<128x64xbf16>, vector<64x2xbf16>, vector<128x2xf32> -> vector<128x2xf32>
    %get3A_109 = arith.constant 0 : index
    %get3A_110 = arith.constant 0 : index
    %get3A_111 = vector.load %arg5[%get3A_109, %get3A_110] : memref<1x2xf32, #tpu.memory_space<vmem>>, vector<1x2xf32>
    %add3A_112 = vector.broadcast %get3A_111 : vector<1x2xf32> to vector<128x2xf32>
    %add3A_113 = arith.addf %dot_general3A_108, %add3A_112 : vector<128x2xf32>
    %swap3A_114 = arith.constant 0 : index
    %swap3A_115 = arith.constant 0 : index
    %swap3A_116 = vector.load %arg23[%swap3A_114, %swap3A_115] : memref<128x2xf32, #tpu.memory_space<vmem>>, vector<128x2xf32>
    tpu.vector_store %arg23[%swap3A_114, %swap3A_115], %add3A_113 {strides = array<i32>} : memref<128x2xf32, #tpu.memory_space<vmem>>, vector<128x2xf32>,
    %get3A_117 = arith.constant 0 : index
    %get3A_118 = arith.constant 0 : index
    %get3A_119 = vector.load %arg6[%get3A_117, %get3A_118] : memref<64x2xf32, #tpu.memory_space<vmem>>, vector<64x2xf32>
    %convert_element_type3A_120 = arith.truncf %get3A_10 : vector<128x64xf32> to vector<128x64xbf16>
    %convert_element_type3A_121 = arith.truncf %get3A_119 : vector<64x2xf32> to vector<64x2xbf16>
    %dot_general3A_122 = arith.constant dense<0.000000e+00> : vector<128x2xf32>
    %dot_general3A_123 = tpu.matmul %convert_element_type3A_120, %convert_element_type3A_121, %dot_general3A_122 {dimension_numbers = #tpu.dot_dimension_numbers<[1], [0], [0], [1], [0, 0, 1, 1], [], []>, transpose_lhs_hint = false} : vector<128x64xbf16>, vector<64x2xbf16>, vector<128x2xf32> -> vector<128x2xf32>
    %get3A_124 = arith.constant 0 : index
    %get3A_125 = arith.constant 0 : index
    %get3A_126 = vector.load %arg7[%get3A_124, %get3A_125] : memref<1x2xf32, #tpu.memory_space<vmem>>, vector<1x2xf32>
    %add3A_127 = vector.broadcast %get3A_126 : vector<1x2xf32> to vector<128x2xf32>
    %add3A_128 = arith.addf %dot_general3A_123, %add3A_127 : vector<128x2xf32>
    %swap3A_129 = arith.constant 0 : index
    %swap3A_130 = arith.constant 0 : index
    %swap3A_131 = vector.load %arg24[%swap3A_129, %swap3A_130] : memref<128x2xf32, #tpu.memory_space<vmem>>, vector<128x2xf32>
    tpu.vector_store %arg24[%swap3A_129, %swap3A_130], %add3A_128 {strides = array<i32>} : memref<128x2xf32, #tpu.memory_space<vmem>>, vector<128x2xf32>,
    return
  }
}

module attributes {stable_mosaic.version = 14 : i64} {
  func.func @_tc4_body(%arg0: memref<128x64xf32, #tpu.memory_space<vmem>>, %arg1: memref<128x64xf32, #tpu.memory_space<vmem>>, %arg2: memref<64x64xf32, #tpu.memory_space<vmem>>, %arg3: memref<1x64xf32, #tpu.memory_space<vmem>>, %arg4: memref<128x64xf32, #tpu.memory_space<vmem>>, %arg5: memref<128x64xf32, #tpu.memory_space<vmem>>) attributes {dimension_semantics = [], scalar_prefetch = 0 : i64, scratch_operands = 0 : i64, tpu.core_type = #tpu.core_type<tc>} {
    %get3A = arith.constant 0 : index
    %get3A_0 = arith.constant 0 : index
    %get3A_1 = vector.load %arg1[%get3A, %get3A_0] : memref<128x64xf32, #tpu.memory_space<vmem>>, vector<128x64xf32>
    %get3A_2 = arith.constant 0 : index
    %get3A_3 = arith.constant 0 : index
    %get3A_4 = vector.load %arg2[%get3A_2, %get3A_3] : memref<64x64xf32, #tpu.memory_space<vmem>>, vector<64x64xf32>
    %convert_element_type3A = arith.truncf %get3A_1 : vector<128x64xf32> to vector<128x64xbf16>
    %convert_element_type3A_5 = arith.truncf %get3A_4 : vector<64x64xf32> to vector<64x64xbf16>
    %dot_general3A = arith.constant dense<0.000000e+00> : vector<128x64xf32>
    %dot_general3A_6 = tpu.matmul %convert_element_type3A, %convert_element_type3A_5, %dot_general3A {dimension_numbers = #tpu.dot_dimension_numbers<[1], [0], [0], [1], [0, 0, 1, 1], [], []>, transpose_lhs_hint = false} : vector<128x64xbf16>, vector<64x64xbf16>, vector<128x64xf32> -> vector<128x64xf32>
    %get3A_7 = arith.constant 0 : index
    %get3A_8 = arith.constant 0 : index
    %get3A_9 = vector.load %arg3[%get3A_7, %get3A_8] : memref<1x64xf32, #tpu.memory_space<vmem>>, vector<1x64xf32>
    %add3A = vector.broadcast %get3A_9 : vector<1x64xf32> to vector<128x64xf32>
    %add3A_10 = arith.addf %dot_general3A_6, %add3A : vector<128x64xf32>
    %swap3A = arith.constant 0 : index
    %swap3A_11 = arith.constant 0 : index
    %swap3A_12 = vector.load %arg5[%swap3A, %swap3A_11] : memref<128x64xf32, #tpu.memory_space<vmem>>, vector<128x64xf32>
    tpu.vector_store %arg5[%swap3A, %swap3A_11], %add3A_10 {strides = array<i32>} : memref<128x64xf32, #tpu.memory_space<vmem>>, vector<128x64xf32>,
    %get3A_13 = arith.constant 0 : index
    %get3A_14 = arith.constant 0 : index
    %get3A_15 = vector.load %arg0[%get3A_13, %get3A_14] : memref<128x64xf32, #tpu.memory_space<vmem>>, vector<128x64xf32>
    %get3A_16 = arith.constant 0 : index
    %get3A_17 = arith.constant 0 : index
    %get3A_18 = vector.load %arg2[%get3A_16, %get3A_17] : memref<64x64xf32, #tpu.memory_space<vmem>>, vector<64x64xf32>
    %convert_element_type3A_19 = arith.truncf %get3A_15 : vector<128x64xf32> to vector<128x64xbf16>
    %convert_element_type3A_20 = arith.truncf %get3A_18 : vector<64x64xf32> to vector<64x64xbf16>
    %dot_general3A_21 = arith.constant dense<0.000000e+00> : vector<128x64xf32>
    %dot_general3A_22 = tpu.matmul %convert_element_type3A_19, %convert_element_type3A_20, %dot_general3A_21 {dimension_numbers = #tpu.dot_dimension_numbers<[1], [0], [0], [1], [0, 0, 1, 1], [], []>, transpose_lhs_hint = false} : vector<128x64xbf16>, vector<64x64xbf16>, vector<128x64xf32> -> vector<128x64xf32>
    %get3A_23 = arith.constant 0 : index
    %get3A_24 = arith.constant 0 : index
    %get3A_25 = vector.load %arg3[%get3A_23, %get3A_24] : memref<1x64xf32, #tpu.memory_space<vmem>>, vector<1x64xf32>
    %add3A_26 = vector.broadcast %get3A_25 : vector<1x64xf32> to vector<128x64xf32>
    %add3A_27 = arith.addf %dot_general3A_22, %add3A_26 : vector<128x64xf32>
    %swap3A_28 = arith.constant 0 : index
    %swap3A_29 = arith.constant 0 : index
    %swap3A_30 = vector.load %arg4[%swap3A_28, %swap3A_29] : memref<128x64xf32, #tpu.memory_space<vmem>>, vector<128x64xf32>
    tpu.vector_store %arg4[%swap3A_28, %swap3A_29], %add3A_27 {strides = array<i32>} : memref<128x64xf32, #tpu.memory_space<vmem>>, vector<128x64xf32>,
    return
  }
}

</mosaic_0001>

<sc_bundles>
// kernel: kernel.11.cloned.1.call-start
scs
__scs_entry_jumppad:
0x0: {  	(pc) =	sbr.rel $0x88, $3  }
0x1: {  	(tag) =	ssettag $0x0;
	lr =	simm.s32 $0x1  }
0x2: {  	[smem:$0x3F82] =	sst lr;
	_ =	strace $0xD0000000  }
0x3: {  	_ = 	snop  }
0x4: {  	_ = 	snop  }
0x5: {  	_ = 	snop  }
0x6: {  	_ = 	snop  }
0x7: {  	_ = 	snop  }
__scs_overlays_trampoline_lowered:
0x8: {  	[smem:$0x3F91] =	sst s0  }
0x9: {  	[smem:$0x3F92] =	sst s1  }
0xa: {  	[smem:$0x3F93] =	sst s2  }
0xb: {  	[smem:$0x3F94] =	sst s3  }
0xc: {  	[smem:$0x3F95] =	sst s4  }
0xd: {  	[smem:$0x3F96] =	sst s5  }
0xe: {  	[smem:$0x3F97] =	sst s6  }
0xf: {  	[smem:$0x3F98] =	sst s7  }
0x10: {  	[smem:$0x3F99] =	sst s8  }
0x11: {  	[smem:$0x3F9A] =	sst s9;
	s0 =	simm.s32 @!p0 $0x0  }
0x12: {  	s1 =	sld [smem:$0x3F80];
	s0 =	simm.s32 @p0 $0x1  }
0x13: {  	[smem:$0x3F9B] =	sst s0;
	s0 =	simm.s32 @!p1 $0x0  }
0x14: {  	s2 =	sld [smem:$0x3F7F];
	s0 =	simm.s32 @p1 $0x1  }
0x15: {  	[smem:$0x3F9C] =	sst s0;
	s0 =	simm.s32 @!p2 $0x0  }
0x16: {  	s3 =	sld [smem:$0x3FDB];
	s0 =	simm.s32 @p2 $0x1  }
0x17: {  	s4 =	simm.s32 $0x1BF5;
	[smem:$0x3F9E] =	sst s0  }
0x18: {  	s0 =	sld [smem:$0x3F81];
	_ =	swait.ge [sflag:s4], $0x0  }
0x19: {  	s7 =	sld [smem:$0x3F82]  }
0x1a: {  	s8 =	sadd.s32 $0xFFFFE003, lr  }
0x1b: {  	s9 =	sadd.s32 $0xFFFFFEF7, lr;
	s5 =	simm.s32 $0xFFFFFFFF;
	p2 =	slt.u32 s8, $0xFFFFF086  }
0x1c: {  	p1 =	slt.u32 s9, $0xF7A;
	s5 =	simm.s32 @!p2 $0x0  }
0x1d: {  	s5 =	simm.s32 @p1 $0x1;
	p0 =	seq.s32 s7, s2  }
0x1e: {  	s7 =	smul.u32 @!p0 $0xF7A, s2;
	p2 =	seq.s32 @!p0 s5, $0x0  }
0x1f: {  	s9 =	smul.u32 $0xF7A, s1;
	s8 =	simm.s32 @!p0 $0x1BF5;
	p2 =	por !p2, p0  }
0x20: {  	[sflag:s8] =	ssyncset.s32 @!p0 $0xFFFFF086;
	s6 =	sadd.s32 @!p0 s3, s7;
	s7 =	simm.s32 @!p0 $0x108  }
0x21: {  	s3 =	sadd.s32 s3, s9;
	s6 =	sadd.s32 @!p0 $0x88, s6;
	s7 =	simm.s32 @p2 $0x1082  }
0x22: {  	[simem:s7], [sflag:s8] =	dma.local @!p0 [hbm:s6], $0xF7A  }
0x23: {  	s9 =	sor.u32 $0xD0000000, s2;
	s6 =	simm.s32 $0x108;
	_ =	swait.ge @!p0 [sflag:s8], $0x0  }
0x24: {  	s3 =	sadd.s32 $0x88, s3;
	s6 =	simm.s32 @!p1 $0x1082;
	[sflag:s4] =	ssyncset.s32 $0xFFFFF086  }
0x25: {  	[simem:s6], [sflag:s4] =	dma.local [hbm:s3], $0xF7A  }
0x26: {  	[smem:$0x3F82] =	sst s1;
	(tag) =	ssettag s2;
	_ =	strace s9  }
0x27: {  	s1 =	sld [smem:$0x3F92]  }
0x28: {  	s2 =	sld [smem:$0x3F93]  }
0x29: {  	s4 =	sld [smem:$0x3F95]  }
0x2a: {  	p0 =	seq.s32 s5, $0x0;
	s5 =	sld [smem:$0x3F96]  }
0x2b: {  	s6 =	sld [smem:$0x3F97]  }
0x2c: {  	s7 =	sld [smem:$0x3F98]  }
0x2d: {  	s3 =	simm.s32 $0x108;
	s8 =	sld [smem:$0x3F99]  }
0x2e: {  	s3 =	simm.s32 @!p0 $0x1082;
	s9 =	sld [smem:$0x3F9A]  }
0x2f: {  	lr =	sadd.s32 s0, s3;
	s0 =	sld [smem:$0x3F91]  }
0x30: {  	s3 =	sld [smem:$0x3F94]  }
0x31: {  	[smem:$0x3F9D] =	sst s10  }
0x32: {  	s10 =	sld [smem:$0x3F9B];
	_ =	sdelay $0x3  }
0x33: {  	p0 =	seq.s32 s10, $0x1;
	s10 =	sld [smem:$0x3F9D];
	_ =	sdelay $0x3  }
0x34: {  	[smem:$0x3F9D] =	sst s10  }
0x35: {  	s10 =	sld [smem:$0x3F9C];
	_ =	sdelay $0x3  }
0x36: {  	p1 =	seq.s32 s10, $0x1;
	s10 =	sld [smem:$0x3F9D];
	_ =	sdelay $0x3  }
0x37: {  	[smem:$0x3F9D] =	sst s10  }
0x38: {  	s10 =	sld [smem:$0x3F9E]  }
0x39: {  	_ = 	snop;
	(pc) =	sbr.ind lr, $3  }
0x3a: {  	_ = 	snop  }
0x3b: {  	_ = 	snop  }
0x3c: {  	p2 =	seq.s32 s10, $0x1;
	s10 =	sld [smem:$0x3F9D]  }
0x3d: {  	_ =	shalt  }
0x3e: {  	_ =	shalt  }
0x3f: {  	_ =	shalt  }
0x40: {  	_ =	shalt  }
0x41: {  	_ =	shalt  }
0x42: {  	_ =	shalt  }
0x43: {  	_ =	shalt  }
0x44: {  	_ =	shalt  }
0x45: {  	_ =	shalt  }
0x46: {  	_ =	shalt  }
0x47: {  	_ =	shalt  }
0x48: {  	_ =	shalt  }
0x49: {  	_ =	shalt  }
0x4a: {  	_ =	shalt  }
0x4b: {  	_ =	shalt  }
0x4c: {  	_ =	shalt  }
0x4d: {  	_ =	shalt  }
0x4e: {  	_ =	shalt  }
0x4f: {  	_ =	shalt  }
0x50: {  	_ =	shalt  }
0x51: {  	_ =	shalt  }
0x52: {  	_ =	shalt  }
0x53: {  	_ =	shalt  }
0x54: {  	_ =	shalt  }
0x55: {  	_ =	shalt  }
0x56: {  	_ =	shalt  }
0x57: {  	_ =	shalt  }
0x58: {  	_ =	shalt  }
0x59: {  	_ =	shalt  }
0x5a: {  	_ =	shalt  }
0x5b: {  	_ =	shalt  }
0x5c: {  	_ =	shalt  }
0x5d: {  	_ =	shalt  }
0x5e: {  	_ =	shalt  }
0x5f: {  	_ =	shalt  }
0x60: {  	_ =	shalt  }
0x61: {  	_ =	shalt  }
0x62: {  	_ =	shalt  }
0x63: {  	_ =	shalt  }
0x64: {  	_ =	shalt  }
0x65: {  	_ =	shalt  }
0x66: {  	_ =	shalt  }
0x67: {  	_ =	shalt  }
0x68: {  	_ =	shalt  }
0x69: {  	_ =	shalt  }
0x6a: {  	_ =	shalt  }
0x6b: {  	_ =	shalt  }
0x6c: {  	_ =	shalt  }
0x6d: {  	_ =	shalt  }
0x6e: {  	_ =	shalt  }
0x6f: {  	_ =	shalt  }
0x70: {  	_ =	shalt  }
0x71: {  	_ =	shalt  }
0x72: {  	_ =	shalt  }
0x73: {  	_ =	shalt  }
0x74: {  	_ =	shalt  }
0x75: {  	_ =	shalt  }
0x76: {  	_ =	shalt  }
0x77: {  	_ =	shalt  }
0x78: {  	_ =	shalt  }
0x79: {  	_ =	shalt  }
0x7a: {  	_ =	shalt  }
0x7b: {  	_ =	shalt  }
0x7c: {  	_ =	shalt  }
0x7d: {  	_ =	shalt  }
0x7e: {  	_ =	shalt  }
0x7f: {  	_ =	shalt  }
0x80: {  	_ =	shalt  }
0x81: {  	_ =	shalt  }
0x82: {  	_ =	shalt  }
0x83: {  	_ =	shalt  }
0x84: {  	_ =	shalt  }
0x85: {  	_ =	shalt  }
0x86: {  	_ =	shalt  }
0x87: {  	_ =	shalt  }
.Lfunc_end0:
.L_simem_size_0:
called_computation.1_lowered:
.L_overlay_start_0:
0x88: {  	s2 =	sld [smem:$0x3FD9]  }
0x89: {  	s3 =	sld [smem:$0x3FFE];
	_ =	sdelay $0x1  }
0x8a: {  	s1 =	srdreg.scid  }
0x8b: {  	s0 =	sand.u32 $0x1, s1  }
0x8c: {  	s16 =	sshll.u32 s0, $0xA;
	s2 =	sadd.s32 s3, s2  }
0x8d: {  	s2 =	sadd.s32 s2, s16  }
0x8e: {  	[smem:$0x3FA9] =	sst s2  }
0x8f: {  	_ = 	snop  }
0x90: {  	(tm) =	ssettm $0x1  }
0x91: {  	s17 =	sld [smem:$0x3FFB];
	_ =	sdelay $0x3  }
0x92: {  	_ =	strace s17  }
0x93: {  	s2 =	sld [smem:$0x3FFC];
	_ =	sdelay $0x3  }
0x94: {  	_ =	strace s2  }
0x95: {  	s2 =	sld [smem:$0x3FFD];
	_ =	sdelay $0x3  }
0x96: {  	_ =	strace s2  }
0x97: {  	_ =	strace $0x8FFFFFFF  }
0x98: {  	s18 =	sld [smem:$0x3FDB];
	_ =	sdelay $0x1  }
0x99: {  	s19 =	simm.s32 $_scs_section_size  }
0x9a: {  	s4 =	simm.s32 $_size__tile_overlayer_lowered;
	s5 =	simm.s32 $_tile_overlayer_lowered  }
0x9b: {  	s22 =	simm.s32 $0x1BFF;
	s21 =	sshll.u32 s5, $0x1;
	s2 =	sadd.s32 s19, s18  }
0x9c: {  	s6 =	simm.s32 $0x0;
	s20 =	sshll.u32 s4, $0x1;
	s4 =	sadd.s32 s21, s2  }
0x9d: {  	[timem:s6], [sflag:s22] =	dma.local [hbm:s4], s20  }
0x9e: {  	_ =	swait.ge [sflag:s22], s20  }
0x9f: {  	s3 =	ssub.s32 $0x0, s20;
	[sflag:s22] =	ssyncset.done $0x0  }
0xa0: {  	[sflag:s22] =	ssyncadd.s32 s3;
	_ =	sdelay $0x1  }
0xa1: {  	s23 =	simm.s32 $0x1B8B  }
0xa2: {  	_ =	swait.ge [sflag:s23], $0x1  }
0xa3: {  	[sflag:s23] =	ssyncset.done $0x0  }
0xa4: {  	s25 =	simm.s32 $0x1B8E;
	s24 =	sld [smem:$0x3FFE];
	[sflag:s23] =	ssyncadd.s32 $0xFFFFFFFF  }
0xa5: {  	s26 =	simm.s32 $execute0_lowered;
	[smem:$0x3FD2] =	sst s25  }
0xa6: {  	s4 =	sshll.u32 s26, $0x1;
	_ =	strace $0x80000049;
	[dreg:$0x1] =	wrdreg $0xFFFFFFFF  }
0xa7: {  	s28 =	simm.s32 $_size_execute0_lowered;
	s2 =	sadd.s32 s2, s4;
	[dreg:$0x0] =	wrdreg $0x0  }
0xa8: {  	s4 =	sshll.u32 s28, $0x1;
	[dreg:$0x2] =	wrdreg s2  }
0xa9: {  	[dreg:$0x3] =	wrdreg s4  }
0xaa: {  	[dreg:$0x4] =	wrdreg $0xC0  }
0xab: {  	_ =	task [dreg:s6], $0x5FFFF  }
0xac: {  	[dreg:$0x1] =	wrdreg $0xFFFFFFFF  }
0xad: {  	[dreg:$0x0] =	wrdreg $0x60  }
0xae: {  	[dreg:$0x2] =	wrdreg s24  }
0xaf: {  	[dreg:$0x3] =	wrdreg $0x90000  }
0xb0: {  	[dreg:$0x4] =	wrdreg $0x9  }
0xb1: {  	_ =	task.clear_ibuf [dreg:s6], $0x5FFFF;
	_ =	strace $0x90000049  }
0xb2: {  	s29 =	simm.s32 $0x9;
	_ =	strace $0x8000004B  }
0xb3: {  	_ =	swait.ge [sflag:s29], $0x1  }
0xb4: {  	[sflag:s29] =	ssyncadd.s32 $0xFFFFFFFF  }
0xb5: {  	_ =	strace $0x9000004B  }
0xb6: {  	_ =	sfence  }
0xb7: {  	s30 =	sld [smem:$0x0];
	_ =	sdelay $0x2  }
0xb8: {  	s31 =	sshll.u32 s1, $0xD;
	s1 =	sshrl.u32 s1, $0x2  }
0xb9: {  	s3 =	sand.u32 $0x4000, s31;
	s1 =	sadd.s32 s1, s30  }
0xba: {  	s0 =	sor.u32 s3, s0;
	s1 =	sshll.u32 s1, $0x11  }
0xbb: {  	s0 =	sor.u32 s1, s0  }
0xbc: {  	s0 =	sadd.s32 $0x8F2B, s0  }
0xbd: {  	[sflag:s0] =	ssyncadd.remote.s32 $0x1  }
0xbe: {  	_ =	sfence.sel $0xFFFF  }
0xbf: {  	[dreg:$0x0] =	wrdreg $0xFFFFFFFF;
	(pc) =	sbr.abs _section_cstart, $3  }
0xc0: {  	[dreg:$0x1] =	wrdreg $0xFFFFFFFF  }
0xc1: {  	_ =	task.clear_ibuf [dreg:s6], $0x2FFFF;
	_ =	strace $0x9FFFFFFF  }
0xc2: {  	(tm) =	ssettm $0x7FFFFFFF  }
0xc3: {  	_ =	shalt  }
tec
execute0_lowered:
.L_overlay_start_1:
0x0: {  	(tag) =	ssettag $0x1  }
0x1: {  	s0 =	rddreg [dreg:$0x0]  }
0x2: {  	s1 =	rddreg [dreg:$0x1];
	s3 =	simm.s32 $0x0  }
0x3: {  	s2 =	stileid.u32;
	s6 =	srdreg.scid;
	s20 =	simm.s32 $0x2800  }
0x4: {  	s21 =	simm.s32 $0x40;
	s22 =	simm.s32 $0x5000;
	s23 =	simm.s32 $0x7000  }
0x5: {  	s24 =	simm.s32 $0x1;
	s28 =	simm.s32 $0x4F00;
	s29 =	simm.s32 $0x4F80  }
0x6: {  	[smem:$0x7FF] =	sst s3;
	s4 =	sadd.s32 $0x53000, s0;
	s5 =	smul.u32 $0x2700, s2  }
0x7: {  	s9 =	sadd.s32 $0x4A00, s0;
	s10 =	sadd.s32 $0x18400, s0;
	s8 =	sand.u32 $0x1, s6  }
0x8: {  	s25 =	smul.u32 $0x4E000, s2;
	s13 =	sadd.s32 $0x7A200, s0;
	s16 =	sadd.s32 $0x124800, s1  }
0x9: {  	s17 =	smul.u32 $0x13800, s2;
	p0 =	seq.s32 s2, $0xF;
	_ =	strace $0x8000004A  }
0xa: {  	s7 =	sshll.u32 s8, $0x4;
	s11 =	ssub.s32 $0x2, s8;
	s14 =	smul.u32 $0x138800, s8  }
0xb: {  	s16 =	sshrl.u32 @p0 s16, $0x3;
	s5 =	sadd.s32 s5, s0;
	s19 =	sor.u32 s2, s7  }
0xc: {  	s26 =	sshrl.u32 s11, $0x1;
	s6 =	sshrl.u32 s25, $0x2;
	s25 =	simm.s32 $0x2  }
0xd: {  	s12 =	smul.u32 $0xA00, s19;
	s15 =	ssub.s32 s11, s26;
	s18 =	sadd.s32 s6, s1  }
0xe: {  	s30 =	smul.u32 $0x5000, s19;
	s5 =	sadd.s32 $0x2BE00, s5;
	s6 =	sadd.s32 $0x50700, s0  }
0xf: {  	s31 =	sadd.s32 s17, s14;
	s14 =	sshrl.u32 s14, $0x3;
	p1 =	seq.s32 s19, $0x1F  }
0x10: {  	s19 =	simm.s32 $0x3;
	s14 =	sadd.s32 s13, s14;
	s11 =	sshrl.u32 s30, $0x3  }
.Ltmp0:
0x11: {  	s7 =	sadd.s32 s9, s12;
	s11 =	sadd.s32 $0x500, s11;
	(pc) =	sbr.rel .LBB2_1-.Ltmp0, $4  }
0x12: {  	s8 =	sadd.s32 s10, s12;
	s12 =	sadd.s32 $0x2BA00, s0;
	s9 =	sadd.s32 s9, s11  }
0x13: {  	s10 =	sadd.s32 s10, s11;
	s11 =	sadd.s32 $0x18000, s0;
	s0 =	sshrl.u32 s31, $0x3  }
0x14: {  	s15 =	smax.u32 s15, $0x1;
	s13 =	sadd.s32 s13, s0;
	s0 =	sshll.u32 @!p0 s2, $0x6  }
0x15: {  	s18 =	sshrl.u32 @!p0 s18, $0x3;
	s14 =	sadd.s32 $0x24900, s14;
	s17 =	sor.u32 @!p0 $0x1C03, s0  }
.LBB2_7:
0x16: {  	s0 =	sadd.s32 $0x80, s30;
	[sflag:s19] =	ssyncadd.s32 @p2 $0xFFFFE000  }
0x17: {  	[tilespmem:s23], [sflag:$0x2] =	stream.indirect.gather [hbm4b:s4+s21], $0x80, s0, s21, $0xb8;
	[tilespmem:$0x1C880] =	vst v63  }
0x18: {  	_ =	swait.ge [sflag:s24], $0x2000  }
0x19: {  	[sflag:s24] =	ssyncset.done $0x0  }
0x1a: {  	s26 =	sadd.s32 $0x2800, s30;
	[sflag:s24] =	ssyncadd.s32 $0xFFFFE000  }
0x1b: {  	[spmem:s1] =	stream.indirect.scatter.add.f32 [tilespmem:s22], [sflag:$0x3], $0x80, s26, s21, $0xb8;
	[tilespmem:$0x1C880] =	vst v63  }
0x1c: {  	_ =	swait.ge [sflag:s19], $0x2000  }
0x1d: {  	[sflag:s19] =	ssyncset.done $0x0  }
0x1e: {  	s2 =	sadd.s32 $0x100, s30;
	[sflag:s19] =	ssyncadd.s32 $0xFFFFE000  }
0x1f: {  	[tilespmem:s22], [sflag:$0x1] =	stream.indirect.gather [hbm4b:s4+s21], $0x80, s2, s21, $0xb8;
	[tilespmem:$0x1C880] =	vst v63  }
0x20: {  	_ =	swait.ge [sflag:s25], $0x2000  }
0x21: {  	[sflag:s25] =	ssyncset.done $0x0  }
0x22: {  	s26 =	sadd.s32 $0x2880, s30;
	[sflag:s25] =	ssyncadd.s32 $0xFFFFE000  }
0x23: {  	[spmem:s1] =	stream.indirect.scatter.add.f32 [tilespmem:s23], [sflag:$0x3], $0x80, s26, s21, $0xb8;
	[tilespmem:$0x1C880] =	vst v63  }
0x24: {  	_ =	swait.ge [sflag:s19], $0x2000  }
0x25: {  	s31 =	simm.s32 $0x4F00;
	[sflag:s19] =	ssyncset.done $0x0  }
0x26: {  	s0 =	simm.s32 $0x2780;
	s30 =	simm.s32 $0x4F80;
	[sflag:s19] =	ssyncadd.s32 $0xFFFFE000  }
.LBB2_11:
0x27: {  	[tilespmem:s23], [sflag:$0x2] =	stream.indirect.gather [hbm4b:s4+s21], $0x80, s0, s21, $0xb8;
	[tilespmem:$0x1C880] =	vst v63  }
0x28: {  	_ =	swait.ge [sflag:s24], $0x2000  }
0x29: {  	[sflag:s24] =	ssyncset.done $0x0  }
0x2a: {  	[sflag:s24] =	ssyncadd.s32 $0xFFFFE000  }
0x2b: {  	[spmem:s1] =	stream.indirect.scatter.add.f32 [tilespmem:s22], [sflag:$0x3], $0x80, s31, s21, $0xb8;
	[tilespmem:$0x1C880] =	vst v63  }
0x2c: {  	_ =	swait.ge [sflag:s19], $0x2000  }
0x2d: {  	[sflag:s19] =	ssyncset.done $0x0  }
0x2e: {  	[sflag:s19] =	ssyncadd.s32 $0xFFFFE000  }
0x2f: {  	_ =	swait.ge [sflag:s25], $0x2000  }
0x30: {  	[sflag:s25] =	ssyncset.done $0x0  }
0x31: {  	[sflag:s25] =	ssyncadd.s32 $0xFFFFE000  }
0x32: {  	[spmem:s1] =	stream.indirect.scatter.add.f32 [tilespmem:s23], [sflag:$0x3], $0x80, s30, s21, $0xb8;
	[tilespmem:$0x1C880] =	vst v63  }
0x33: {  	_ =	swait.ge [sflag:s19], $0x2000  }
0x34: {  	[sflag:s19] =	ssyncset.done $0x0  }
0x35: {  	[sflag:s19] =	ssyncadd.s32 $0xFFFFE000  }
0x36: {  	s0 =	simm.s32 @p0 $0x1FC3;
	[bflag:$0x0] =	sbarrier.arrive $0xFFFF  }
0x37: {  	[hbm:s14], [sflag:s0] =	dma.local @p0 [spmem:s16], $0x2800  }
0x38: {  	s0 =	simm.s32 @p0 $0x3  }
0x39: {  	s3 =	sadd.s32 $0x1, s3;
	_ =	swait.ge @p0 [sflag:s0], $0x2800  }
0x3a: {  	p2 =	sne.s32 s3, s15;
	[sflag:s0] =	ssyncset.done @p0 $0x0  }
.Ltmp1:
0x3b: {  	[sflag:s0] =	ssyncadd.s32 @p0 $0xFFFFD800;
	s0 =	simm.s32 @!p0 $0x3;
	(pc) =	sbr.rel @!p2 .LBB2_12-.Ltmp1, $4  }
0x3c: {  	[hbm:s13], [sflag:s17] =	dma.local @!p0 [spmem:s18], $0x2700  }
0x3d: {  	_ =	swait.ge @!p0 [sflag:s0], $0x2700  }
0x3e: {  	[sflag:s0] =	ssyncset.done @!p0 $0x0  }
0x3f: {  	[sflag:s0] =	ssyncadd.s32 @!p0 $0xFFFFD900  }
.LBB2_1:
0x40: {  	s0 =	simm.s32 @p0 $0x1FC3  }
0x41: {  	[spmem:s16], [sflag:s0] =	dma.local @p0 [hbm:s6], $0x2800  }
0x42: {  	s0 =	simm.s32 @p0 $0x3  }
0x43: {  	_ =	swait.ge @p0 [sflag:s0], $0x2800  }
0x44: {  	[sflag:s0] =	ssyncset.done @p0 $0x0  }
0x45: {  	[sflag:s0] =	ssyncadd.s32 @p0 $0xFFFFD800;
	s0 =	simm.s32 @!p0 $0x3  }
0x46: {  	[spmem:s18], [sflag:s17] =	dma.local @!p0 [hbm:s5], $0x2700  }
.Ltmp2:
0x47: {  	_ =	swait.ge @!p0 [sflag:s0], $0x2700;
	(pc) =	sbr.rel @!p1 .LBB2_2-.Ltmp2, $4  }
0x48: {  	[sflag:s0] =	ssyncset.done @!p0 $0x0  }
0x49: {  	[sflag:s0] =	ssyncadd.s32 @!p0 $0xFFFFD900  }
0x4a: {  	[bflag:$0x0] =	sbarrier.arrive $0xFFFF  }
0x4b: {  	s0 =	simm.s32 $0x0  }
0x4c: {  	[tilespmem:s0], [sflag:$0x3] =	stream.linear.gather [hbm4b:s11+s0], $0x1400, $0x38;
	[tilespmem:$0x1C880] =	vst v63  }
0x4d: {  	_ =	swait.ge [sflag:s19], $0x1400  }
0x4e: {  	[sflag:s19] =	ssyncset.done $0x0  }
0x4f: {  	[sflag:s19] =	ssyncadd.s32 $0xFFFFEC00  }
0x50: {  	[tilespmem:s20], [sflag:$0x3] =	stream.linear.gather [hbm4b:s12+s0], $0x1400, $0x38;
	[tilespmem:$0x1C880] =	vst v63  }
0x51: {  	_ =	swait.ge [sflag:s19], $0x1400  }
0x52: {  	[sflag:s19] =	ssyncset.done $0x0  }
0x53: {  	[sflag:s19] =	ssyncadd.s32 $0xFFFFEC00  }
0x54: {  	[tilespmem:s22], [sflag:$0x1] =	stream.indirect.gather [hbm4b:s4+s21], $0x80, s0, s21, $0xb8;
	[tilespmem:$0x1C880] =	vst v63  }
0x55: {  	s2 =	simm.s32 $0x80  }
0x56: {  	[tilespmem:s23], [sflag:$0x2] =	stream.indirect.gather [hbm4b:s4+s21], $0x80, s2, s21, $0xb8;
	[tilespmem:$0x1C880] =	vst v63  }
0x57: {  	_ =	swait.ge [sflag:s24], $0x2000  }
0x58: {  	[sflag:s24] =	ssyncset.done $0x0  }
0x59: {  	s26 =	simm.s32 $0x2800;
	[sflag:s24] =	ssyncadd.s32 $0xFFFFE000  }
0x5a: {  	[spmem:s1] =	stream.indirect.scatter.add.f32 [tilespmem:s22], [sflag:$0x3], $0x80, s26, s21, $0xb8;
	[tilespmem:$0x1C880] =	vst v63  }
0x5b: {  	_ =	swait.ge [sflag:s19], $0x2000  }
0x5c: {  	[sflag:s19] =	ssyncset.done $0x0  }
0x5d: {  	s2 =	simm.s32 $0x100;
	[sflag:s19] =	ssyncadd.s32 $0xFFFFE000  }
0x5e: {  	[tilespmem:s22], [sflag:$0x1] =	stream.indirect.gather [hbm4b:s4+s21], $0x80, s2, s21, $0xb8;
	[tilespmem:$0x1C880] =	vst v63  }
0x5f: {  	_ =	swait.ge [sflag:s25], $0x2000  }
0x60: {  	[sflag:s25] =	ssyncset.done $0x0  }
0x61: {  	s26 =	simm.s32 $0x2880;
	[sflag:s25] =	ssyncadd.s32 $0xFFFFE000  }
0x62: {  	[spmem:s1] =	stream.indirect.scatter.add.f32 [tilespmem:s23], [sflag:$0x3], $0x80, s26, s21, $0xb8;
	[tilespmem:$0x1C880] =	vst v63  }
0x63: {  	_ =	swait.ge [sflag:s19], $0x2000  }
0x64: {  	s31 =	simm.s32 $0x800;
	s30 =	simm.s32 $0x100;
	[sflag:s19] =	ssyncset.done $0x0  }
.LBB2_9:
0x65: {  	s0 =	sadd.s32 $0x80, s30  }
0x66: {  	[sflag:s19] =	ssyncadd.s32 $0xFFFFE000;
	s2 =	smov.u32 s31;
	s26 =	sadd.s32 $0x400, s31  }
0x67: {  	[tilespmem:s23], [sflag:$0x2] =	stream.indirect.gather [hbm4b:s4+s21], $0x80, s0, s21, $0xb8;
	[tilespmem:$0x1C880] =	vst v63  }
0x68: {  	p2 =	sne.s32 s31, $0x4800;
	_ =	swait.ge [sflag:s24], $0x2000  }
0x69: {  	[sflag:s24] =	ssyncset.done $0x0  }
0x6a: {  	s0 =	sadd.s32 $0x2800, s30;
	[sflag:s24] =	ssyncadd.s32 $0xFFFFE000  }
0x6b: {  	[spmem:s1] =	stream.indirect.scatter.add.f32 [tilespmem:s22], [sflag:$0x3], $0x80, s0, s21, $0xb8;
	[tilespmem:$0x1C880] =	vst v63  }
0x6c: {  	_ =	swait.ge [sflag:s19], $0x2000  }
0x6d: {  	[sflag:s19] =	ssyncset.done $0x0  }
0x6e: {  	s0 =	sadd.s32 $0x100, s30;
	[sflag:s19] =	ssyncadd.s32 $0xFFFFE000  }
0x6f: {  	[tilespmem:s22], [sflag:$0x1] =	stream.indirect.gather [hbm4b:s4+s21], $0x80, s0, s21, $0xb8;
	[tilespmem:$0x1C880] =	vst v63  }
0x70: {  	_ =	swait.ge [sflag:s25], $0x2000  }
.Ltmp3:
0x71: {  	[sflag:s25] =	ssyncset.done $0x0;
	(pc) =	sbr.rel @p2 .LBB2_9-.Ltmp3, $4  }
0x72: {  	s0 =	sadd.s32 $0x2880, s30;
	[sflag:s25] =	ssyncadd.s32 $0xFFFFE000  }
0x73: {  	[spmem:s1] =	stream.indirect.scatter.add.f32 [tilespmem:s23], [sflag:$0x3], $0x80, s0, s21, $0xb8;
	[tilespmem:$0x1C880] =	vst v63  }
0x74: {  	_ =	swait.ge [sflag:s19], $0x2000  }
0x75: {  	s31 =	smov.u32 s26;
	s30 =	sshra.s32 s2, $0x2;
	[sflag:s19] =	ssyncset.done $0x0  }
0x76: {  	s0 =	sadd.s32 $0x80, s30;
	[sflag:s19] =	ssyncadd.s32 $0xFFFFE000  }
0x77: {  	[tilespmem:s23], [sflag:$0x2] =	stream.indirect.gather [hbm4b:s4+s21], $0x80, s0, s21, $0xb8;
	[tilespmem:$0x1C880] =	vst v63  }
0x78: {  	_ =	swait.ge [sflag:s24], $0x2000  }
0x79: {  	[sflag:s24] =	ssyncset.done $0x0  }
0x7a: {  	s26 =	sadd.s32 $0x2800, s30;
	[sflag:s24] =	ssyncadd.s32 $0xFFFFE000  }
0x7b: {  	[spmem:s1] =	stream.indirect.scatter.add.f32 [tilespmem:s22], [sflag:$0x3], $0x80, s26, s21, $0xb8;
	[tilespmem:$0x1C880] =	vst v63  }
0x7c: {  	_ =	swait.ge [sflag:s19], $0x2000  }
0x7d: {  	[sflag:s19] =	ssyncset.done $0x0  }
0x7e: {  	s2 =	sadd.s32 $0x100, s30;
	[sflag:s19] =	ssyncadd.s32 $0xFFFFE000  }
0x7f: {  	[tilespmem:s22], [sflag:$0x1] =	stream.indirect.gather [hbm4b:s4+s21], $0x80, s2, s21, $0xb8;
	[tilespmem:$0x1C880] =	vst v63  }
0x80: {  	_ =	swait.ge [sflag:s25], $0x2000  }
0x81: {  	[sflag:s25] =	ssyncset.done $0x0  }
.Ltmp4:
0x82: {  	s26 =	sadd.s32 $0x2880, s30;
	[sflag:s25] =	ssyncadd.s32 $0xFFFFE000;
	(pc) =	sbr.rel .LBB2_11-.Ltmp4, $4  }
0x83: {  	[spmem:s1] =	stream.indirect.scatter.add.f32 [tilespmem:s23], [sflag:$0x3], $0x80, s26, s21, $0xb8;
	[tilespmem:$0x1C880] =	vst v63  }
0x84: {  	_ =	swait.ge [sflag:s19], $0x2000  }
0x85: {  	s31 =	simm.s32 $0x3B00;
	[sflag:s19] =	ssyncset.done $0x0  }
0x86: {  	s0 =	simm.s32 $0x1380;
	s30 =	simm.s32 $0x3B80;
	[sflag:s19] =	ssyncadd.s32 $0xFFFFE000  }
.LBB2_2:
0x87: {  	[tilespmem:s0], [sflag:$0x3] =	stream.linear.gather [hbm4b:s7+s0], $0x2800, $0x38;
	[tilespmem:$0x1C880] =	vst v63  }
0x88: {  	_ =	swait.ge [sflag:s19], $0x2800  }
0x89: {  	[sflag:s19] =	ssyncset.done $0x0  }
0x8a: {  	[sflag:s19] =	ssyncadd.s32 $0xFFFFD800  }
0x8b: {  	[tilespmem:s20], [sflag:$0x3] =	stream.linear.gather [hbm4b:s8+s0], $0x2800, $0x38;
	[tilespmem:$0x1C880] =	vst v63  }
0x8c: {  	_ =	swait.ge [sflag:s19], $0x2800  }
0x8d: {  	[sflag:s19] =	ssyncset.done $0x0  }
0x8e: {  	[sflag:s19] =	ssyncadd.s32 $0xFFFFD800  }
0x8f: {  	[tilespmem:s22], [sflag:$0x1] =	stream.indirect.gather [hbm4b:s4+s21], $0x80, s0, s21, $0xb8;
	[tilespmem:$0x1C880] =	vst v63  }
0x90: {  	s2 =	simm.s32 $0x80  }
0x91: {  	[tilespmem:s23], [sflag:$0x2] =	stream.indirect.gather [hbm4b:s4+s21], $0x80, s2, s21, $0xb8;
	[tilespmem:$0x1C880] =	vst v63  }
0x92: {  	_ =	swait.ge [sflag:s24], $0x2000  }
0x93: {  	[sflag:s24] =	ssyncset.done $0x0  }
0x94: {  	s26 =	simm.s32 $0x2800;
	[sflag:s24] =	ssyncadd.s32 $0xFFFFE000  }
0x95: {  	[spmem:s1] =	stream.indirect.scatter.add.f32 [tilespmem:s22], [sflag:$0x3], $0x80, s26, s21, $0xb8;
	[tilespmem:$0x1C880] =	vst v63  }
0x96: {  	_ =	swait.ge [sflag:s19], $0x2000  }
0x97: {  	[sflag:s19] =	ssyncset.done $0x0  }
0x98: {  	s2 =	simm.s32 $0x100;
	[sflag:s19] =	ssyncadd.s32 $0xFFFFE000  }
0x99: {  	[tilespmem:s22], [sflag:$0x1] =	stream.indirect.gather [hbm4b:s4+s21], $0x80, s2, s21, $0xb8;
	[tilespmem:$0x1C880] =	vst v63  }
0x9a: {  	_ =	swait.ge [sflag:s25], $0x2000  }
0x9b: {  	[sflag:s25] =	ssyncset.done $0x0  }
0x9c: {  	s26 =	simm.s32 $0x2880;
	[sflag:s25] =	ssyncadd.s32 $0xFFFFE000  }
0x9d: {  	[spmem:s1] =	stream.indirect.scatter.add.f32 [tilespmem:s23], [sflag:$0x3], $0x80, s26, s21, $0xb8;
	[tilespmem:$0x1C880] =	vst v63  }
0x9e: {  	_ =	swait.ge [sflag:s19], $0x2000  }
0x9f: {  	s31 =	simm.s32 $0x800;
	s30 =	simm.s32 $0x100;
	[sflag:s19] =	ssyncset.done $0x0  }
.LBB2_3:
0xa0: {  	s0 =	sadd.s32 $0x80, s30  }
0xa1: {  	[sflag:s19] =	ssyncadd.s32 $0xFFFFE000;
	s2 =	smov.u32 s31;
	s26 =	sadd.s32 $0x400, s31  }
0xa2: {  	[tilespmem:s23], [sflag:$0x2] =	stream.indirect.gather [hbm4b:s4+s21], $0x80, s0, s21, $0xb8;
	[tilespmem:$0x1C880] =	vst v63  }
0xa3: {  	p2 =	sne.s32 s31, $0x9800;
	_ =	swait.ge [sflag:s24], $0x2000  }
0xa4: {  	[sflag:s24] =	ssyncset.done $0x0  }
0xa5: {  	s0 =	sadd.s32 $0x2800, s30;
	[sflag:s24] =	ssyncadd.s32 $0xFFFFE000  }
0xa6: {  	[spmem:s1] =	stream.indirect.scatter.add.f32 [tilespmem:s22], [sflag:$0x3], $0x80, s0, s21, $0xb8;
	[tilespmem:$0x1C880] =	vst v63  }
0xa7: {  	_ =	swait.ge [sflag:s19], $0x2000  }
0xa8: {  	[sflag:s19] =	ssyncset.done $0x0  }
0xa9: {  	s0 =	sadd.s32 $0x100, s30;
	[sflag:s19] =	ssyncadd.s32 $0xFFFFE000  }
0xaa: {  	[tilespmem:s22], [sflag:$0x1] =	stream.indirect.gather [hbm4b:s4+s21], $0x80, s0, s21, $0xb8;
	[tilespmem:$0x1C880] =	vst v63  }
0xab: {  	_ =	swait.ge [sflag:s25], $0x2000  }
.Ltmp5:
0xac: {  	[sflag:s25] =	ssyncset.done $0x0;
	(pc) =	sbr.rel @p2 .LBB2_3-.Ltmp5, $4  }
0xad: {  	s0 =	sadd.s32 $0x2880, s30;
	[sflag:s25] =	ssyncadd.s32 $0xFFFFE000  }
0xae: {  	[spmem:s1] =	stream.indirect.scatter.add.f32 [tilespmem:s23], [sflag:$0x3], $0x80, s0, s21, $0xb8;
	[tilespmem:$0x1C880] =	vst v63  }
0xaf: {  	_ =	swait.ge [sflag:s19], $0x2000  }
0xb0: {  	s31 =	smov.u32 s26;
	s30 =	sshra.s32 s2, $0x2;
	[sflag:s19] =	ssyncset.done $0x0  }
0xb1: {  	s0 =	sadd.s32 $0x80, s30;
	[sflag:s19] =	ssyncadd.s32 $0xFFFFE000  }
0xb2: {  	[tilespmem:s23], [sflag:$0x2] =	stream.indirect.gather [hbm4b:s4+s21], $0x80, s0, s21, $0xb8;
	[tilespmem:$0x1C880] =	vst v63  }
0xb3: {  	_ =	swait.ge [sflag:s24], $0x2000  }
0xb4: {  	[sflag:s24] =	ssyncset.done $0x0  }
0xb5: {  	s26 =	sadd.s32 $0x2800, s30;
	[sflag:s24] =	ssyncadd.s32 $0xFFFFE000  }
0xb6: {  	[spmem:s1] =	stream.indirect.scatter.add.f32 [tilespmem:s22], [sflag:$0x3], $0x80, s26, s21, $0xb8;
	[tilespmem:$0x1C880] =	vst v63  }
0xb7: {  	_ =	swait.ge [sflag:s19], $0x2000  }
0xb8: {  	[sflag:s19] =	ssyncset.done $0x0  }
0xb9: {  	s31 =	sadd.s32 $0x100, s30;
	[sflag:s19] =	ssyncadd.s32 $0xFFFFE000  }
0xba: {  	[tilespmem:s22], [sflag:$0x1] =	stream.indirect.gather [hbm4b:s4+s21], $0x80, s31, s21, $0xb8;
	[tilespmem:$0x1C880] =	vst v63  }
0xbb: {  	_ =	swait.ge [sflag:s25], $0x2000  }
0xbc: {  	[sflag:s25] =	ssyncset.done $0x0  }
0xbd: {  	s2 =	sadd.s32 $0x2880, s30;
	[sflag:s25] =	ssyncadd.s32 $0xFFFFE000  }
0xbe: {  	[spmem:s1] =	stream.indirect.scatter.add.f32 [tilespmem:s23], [sflag:$0x3], $0x80, s2, s21, $0xb8;
	[tilespmem:$0x1C880] =	vst v63  }
0xbf: {  	_ =	swait.ge [sflag:s19], $0x2000  }
0xc0: {  	[sflag:s19] =	ssyncset.done $0x0  }
0xc1: {  	s26 =	simm.s32 $0x2780;
	[sflag:s19] =	ssyncadd.s32 $0xFFFFE000  }
0xc2: {  	[tilespmem:s23], [sflag:$0x2] =	stream.indirect.gather [hbm4b:s4+s21], $0x80, s26, s21, $0xb8;
	[tilespmem:$0x1C880] =	vst v63  }
0xc3: {  	_ =	swait.ge [sflag:s24], $0x2000  }
0xc4: {  	[sflag:s24] =	ssyncset.done $0x0  }
0xc5: {  	[sflag:s24] =	ssyncadd.s32 $0xFFFFE000  }
0xc6: {  	[spmem:s1] =	stream.indirect.scatter.add.f32 [tilespmem:s22], [sflag:$0x3], $0x80, s28, s21, $0xb8;
	[tilespmem:$0x1C880] =	vst v63  }
0xc7: {  	_ =	swait.ge [sflag:s19], $0x2000  }
0xc8: {  	[sflag:s19] =	ssyncset.done $0x0  }
0xc9: {  	[sflag:s19] =	ssyncadd.s32 $0xFFFFE000  }
0xca: {  	_ =	swait.ge [sflag:s25], $0x2000  }
0xcb: {  	[sflag:s25] =	ssyncset.done $0x0  }
0xcc: {  	[sflag:s25] =	ssyncadd.s32 $0xFFFFE000  }
0xcd: {  	[spmem:s1] =	stream.indirect.scatter.add.f32 [tilespmem:s23], [sflag:$0x3], $0x80, s29, s21, $0xb8;
	[tilespmem:$0x1C880] =	vst v63  }
0xce: {  	_ =	swait.ge [sflag:s19], $0x2000  }
0xcf: {  	[sflag:s19] =	ssyncset.done $0x0  }
0xd0: {  	s31 =	simm.s32 $0x0;
	[sflag:s19] =	ssyncadd.s32 $0xFFFFE000  }
0xd1: {  	[tilespmem:s31], [sflag:$0x3] =	stream.linear.gather [hbm4b:s9+s31], $0x2800, $0x38;
	[tilespmem:$0x1C880] =	vst v63  }
0xd2: {  	_ =	swait.ge [sflag:s19], $0x2800  }
0xd3: {  	[sflag:s19] =	ssyncset.done $0x0  }
0xd4: {  	p3 =	por $0x0, $0x0;
	[sflag:s19] =	ssyncadd.s32 $0xFFFFD800  }
0xd5: {  	[tilespmem:s20], [sflag:$0x3] =	stream.linear.gather [hbm4b:s10+s31], $0x2800, $0x38;
	[tilespmem:$0x1C880] =	vst v63  }
.Ltmp6:
0xd6: {  	_ = 	snop;
	(pc) =	sbr.rel @p3 .LBB2_7-.Ltmp6, $4  }
0xd7: {  	_ =	swait.ge [sflag:s19], $0x2800  }
0xd8: {  	[sflag:s19] =	ssyncset.done $0x0  }
0xd9: {  	s30 =	simm.s32 $0x0;
	p2 =	por $0x0, $0x0;
	[sflag:s19] =	ssyncadd.s32 $0xFFFFD800  }
0xda: {  	[tilespmem:s22], [sflag:$0x1] =	stream.indirect.gather [hbm4b:s4+s21], $0x80, s31, s21, $0xb8;
	[tilespmem:$0x1C880] =	vst v63  }
0xdb: {  	s0 =	simm.s32 $0x80  }
0xdc: {  	[tilespmem:s23], [sflag:$0x2] =	stream.indirect.gather [hbm4b:s4+s21], $0x80, s0, s21, $0xb8;
	[tilespmem:$0x1C880] =	vst v63  }
0xdd: {  	_ =	swait.ge [sflag:s24], $0x2000  }
0xde: {  	[sflag:s24] =	ssyncset.done $0x0  }
0xdf: {  	s26 =	simm.s32 $0x2800;
	[sflag:s24] =	ssyncadd.s32 $0xFFFFE000  }
0xe0: {  	[spmem:s1] =	stream.indirect.scatter.add.f32 [tilespmem:s22], [sflag:$0x3], $0x80, s26, s21, $0xb8;
	[tilespmem:$0x1C880] =	vst v63  }
0xe1: {  	_ =	swait.ge [sflag:s19], $0x2000  }
0xe2: {  	[sflag:s19] =	ssyncset.done $0x0  }
0xe3: {  	s2 =	simm.s32 $0x100;
	[sflag:s19] =	ssyncadd.s32 $0xFFFFE000  }
0xe4: {  	[tilespmem:s22], [sflag:$0x1] =	stream.indirect.gather [hbm4b:s4+s21], $0x80, s2, s21, $0xb8;
	[tilespmem:$0x1C880] =	vst v63  }
0xe5: {  	p3 =	por $0x0, $0x0;
	_ =	swait.ge [sflag:s25], $0x2000  }
.Ltmp7:
0xe6: {  	[sflag:s25] =	ssyncset.done $0x0;
	(pc) =	sbr.rel @p3 .LBB2_7-.Ltmp7, $4  }
0xe7: {  	s26 =	simm.s32 $0x2880;
	[sflag:s25] =	ssyncadd.s32 $0xFFFFE000  }
0xe8: {  	[spmem:s1] =	stream.indirect.scatter.add.f32 [tilespmem:s23], [sflag:$0x3], $0x80, s26, s21, $0xb8;
	[tilespmem:$0x1C880] =	vst v63  }
0xe9: {  	s31 =	simm.s32 $0x800;
	_ =	swait.ge [sflag:s19], $0x2000  }
0xea: {  	s30 =	simm.s32 $0x100;
	p2 =	por $0x1, $0x1;
	[sflag:s19] =	ssyncset.done $0x0  }
.LBB2_6:
0xeb: {  	s0 =	sadd.s32 $0x80, s30  }
0xec: {  	[sflag:s19] =	ssyncadd.s32 $0xFFFFE000;
	s2 =	smov.u32 s31;
	s26 =	sadd.s32 $0x400, s31  }
0xed: {  	[tilespmem:s23], [sflag:$0x2] =	stream.indirect.gather [hbm4b:s4+s21], $0x80, s0, s21, $0xb8;
	[tilespmem:$0x1C880] =	vst v63  }
0xee: {  	p3 =	seq.s32 s31, $0x9800;
	_ =	swait.ge [sflag:s24], $0x2000  }
0xef: {  	[sflag:s24] =	ssyncset.done $0x0  }
0xf0: {  	s0 =	sadd.s32 $0x2800, s30;
	[sflag:s24] =	ssyncadd.s32 $0xFFFFE000  }
0xf1: {  	[spmem:s1] =	stream.indirect.scatter.add.f32 [tilespmem:s22], [sflag:$0x3], $0x80, s0, s21, $0xb8;
	[tilespmem:$0x1C880] =	vst v63  }
0xf2: {  	_ =	swait.ge [sflag:s19], $0x2000  }
0xf3: {  	[sflag:s19] =	ssyncset.done $0x0  }
0xf4: {  	s0 =	sadd.s32 $0x100, s30;
	[sflag:s19] =	ssyncadd.s32 $0xFFFFE000  }
0xf5: {  	[tilespmem:s22], [sflag:$0x1] =	stream.indirect.gather [hbm4b:s4+s21], $0x80, s0, s21, $0xb8;
	[tilespmem:$0x1C880] =	vst v63  }
0xf6: {  	_ =	swait.ge [sflag:s25], $0x2000  }
.Ltmp8:
0xf7: {  	[sflag:s25] =	ssyncset.done $0x0;
	(pc) =	sbr.rel @!p3 .LBB2_6-.Ltmp8, $4  }
0xf8: {  	s0 =	sadd.s32 $0x2880, s30;
	[sflag:s25] =	ssyncadd.s32 $0xFFFFE000  }
0xf9: {  	[spmem:s1] =	stream.indirect.scatter.add.f32 [tilespmem:s23], [sflag:$0x3], $0x80, s0, s21, $0xb8;
	[tilespmem:$0x1C880] =	vst v63  }
0xfa: {  	_ =	swait.ge [sflag:s19], $0x2000  }
0xfb: {  	s31 =	smov.u32 s26;
	s30 =	sshra.s32 s2, $0x2;
	[sflag:s19] =	ssyncset.done $0x0  }
.Ltmp9:
0xfc: {  	_ = 	snop;
	(pc) =	sbr.rel .LBB2_7-.Ltmp9, $1  }
0xfd: {  	_ =	sdelay $0x3  }
.LBB2_12:
0xfe: {  	_ =	sfence.sel $0x180000  }
0xff: {  	[bflag:$0x0] =	sbarrier.arrive $0xFFFF  }
0x100: {  	_ =	strace $0x9000004A  }
0x101: {  	s0 =	stileid.u32;
	[bflag:$0x2] =	sbarrier.arrive $0xFFFF  }
0x102: {  	p0 =	sne.s32 s0, $0x0;
	s0 =	rddreg [dreg:$0x2]  }
0x103: {  	s0 =	sadd.s32 @!p0 $0x100000, s0  }
0x104: {  	[sflag:s0] =	ssyncadd.tile.s32 @!p0 $0x1;
	_ =	shalt  }
.Lfunc_end2:
_tile_overlayer_lowered:
.L_overlay_start_2:
0x105: {  	(tag) =	ssettag $0x2  }
0x106: {  	s0 =	rddreg [dreg:$0x0];
	s2 =	stileid.u32  }
0x107: {  	s1 =	rddreg [dreg:$0x1];
	p0 =	sne.s32 s2, $0x0  }
0x108: {  	s3 =	rddreg [dreg:$0x2];
	[bflag:$0x3] =	sbarrier.arrive $0xFFFF;
	s2 =	simm.s32 @!p0 $0x1C03  }
0x109: {  	[timem:s3], [sflag:s2] =	dma.local @!p0 [hbm:s0], s1  }
0x10a: {  	s0 =	simm.s32 @!p0 $0x3  }
0x10b: {  	_ =	swait.ge @!p0 [sflag:s0], s1  }
0x10c: {  	s1 =	ssub.s32 @!p0 $0x0, s1;
	[sflag:s0] =	ssyncset.done @!p0 $0x0  }
0x10d: {  	[sflag:s0] =	ssyncadd.s32 @!p0 s1  }
0x10e: {  	[bflag:$0x3] =	sbarrier.arrive $0xFFFF  }
0x10f: {  	_ =	shalt  }

// kernel: kernel.8.cloned.1.call-start
scs
__scs_entry_jumppad:
0x0: {  	(pc) =	sbr.rel $0x88, $3  }
0x1: {  	(tag) =	ssettag $0x0;
	lr =	simm.s32 $0x1  }
0x2: {  	[smem:$0x3F82] =	sst lr;
	_ =	strace $0xD0000000  }
0x3: {  	_ = 	snop  }
0x4: {  	_ = 	snop  }
0x5: {  	_ = 	snop  }
0x6: {  	_ = 	snop  }
0x7: {  	_ = 	snop  }
__scs_overlays_trampoline_lowered:
0x8: {  	[smem:$0x3F91] =	sst s0  }
0x9: {  	[smem:$0x3F92] =	sst s1  }
0xa: {  	[smem:$0x3F93] =	sst s2  }
0xb: {  	[smem:$0x3F94] =	sst s3  }
0xc: {  	[smem:$0x3F95] =	sst s4  }
0xd: {  	[smem:$0x3F96] =	sst s5  }
0xe: {  	[smem:$0x3F97] =	sst s6  }
0xf: {  	[smem:$0x3F98] =	sst s7  }
0x10: {  	[smem:$0x3F99] =	sst s8  }
0x11: {  	[smem:$0x3F9A] =	sst s9;
	s0 =	simm.s32 @!p0 $0x0  }
0x12: {  	s1 =	sld [smem:$0x3F80];
	s0 =	simm.s32 @p0 $0x1  }
0x13: {  	[smem:$0x3F9B] =	sst s0;
	s0 =	simm.s32 @!p1 $0x0  }
0x14: {  	s2 =	sld [smem:$0x3F7F];
	s0 =	simm.s32 @p1 $0x1  }
0x15: {  	[smem:$0x3F9C] =	sst s0;
	s0 =	simm.s32 @!p2 $0x0  }
0x16: {  	s3 =	sld [smem:$0x3FDB];
	s0 =	simm.s32 @p2 $0x1  }
0x17: {  	s4 =	simm.s32 $0x1BF5;
	[smem:$0x3F9E] =	sst s0  }
0x18: {  	s0 =	sld [smem:$0x3F81];
	_ =	swait.ge [sflag:s4], $0x0  }
0x19: {  	s7 =	sld [smem:$0x3F82]  }
0x1a: {  	s8 =	sadd.s32 $0xFFFFE003, lr  }
0x1b: {  	s9 =	sadd.s32 $0xFFFFFEF7, lr;
	s5 =	simm.s32 $0xFFFFFFFF;
	p2 =	slt.u32 s8, $0xFFFFF086  }
0x1c: {  	p1 =	slt.u32 s9, $0xF7A;
	s5 =	simm.s32 @!p2 $0x0  }
0x1d: {  	s5 =	simm.s32 @p1 $0x1;
	p0 =	seq.s32 s7, s2  }
0x1e: {  	s7 =	smul.u32 @!p0 $0xF7A, s2;
	p2 =	seq.s32 @!p0 s5, $0x0  }
0x1f: {  	s9 =	smul.u32 $0xF7A, s1;
	s8 =	simm.s32 @!p0 $0x1BF5;
	p2 =	por !p2, p0  }
0x20: {  	[sflag:s8] =	ssyncset.s32 @!p0 $0xFFFFF086;
	s6 =	sadd.s32 @!p0 s3, s7;
	s7 =	simm.s32 @!p0 $0x108  }
0x21: {  	s3 =	sadd.s32 s3, s9;
	s6 =	sadd.s32 @!p0 $0x88, s6;
	s7 =	simm.s32 @p2 $0x1082  }
0x22: {  	[simem:s7], [sflag:s8] =	dma.local @!p0 [hbm:s6], $0xF7A  }
0x23: {  	s9 =	sor.u32 $0xD0000000, s2;
	s6 =	simm.s32 $0x108;
	_ =	swait.ge @!p0 [sflag:s8], $0x0  }
0x24: {  	s3 =	sadd.s32 $0x88, s3;
	s6 =	simm.s32 @!p1 $0x1082;
	[sflag:s4] =	ssyncset.s32 $0xFFFFF086  }
0x25: {  	[simem:s6], [sflag:s4] =	dma.local [hbm:s3], $0xF7A  }
0x26: {  	[smem:$0x3F82] =	sst s1;
	(tag) =	ssettag s2;
	_ =	strace s9  }
0x27: {  	s1 =	sld [smem:$0x3F92]  }
0x28: {  	s2 =	sld [smem:$0x3F93]  }
0x29: {  	s4 =	sld [smem:$0x3F95]  }
0x2a: {  	p0 =	seq.s32 s5, $0x0;
	s5 =	sld [smem:$0x3F96]  }
0x2b: {  	s6 =	sld [smem:$0x3F97]  }
0x2c: {  	s7 =	sld [smem:$0x3F98]  }
0x2d: {  	s3 =	simm.s32 $0x108;
	s8 =	sld [smem:$0x3F99]  }
0x2e: {  	s3 =	simm.s32 @!p0 $0x1082;
	s9 =	sld [smem:$0x3F9A]  }
0x2f: {  	lr =	sadd.s32 s0, s3;
	s0 =	sld [smem:$0x3F91]  }
0x30: {  	s3 =	sld [smem:$0x3F94]  }
0x31: {  	[smem:$0x3F9D] =	sst s10  }
0x32: {  	s10 =	sld [smem:$0x3F9B];
	_ =	sdelay $0x3  }
0x33: {  	p0 =	seq.s32 s10, $0x1;
	s10 =	sld [smem:$0x3F9D];
	_ =	sdelay $0x3  }
0x34: {  	[smem:$0x3F9D] =	sst s10  }
0x35: {  	s10 =	sld [smem:$0x3F9C];
	_ =	sdelay $0x3  }
0x36: {  	p1 =	seq.s32 s10, $0x1;
	s10 =	sld [smem:$0x3F9D];
	_ =	sdelay $0x3  }
0x37: {  	[smem:$0x3F9D] =	sst s10  }
0x38: {  	s10 =	sld [smem:$0x3F9E]  }
0x39: {  	_ = 	snop;
	(pc) =	sbr.ind lr, $3  }
0x3a: {  	_ = 	snop  }
0x3b: {  	_ = 	snop  }
0x3c: {  	p2 =	seq.s32 s10, $0x1;
	s10 =	sld [smem:$0x3F9D]  }
0x3d: {  	_ =	shalt  }
0x3e: {  	_ =	shalt  }
0x3f: {  	_ =	shalt  }
0x40: {  	_ =	shalt  }
0x41: {  	_ =	shalt  }
0x42: {  	_ =	shalt  }
0x43: {  	_ =	shalt  }
0x44: {  	_ =	shalt  }
0x45: {  	_ =	shalt  }
0x46: {  	_ =	shalt  }
0x47: {  	_ =	shalt  }
0x48: {  	_ =	shalt  }
0x49: {  	_ =	shalt  }
0x4a: {  	_ =	shalt  }
0x4b: {  	_ =	shalt  }
0x4c: {  	_ =	shalt  }
0x4d: {  	_ =	shalt  }
0x4e: {  	_ =	shalt  }
0x4f: {  	_ =	shalt  }
0x50: {  	_ =	shalt  }
0x51: {  	_ =	shalt  }
0x52: {  	_ =	shalt  }
0x53: {  	_ =	shalt  }
0x54: {  	_ =	shalt  }
0x55: {  	_ =	shalt  }
0x56: {  	_ =	shalt  }
0x57: {  	_ =	shalt  }
0x58: {  	_ =	shalt  }
0x59: {  	_ =	shalt  }
0x5a: {  	_ =	shalt  }
0x5b: {  	_ =	shalt  }
0x5c: {  	_ =	shalt  }
0x5d: {  	_ =	shalt  }
0x5e: {  	_ =	shalt  }
0x5f: {  	_ =	shalt  }
0x60: {  	_ =	shalt  }
0x61: {  	_ =	shalt  }
0x62: {  	_ =	shalt  }
0x63: {  	_ =	shalt  }
0x64: {  	_ =	shalt  }
0x65: {  	_ =	shalt  }
0x66: {  	_ =	shalt  }
0x67: {  	_ =	shalt  }
0x68: {  	_ =	shalt  }
0x69: {  	_ =	shalt  }
0x6a: {  	_ =	shalt  }
0x6b: {  	_ =	shalt  }
0x6c: {  	_ =	shalt  }
0x6d: {  	_ =	shalt  }
0x6e: {  	_ =	shalt  }
0x6f: {  	_ =	shalt  }
0x70: {  	_ =	shalt  }
0x71: {  	_ =	shalt  }
0x72: {  	_ =	shalt  }
0x73: {  	_ =	shalt  }
0x74: {  	_ =	shalt  }
0x75: {  	_ =	shalt  }
0x76: {  	_ =	shalt  }
0x77: {  	_ =	shalt  }
0x78: {  	_ =	shalt  }
0x79: {  	_ =	shalt  }
0x7a: {  	_ =	shalt  }
0x7b: {  	_ =	shalt  }
0x7c: {  	_ =	shalt  }
0x7d: {  	_ =	shalt  }
0x7e: {  	_ =	shalt  }
0x7f: {  	_ =	shalt  }
0x80: {  	_ =	shalt  }
0x81: {  	_ =	shalt  }
0x82: {  	_ =	shalt  }
0x83: {  	_ =	shalt  }
0x84: {  	_ =	shalt  }
0x85: {  	_ =	shalt  }
0x86: {  	_ =	shalt  }
0x87: {  	_ =	shalt  }
.Lfunc_end0:
.L_simem_size_0:
called_computation_lowered:
.L_overlay_start_0:
0x88: {  	s2 =	sld [smem:$0x3FD9]  }
0x89: {  	s3 =	sld [smem:$0x3FFE];
	_ =	sdelay $0x1  }
0x8a: {  	s1 =	srdreg.scid  }
0x8b: {  	s0 =	sand.u32 $0x1, s1  }
0x8c: {  	s17 =	sshll.u32 s0, $0xA;
	s2 =	sadd.s32 s3, s2  }
0x8d: {  	s2 =	sadd.s32 s2, s17  }
0x8e: {  	[smem:$0x3FA9] =	sst s2  }
0x8f: {  	_ = 	snop  }
0x90: {  	s2 =	sld [smem:$0x3FC9];
	(tm) =	ssettm $0x1  }
0x91: {  	s18 =	sld [smem:$0x3FFB];
	_ =	sdelay $0x3  }
0x92: {  	_ =	strace s18  }
0x93: {  	s3 =	sld [smem:$0x3FFC];
	_ =	sdelay $0x3  }
0x94: {  	_ =	strace s3  }
0x95: {  	s3 =	sld [smem:$0x3FFD];
	_ =	sdelay $0x3  }
0x96: {  	_ =	strace s3  }
0x97: {  	_ =	strace $0x8FFFFFFF  }
0x98: {  	s19 =	sld [smem:$0x3FDB];
	_ =	sdelay $0x1  }
0x99: {  	s4 =	simm.s32 $_scs_section_size  }
0x9a: {  	s5 =	simm.s32 $_size__tile_overlayer_lowered;
	s6 =	simm.s32 $_tile_overlayer_lowered  }
0x9b: {  	s22 =	simm.s32 $0x1BFF;
	s21 =	sshll.u32 s6, $0x1;
	s3 =	sadd.s32 s4, s19  }
0x9c: {  	s7 =	simm.s32 $0x0;
	s20 =	sshll.u32 s5, $0x1;
	s5 =	sadd.s32 s21, s3  }
0x9d: {  	[timem:s7], [sflag:s22] =	dma.local [hbm:s5], s20  }
0x9e: {  	_ =	swait.ge [sflag:s22], s20  }
0x9f: {  	s4 =	ssub.s32 $0x0, s20;
	[sflag:s22] =	ssyncset.done $0x0  }
0xa0: {  	[sflag:s22] =	ssyncadd.s32 s4;
	_ =	sdelay $0x1  }
0xa1: {  	s23 =	simm.s32 $0x1B8B  }
0xa2: {  	_ =	swait.ge [sflag:s23], $0x1  }
0xa3: {  	[sflag:s23] =	ssyncset.done $0x0  }
0xa4: {  	s25 =	simm.s32 $0x1B8E;
	s24 =	sld [smem:$0x3FFE];
	[sflag:s23] =	ssyncadd.s32 $0xFFFFFFFF  }
0xa5: {  	s26 =	simm.s32 $execute0_lowered;
	[smem:$0x3FD2] =	sst s25  }
0xa6: {  	s5 =	sshll.u32 s26, $0x1;
	_ =	strace $0x80000046;
	[dreg:$0x1] =	wrdreg $0xFFFFFFFF  }
0xa7: {  	s28 =	simm.s32 $_size_execute0_lowered;
	s3 =	sadd.s32 s3, s5;
	[dreg:$0x0] =	wrdreg $0x0  }
0xa8: {  	s5 =	sshll.u32 s28, $0x1;
	[dreg:$0x2] =	wrdreg s3  }
0xa9: {  	[dreg:$0x3] =	wrdreg s5  }
0xaa: {  	[dreg:$0x4] =	wrdreg $0xC0  }
0xab: {  	_ =	task [dreg:s7], $0x5FFFF  }
0xac: {  	[dreg:$0x1] =	wrdreg $0xFFFFFFFF  }
0xad: {  	[dreg:$0x0] =	wrdreg $0x60  }
0xae: {  	[dreg:$0x2] =	wrdreg s2  }
0xaf: {  	[dreg:$0x3] =	wrdreg s24  }
0xb0: {  	[dreg:$0x4] =	wrdreg $0x90000  }
0xb1: {  	[dreg:$0x5] =	wrdreg $0x9  }
0xb2: {  	_ =	task.clear_ibuf [dreg:s7], $0x6FFFF;
	_ =	strace $0x90000046  }
0xb3: {  	s29 =	simm.s32 $0x9;
	_ =	strace $0x80000048  }
0xb4: {  	_ =	swait.ge [sflag:s29], $0x1  }
0xb5: {  	[sflag:s29] =	ssyncadd.s32 $0xFFFFFFFF  }
0xb6: {  	_ =	strace $0x90000048  }
0xb7: {  	_ =	sfence  }
0xb8: {  	s30 =	sld [smem:$0x0];
	_ =	sdelay $0x2  }
0xb9: {  	s31 =	sshll.u32 s1, $0xD;
	s1 =	sshrl.u32 s1, $0x2  }
0xba: {  	s3 =	sand.u32 $0x4000, s31;
	s1 =	sadd.s32 s1, s30  }
0xbb: {  	s0 =	sor.u32 s3, s0;
	s1 =	sshll.u32 s1, $0x11  }
0xbc: {  	s0 =	sor.u32 s1, s0  }
0xbd: {  	s0 =	sadd.s32 $0x8F2B, s0  }
0xbe: {  	[sflag:s0] =	ssyncadd.remote.s32 $0x1  }
0xbf: {  	_ =	sfence.sel $0xFFFF  }
0xc0: {  	[dreg:$0x0] =	wrdreg $0xFFFFFFFF;
	(pc) =	sbr.abs _section_cstart, $3  }
0xc1: {  	[dreg:$0x1] =	wrdreg $0xFFFFFFFF  }
0xc2: {  	_ =	task.clear_ibuf [dreg:s7], $0x2FFFF;
	_ =	strace $0x9FFFFFFF  }
0xc3: {  	(tm) =	ssettm $0x7FFFFFFF  }
tec
execute0_lowered:
.L_overlay_start_1:
0x0: {  	(tag) =	ssettag $0x1  }
0x1: {  	s1 =	rddreg [dreg:$0x0]  }
0x2: {  	s0 =	rddreg [dreg:$0x1]  }
0x3: {  	s3 =	rddreg [dreg:$0x2]  }
0x4: {  	s4 =	simm.s32 $0x0;
	s2 =	stileid.u32;
	s6 =	srdreg.scid  }
0x5: {  	s20 =	simm.s32 $0x2800;
	s21 =	simm.s32 $0x40;
	s22 =	simm.s32 $0x5000  }
0x6: {  	s23 =	simm.s32 $0x7000;
	s24 =	simm.s32 $0x1;
	s28 =	simm.s32 $0x4F00  }
0x7: {  	s29 =	simm.s32 $0x4F80;
	[smem:$0x7FF] =	sst s4;
	s5 =	smul.u32 $0x2700, s2  }
0x8: {  	s9 =	sadd.s32 $0x4A00, s0;
	s10 =	sadd.s32 $0x18400, s0;
	s8 =	sand.u32 $0x1, s6  }
0x9: {  	s25 =	smul.u32 $0x4E000, s2;
	s13 =	sadd.s32 $0x53000, s0;
	s16 =	sadd.s32 $0x124800, s3  }
0xa: {  	s17 =	smul.u32 $0x13800, s2;
	p0 =	seq.s32 s2, $0xF;
	_ =	strace $0x80000047  }
0xb: {  	s7 =	sshll.u32 s8, $0x4;
	s11 =	ssub.s32 $0x2, s8;
	s14 =	smul.u32 $0x138800, s8  }
0xc: {  	s16 =	sshrl.u32 @p0 s16, $0x3;
	s5 =	sadd.s32 s5, s0;
	s19 =	sor.u32 s2, s7  }
0xd: {  	s26 =	sshrl.u32 s11, $0x1;
	s6 =	sshrl.u32 s25, $0x2;
	s25 =	simm.s32 $0x2  }
0xe: {  	s12 =	smul.u32 $0xA00, s19;
	s15 =	ssub.s32 s11, s26;
	s18 =	sadd.s32 s6, s3  }
0xf: {  	s30 =	smul.u32 $0x5000, s19;
	s5 =	sadd.s32 $0x2BE00, s5;
	s6 =	sadd.s32 $0x50700, s0  }
0x10: {  	s31 =	sadd.s32 s17, s14;
	s14 =	sshrl.u32 s14, $0x3;
	p1 =	seq.s32 s19, $0x1F  }
0x11: {  	s19 =	simm.s32 $0x3;
	s14 =	sadd.s32 s13, s14;
	s11 =	sshrl.u32 s30, $0x3  }
.Ltmp0:
0x12: {  	s7 =	sadd.s32 s9, s12;
	s11 =	sadd.s32 $0x500, s11;
	(pc) =	sbr.rel .LBB2_1-.Ltmp0, $4  }
0x13: {  	s8 =	sadd.s32 s10, s12;
	s12 =	sadd.s32 $0x2BA00, s0;
	s9 =	sadd.s32 s9, s11  }
0x14: {  	s10 =	sadd.s32 s10, s11;
	s11 =	sadd.s32 $0x18000, s0;
	s0 =	sshrl.u32 s31, $0x3  }
0x15: {  	s15 =	smax.u32 s15, $0x1;
	s13 =	sadd.s32 s13, s0;
	s0 =	sshll.u32 @!p0 s2, $0x6  }
0x16: {  	s18 =	sshrl.u32 @!p0 s18, $0x3;
	s14 =	sadd.s32 $0x24900, s14;
	s17 =	sor.u32 @!p0 $0x1C03, s0  }
.LBB2_7:
0x17: {  	s0 =	sadd.s32 $0x80, s30;
	[sflag:s19] =	ssyncadd.s32 @p2 $0xFFFFE000  }
0x18: {  	[tilespmem:s23], [sflag:$0x2] =	stream.indirect.gather [hbm4b:s1+s21], $0x80, s0, s21, $0xb8;
	[tilespmem:$0x1C880] =	vst v63  }
0x19: {  	_ =	swait.ge [sflag:s24], $0x2000  }
0x1a: {  	[sflag:s24] =	ssyncset.done $0x0  }
0x1b: {  	s26 =	sadd.s32 $0x2800, s30;
	[sflag:s24] =	ssyncadd.s32 $0xFFFFE000  }
0x1c: {  	[spmem:s3] =	stream.indirect.scatter.add.f32 [tilespmem:s22], [sflag:$0x3], $0x80, s26, s21, $0xb8;
	[tilespmem:$0x1C880] =	vst v63  }
0x1d: {  	_ =	swait.ge [sflag:s19], $0x2000  }
0x1e: {  	[sflag:s19] =	ssyncset.done $0x0  }
0x1f: {  	s2 =	sadd.s32 $0x100, s30;
	[sflag:s19] =	ssyncadd.s32 $0xFFFFE000  }
0x20: {  	[tilespmem:s22], [sflag:$0x1] =	stream.indirect.gather [hbm4b:s1+s21], $0x80, s2, s21, $0xb8;
	[tilespmem:$0x1C880] =	vst v63  }
0x21: {  	_ =	swait.ge [sflag:s25], $0x2000  }
0x22: {  	[sflag:s25] =	ssyncset.done $0x0  }
0x23: {  	s26 =	sadd.s32 $0x2880, s30;
	[sflag:s25] =	ssyncadd.s32 $0xFFFFE000  }
0x24: {  	[spmem:s3] =	stream.indirect.scatter.add.f32 [tilespmem:s23], [sflag:$0x3], $0x80, s26, s21, $0xb8;
	[tilespmem:$0x1C880] =	vst v63  }
0x25: {  	_ =	swait.ge [sflag:s19], $0x2000  }
0x26: {  	s31 =	simm.s32 $0x4F00;
	[sflag:s19] =	ssyncset.done $0x0  }
0x27: {  	s0 =	simm.s32 $0x2780;
	s30 =	simm.s32 $0x4F80;
	[sflag:s19] =	ssyncadd.s32 $0xFFFFE000  }
.LBB2_11:
0x28: {  	[tilespmem:s23], [sflag:$0x2] =	stream.indirect.gather [hbm4b:s1+s21], $0x80, s0, s21, $0xb8;
	[tilespmem:$0x1C880] =	vst v63  }
0x29: {  	_ =	swait.ge [sflag:s24], $0x2000  }
0x2a: {  	[sflag:s24] =	ssyncset.done $0x0  }
0x2b: {  	[sflag:s24] =	ssyncadd.s32 $0xFFFFE000  }
0x2c: {  	[spmem:s3] =	stream.indirect.scatter.add.f32 [tilespmem:s22], [sflag:$0x3], $0x80, s31, s21, $0xb8;
	[tilespmem:$0x1C880] =	vst v63  }
0x2d: {  	_ =	swait.ge [sflag:s19], $0x2000  }
0x2e: {  	[sflag:s19] =	ssyncset.done $0x0  }
0x2f: {  	[sflag:s19] =	ssyncadd.s32 $0xFFFFE000  }
0x30: {  	_ =	swait.ge [sflag:s25], $0x2000  }
0x31: {  	[sflag:s25] =	ssyncset.done $0x0  }
0x32: {  	[sflag:s25] =	ssyncadd.s32 $0xFFFFE000  }
0x33: {  	[spmem:s3] =	stream.indirect.scatter.add.f32 [tilespmem:s23], [sflag:$0x3], $0x80, s30, s21, $0xb8;
	[tilespmem:$0x1C880] =	vst v63  }
0x34: {  	_ =	swait.ge [sflag:s19], $0x2000  }
0x35: {  	[sflag:s19] =	ssyncset.done $0x0  }
0x36: {  	[sflag:s19] =	ssyncadd.s32 $0xFFFFE000  }
0x37: {  	s0 =	simm.s32 @p0 $0x1FC3;
	[bflag:$0x0] =	sbarrier.arrive $0xFFFF  }
0x38: {  	[hbm:s14], [sflag:s0] =	dma.local @p0 [spmem:s16], $0x2800  }
0x39: {  	s0 =	simm.s32 @p0 $0x3  }
0x3a: {  	s4 =	sadd.s32 $0x1, s4;
	_ =	swait.ge @p0 [sflag:s0], $0x2800  }
0x3b: {  	p2 =	sne.s32 s4, s15;
	[sflag:s0] =	ssyncset.done @p0 $0x0  }
.Ltmp1:
0x3c: {  	[sflag:s0] =	ssyncadd.s32 @p0 $0xFFFFD800;
	s0 =	simm.s32 @!p0 $0x3;
	(pc) =	sbr.rel @!p2 .LBB2_12-.Ltmp1, $4  }
0x3d: {  	[hbm:s13], [sflag:s17] =	dma.local @!p0 [spmem:s18], $0x2700  }
0x3e: {  	_ =	swait.ge @!p0 [sflag:s0], $0x2700  }
0x3f: {  	[sflag:s0] =	ssyncset.done @!p0 $0x0  }
0x40: {  	[sflag:s0] =	ssyncadd.s32 @!p0 $0xFFFFD900  }
.LBB2_1:
0x41: {  	s0 =	simm.s32 @p0 $0x1FC3  }
0x42: {  	[spmem:s16], [sflag:s0] =	dma.local @p0 [hbm:s6], $0x2800  }
0x43: {  	s0 =	simm.s32 @p0 $0x3  }
0x44: {  	_ =	swait.ge @p0 [sflag:s0], $0x2800  }
0x45: {  	[sflag:s0] =	ssyncset.done @p0 $0x0  }
0x46: {  	[sflag:s0] =	ssyncadd.s32 @p0 $0xFFFFD800;
	s0 =	simm.s32 @!p0 $0x3  }
0x47: {  	[spmem:s18], [sflag:s17] =	dma.local @!p0 [hbm:s5], $0x2700  }
.Ltmp2:
0x48: {  	_ =	swait.ge @!p0 [sflag:s0], $0x2700;
	(pc) =	sbr.rel @!p1 .LBB2_2-.Ltmp2, $4  }
0x49: {  	[sflag:s0] =	ssyncset.done @!p0 $0x0  }
0x4a: {  	[sflag:s0] =	ssyncadd.s32 @!p0 $0xFFFFD900  }
0x4b: {  	[bflag:$0x0] =	sbarrier.arrive $0xFFFF  }
0x4c: {  	s0 =	simm.s32 $0x0  }
0x4d: {  	[tilespmem:s0], [sflag:$0x3] =	stream.linear.gather [hbm4b:s11+s0], $0x1400, $0x38;
	[tilespmem:$0x1C880] =	vst v63  }
0x4e: {  	_ =	swait.ge [sflag:s19], $0x1400  }
0x4f: {  	[sflag:s19] =	ssyncset.done $0x0  }
0x50: {  	[sflag:s19] =	ssyncadd.s32 $0xFFFFEC00  }
0x51: {  	[tilespmem:s20], [sflag:$0x3] =	stream.linear.gather [hbm4b:s12+s0], $0x1400, $0x38;
	[tilespmem:$0x1C880] =	vst v63  }
0x52: {  	_ =	swait.ge [sflag:s19], $0x1400  }
0x53: {  	[sflag:s19] =	ssyncset.done $0x0  }
0x54: {  	[sflag:s19] =	ssyncadd.s32 $0xFFFFEC00  }
0x55: {  	[tilespmem:s22], [sflag:$0x1] =	stream.indirect.gather [hbm4b:s1+s21], $0x80, s0, s21, $0xb8;
	[tilespmem:$0x1C880] =	vst v63  }
0x56: {  	s2 =	simm.s32 $0x80  }
0x57: {  	[tilespmem:s23], [sflag:$0x2] =	stream.indirect.gather [hbm4b:s1+s21], $0x80, s2, s21, $0xb8;
	[tilespmem:$0x1C880] =	vst v63  }
0x58: {  	_ =	swait.ge [sflag:s24], $0x2000  }
0x59: {  	[sflag:s24] =	ssyncset.done $0x0  }
0x5a: {  	s26 =	simm.s32 $0x2800;
	[sflag:s24] =	ssyncadd.s32 $0xFFFFE000  }
0x5b: {  	[spmem:s3] =	stream.indirect.scatter.add.f32 [tilespmem:s22], [sflag:$0x3], $0x80, s26, s21, $0xb8;
	[tilespmem:$0x1C880] =	vst v63  }
0x5c: {  	_ =	swait.ge [sflag:s19], $0x2000  }
0x5d: {  	[sflag:s19] =	ssyncset.done $0x0  }
0x5e: {  	s2 =	simm.s32 $0x100;
	[sflag:s19] =	ssyncadd.s32 $0xFFFFE000  }
0x5f: {  	[tilespmem:s22], [sflag:$0x1] =	stream.indirect.gather [hbm4b:s1+s21], $0x80, s2, s21, $0xb8;
	[tilespmem:$0x1C880] =	vst v63  }
0x60: {  	_ =	swait.ge [sflag:s25], $0x2000  }
0x61: {  	[sflag:s25] =	ssyncset.done $0x0  }
0x62: {  	s26 =	simm.s32 $0x2880;
	[sflag:s25] =	ssyncadd.s32 $0xFFFFE000  }
0x63: {  	[spmem:s3] =	stream.indirect.scatter.add.f32 [tilespmem:s23], [sflag:$0x3], $0x80, s26, s21, $0xb8;
	[tilespmem:$0x1C880] =	vst v63  }
0x64: {  	_ =	swait.ge [sflag:s19], $0x2000  }
0x65: {  	s31 =	simm.s32 $0x800;
	s30 =	simm.s32 $0x100;
	[sflag:s19] =	ssyncset.done $0x0  }
.LBB2_9:
0x66: {  	s0 =	sadd.s32 $0x80, s30  }
0x67: {  	[sflag:s19] =	ssyncadd.s32 $0xFFFFE000;
	s2 =	smov.u32 s31;
	s26 =	sadd.s32 $0x400, s31  }
0x68: {  	[tilespmem:s23], [sflag:$0x2] =	stream.indirect.gather [hbm4b:s1+s21], $0x80, s0, s21, $0xb8;
	[tilespmem:$0x1C880] =	vst v63  }
0x69: {  	p2 =	sne.s32 s31, $0x4800;
	_ =	swait.ge [sflag:s24], $0x2000  }
0x6a: {  	[sflag:s24] =	ssyncset.done $0x0  }
0x6b: {  	s0 =	sadd.s32 $0x2800, s30;
	[sflag:s24] =	ssyncadd.s32 $0xFFFFE000  }
0x6c: {  	[spmem:s3] =	stream.indirect.scatter.add.f32 [tilespmem:s22], [sflag:$0x3], $0x80, s0, s21, $0xb8;
	[tilespmem:$0x1C880] =	vst v63  }
0x6d: {  	_ =	swait.ge [sflag:s19], $0x2000  }
0x6e: {  	[sflag:s19] =	ssyncset.done $0x0  }
0x6f: {  	s0 =	sadd.s32 $0x100, s30;
	[sflag:s19] =	ssyncadd.s32 $0xFFFFE000  }
0x70: {  	[tilespmem:s22], [sflag:$0x1] =	stream.indirect.gather [hbm4b:s1+s21], $0x80, s0, s21, $0xb8;
	[tilespmem:$0x1C880] =	vst v63  }
0x71: {  	_ =	swait.ge [sflag:s25], $0x2000  }
.Ltmp3:
0x72: {  	[sflag:s25] =	ssyncset.done $0x0;
	(pc) =	sbr.rel @p2 .LBB2_9-.Ltmp3, $4  }
0x73: {  	s0 =	sadd.s32 $0x2880, s30;
	[sflag:s25] =	ssyncadd.s32 $0xFFFFE000  }
0x74: {  	[spmem:s3] =	stream.indirect.scatter.add.f32 [tilespmem:s23], [sflag:$0x3], $0x80, s0, s21, $0xb8;
	[tilespmem:$0x1C880] =	vst v63  }
0x75: {  	_ =	swait.ge [sflag:s19], $0x2000  }
0x76: {  	s31 =	smov.u32 s26;
	s30 =	sshra.s32 s2, $0x2;
	[sflag:s19] =	ssyncset.done $0x0  }
0x77: {  	s0 =	sadd.s32 $0x80, s30;
	[sflag:s19] =	ssyncadd.s32 $0xFFFFE000  }
0x78: {  	[tilespmem:s23], [sflag:$0x2] =	stream.indirect.gather [hbm4b:s1+s21], $0x80, s0, s21, $0xb8;
	[tilespmem:$0x1C880] =	vst v63  }
0x79: {  	_ =	swait.ge [sflag:s24], $0x2000  }
0x7a: {  	[sflag:s24] =	ssyncset.done $0x0  }
0x7b: {  	s26 =	sadd.s32 $0x2800, s30;
	[sflag:s24] =	ssyncadd.s32 $0xFFFFE000  }
0x7c: {  	[spmem:s3] =	stream.indirect.scatter.add.f32 [tilespmem:s22], [sflag:$0x3], $0x80, s26, s21, $0xb8;
	[tilespmem:$0x1C880] =	vst v63  }
0x7d: {  	_ =	swait.ge [sflag:s19], $0x2000  }
0x7e: {  	[sflag:s19] =	ssyncset.done $0x0  }
0x7f: {  	s2 =	sadd.s32 $0x100, s30;
	[sflag:s19] =	ssyncadd.s32 $0xFFFFE000  }
0x80: {  	[tilespmem:s22], [sflag:$0x1] =	stream.indirect.gather [hbm4b:s1+s21], $0x80, s2, s21, $0xb8;
	[tilespmem:$0x1C880] =	vst v63  }
0x81: {  	_ =	swait.ge [sflag:s25], $0x2000  }
0x82: {  	[sflag:s25] =	ssyncset.done $0x0  }
.Ltmp4:
0x83: {  	s26 =	sadd.s32 $0x2880, s30;
	[sflag:s25] =	ssyncadd.s32 $0xFFFFE000;
	(pc) =	sbr.rel .LBB2_11-.Ltmp4, $4  }
0x84: {  	[spmem:s3] =	stream.indirect.scatter.add.f32 [tilespmem:s23], [sflag:$0x3], $0x80, s26, s21, $0xb8;
	[tilespmem:$0x1C880] =	vst v63  }
0x85: {  	_ =	swait.ge [sflag:s19], $0x2000  }
0x86: {  	s31 =	simm.s32 $0x3B00;
	[sflag:s19] =	ssyncset.done $0x0  }
0x87: {  	s0 =	simm.s32 $0x1380;
	s30 =	simm.s32 $0x3B80;
	[sflag:s19] =	ssyncadd.s32 $0xFFFFE000  }
.LBB2_2:
0x88: {  	[tilespmem:s0], [sflag:$0x3] =	stream.linear.gather [hbm4b:s7+s0], $0x2800, $0x38;
	[tilespmem:$0x1C880] =	vst v63  }
0x89: {  	_ =	swait.ge [sflag:s19], $0x2800  }
0x8a: {  	[sflag:s19] =	ssyncset.done $0x0  }
0x8b: {  	[sflag:s19] =	ssyncadd.s32 $0xFFFFD800  }
0x8c: {  	[tilespmem:s20], [sflag:$0x3] =	stream.linear.gather [hbm4b:s8+s0], $0x2800, $0x38;
	[tilespmem:$0x1C880] =	vst v63  }
0x8d: {  	_ =	swait.ge [sflag:s19], $0x2800  }
0x8e: {  	[sflag:s19] =	ssyncset.done $0x0  }
0x8f: {  	[sflag:s19] =	ssyncadd.s32 $0xFFFFD800  }
0x90: {  	[tilespmem:s22], [sflag:$0x1] =	stream.indirect.gather [hbm4b:s1+s21], $0x80, s0, s21, $0xb8;
	[tilespmem:$0x1C880] =	vst v63  }
0x91: {  	s2 =	simm.s32 $0x80  }
0x92: {  	[tilespmem:s23], [sflag:$0x2] =	stream.indirect.gather [hbm4b:s1+s21], $0x80, s2, s21, $0xb8;
	[tilespmem:$0x1C880] =	vst v63  }
0x93: {  	_ =	swait.ge [sflag:s24], $0x2000  }
0x94: {  	[sflag:s24] =	ssyncset.done $0x0  }
0x95: {  	s26 =	simm.s32 $0x2800;
	[sflag:s24] =	ssyncadd.s32 $0xFFFFE000  }
0x96: {  	[spmem:s3] =	stream.indirect.scatter.add.f32 [tilespmem:s22], [sflag:$0x3], $0x80, s26, s21, $0xb8;
	[tilespmem:$0x1C880] =	vst v63  }
0x97: {  	_ =	swait.ge [sflag:s19], $0x2000  }
0x98: {  	[sflag:s19] =	ssyncset.done $0x0  }
0x99: {  	s2 =	simm.s32 $0x100;
	[sflag:s19] =	ssyncadd.s32 $0xFFFFE000  }
0x9a: {  	[tilespmem:s22], [sflag:$0x1] =	stream.indirect.gather [hbm4b:s1+s21], $0x80, s2, s21, $0xb8;
	[tilespmem:$0x1C880] =	vst v63  }
0x9b: {  	_ =	swait.ge [sflag:s25], $0x2000  }
0x9c: {  	[sflag:s25] =	ssyncset.done $0x0  }
0x9d: {  	s26 =	simm.s32 $0x2880;
	[sflag:s25] =	ssyncadd.s32 $0xFFFFE000  }
0x9e: {  	[spmem:s3] =	stream.indirect.scatter.add.f32 [tilespmem:s23], [sflag:$0x3], $0x80, s26, s21, $0xb8;
	[tilespmem:$0x1C880] =	vst v63  }
0x9f: {  	_ =	swait.ge [sflag:s19], $0x2000  }
0xa0: {  	s31 =	simm.s32 $0x800;
	s30 =	simm.s32 $0x100;
	[sflag:s19] =	ssyncset.done $0x0  }
.LBB2_3:
0xa1: {  	s0 =	sadd.s32 $0x80, s30  }
0xa2: {  	[sflag:s19] =	ssyncadd.s32 $0xFFFFE000;
	s2 =	smov.u32 s31;
	s26 =	sadd.s32 $0x400, s31  }
0xa3: {  	[tilespmem:s23], [sflag:$0x2] =	stream.indirect.gather [hbm4b:s1+s21], $0x80, s0, s21, $0xb8;
	[tilespmem:$0x1C880] =	vst v63  }
0xa4: {  	p2 =	sne.s32 s31, $0x9800;
	_ =	swait.ge [sflag:s24], $0x2000  }
0xa5: {  	[sflag:s24] =	ssyncset.done $0x0  }
0xa6: {  	s0 =	sadd.s32 $0x2800, s30;
	[sflag:s24] =	ssyncadd.s32 $0xFFFFE000  }
0xa7: {  	[spmem:s3] =	stream.indirect.scatter.add.f32 [tilespmem:s22], [sflag:$0x3], $0x80, s0, s21, $0xb8;
	[tilespmem:$0x1C880] =	vst v63  }
0xa8: {  	_ =	swait.ge [sflag:s19], $0x2000  }
0xa9: {  	[sflag:s19] =	ssyncset.done $0x0  }
0xaa: {  	s0 =	sadd.s32 $0x100, s30;
	[sflag:s19] =	ssyncadd.s32 $0xFFFFE000  }
0xab: {  	[tilespmem:s22], [sflag:$0x1] =	stream.indirect.gather [hbm4b:s1+s21], $0x80, s0, s21, $0xb8;
	[tilespmem:$0x1C880] =	vst v63  }
0xac: {  	_ =	swait.ge [sflag:s25], $0x2000  }
.Ltmp5:
0xad: {  	[sflag:s25] =	ssyncset.done $0x0;
	(pc) =	sbr.rel @p2 .LBB2_3-.Ltmp5, $4  }
0xae: {  	s0 =	sadd.s32 $0x2880, s30;
	[sflag:s25] =	ssyncadd.s32 $0xFFFFE000  }
0xaf: {  	[spmem:s3] =	stream.indirect.scatter.add.f32 [tilespmem:s23], [sflag:$0x3], $0x80, s0, s21, $0xb8;
	[tilespmem:$0x1C880] =	vst v63  }
0xb0: {  	_ =	swait.ge [sflag:s19], $0x2000  }
0xb1: {  	s31 =	smov.u32 s26;
	s30 =	sshra.s32 s2, $0x2;
	[sflag:s19] =	ssyncset.done $0x0  }
0xb2: {  	s0 =	sadd.s32 $0x80, s30;
	[sflag:s19] =	ssyncadd.s32 $0xFFFFE000  }
0xb3: {  	[tilespmem:s23], [sflag:$0x2] =	stream.indirect.gather [hbm4b:s1+s21], $0x80, s0, s21, $0xb8;
	[tilespmem:$0x1C880] =	vst v63  }
0xb4: {  	_ =	swait.ge [sflag:s24], $0x2000  }
0xb5: {  	[sflag:s24] =	ssyncset.done $0x0  }
0xb6: {  	s26 =	sadd.s32 $0x2800, s30;
	[sflag:s24] =	ssyncadd.s32 $0xFFFFE000  }
0xb7: {  	[spmem:s3] =	stream.indirect.scatter.add.f32 [tilespmem:s22], [sflag:$0x3], $0x80, s26, s21, $0xb8;
	[tilespmem:$0x1C880] =	vst v63  }
0xb8: {  	_ =	swait.ge [sflag:s19], $0x2000  }
0xb9: {  	[sflag:s19] =	ssyncset.done $0x0  }
0xba: {  	s31 =	sadd.s32 $0x100, s30;
	[sflag:s19] =	ssyncadd.s32 $0xFFFFE000  }
0xbb: {  	[tilespmem:s22], [sflag:$0x1] =	stream.indirect.gather [hbm4b:s1+s21], $0x80, s31, s21, $0xb8;
	[tilespmem:$0x1C880] =	vst v63  }
0xbc: {  	_ =	swait.ge [sflag:s25], $0x2000  }
0xbd: {  	[sflag:s25] =	ssyncset.done $0x0  }
0xbe: {  	s2 =	sadd.s32 $0x2880, s30;
	[sflag:s25] =	ssyncadd.s32 $0xFFFFE000  }
0xbf: {  	[spmem:s3] =	stream.indirect.scatter.add.f32 [tilespmem:s23], [sflag:$0x3], $0x80, s2, s21, $0xb8;
	[tilespmem:$0x1C880] =	vst v63  }
0xc0: {  	_ =	swait.ge [sflag:s19], $0x2000  }
0xc1: {  	[sflag:s19] =	ssyncset.done $0x0  }
0xc2: {  	s26 =	simm.s32 $0x2780;
	[sflag:s19] =	ssyncadd.s32 $0xFFFFE000  }
0xc3: {  	[tilespmem:s23], [sflag:$0x2] =	stream.indirect.gather [hbm4b:s1+s21], $0x80, s26, s21, $0xb8;
	[tilespmem:$0x1C880] =	vst v63  }
0xc4: {  	_ =	swait.ge [sflag:s24], $0x2000  }
0xc5: {  	[sflag:s24] =	ssyncset.done $0x0  }
0xc6: {  	[sflag:s24] =	ssyncadd.s32 $0xFFFFE000  }
0xc7: {  	[spmem:s3] =	stream.indirect.scatter.add.f32 [tilespmem:s22], [sflag:$0x3], $0x80, s28, s21, $0xb8;
	[tilespmem:$0x1C880] =	vst v63  }
0xc8: {  	_ =	swait.ge [sflag:s19], $0x2000  }
0xc9: {  	[sflag:s19] =	ssyncset.done $0x0  }
0xca: {  	[sflag:s19] =	ssyncadd.s32 $0xFFFFE000  }
0xcb: {  	_ =	swait.ge [sflag:s25], $0x2000  }
0xcc: {  	[sflag:s25] =	ssyncset.done $0x0  }
0xcd: {  	[sflag:s25] =	ssyncadd.s32 $0xFFFFE000  }
0xce: {  	[spmem:s3] =	stream.indirect.scatter.add.f32 [tilespmem:s23], [sflag:$0x3], $0x80, s29, s21, $0xb8;
	[tilespmem:$0x1C880] =	vst v63  }
0xcf: {  	_ =	swait.ge [sflag:s19], $0x2000  }
0xd0: {  	[sflag:s19] =	ssyncset.done $0x0  }
0xd1: {  	s31 =	simm.s32 $0x0;
	[sflag:s19] =	ssyncadd.s32 $0xFFFFE000  }
0xd2: {  	[tilespmem:s31], [sflag:$0x3] =	stream.linear.gather [hbm4b:s9+s31], $0x2800, $0x38;
	[tilespmem:$0x1C880] =	vst v63  }
0xd3: {  	_ =	swait.ge [sflag:s19], $0x2800  }
0xd4: {  	[sflag:s19] =	ssyncset.done $0x0  }
0xd5: {  	p3 =	por $0x0, $0x0;
	[sflag:s19] =	ssyncadd.s32 $0xFFFFD800  }
0xd6: {  	[tilespmem:s20], [sflag:$0x3] =	stream.linear.gather [hbm4b:s10+s31], $0x2800, $0x38;
	[tilespmem:$0x1C880] =	vst v63  }
.Ltmp6:
0xd7: {  	_ = 	snop;
	(pc) =	sbr.rel @p3 .LBB2_7-.Ltmp6, $4  }
0xd8: {  	_ =	swait.ge [sflag:s19], $0x2800  }
0xd9: {  	[sflag:s19] =	ssyncset.done $0x0  }
0xda: {  	s30 =	simm.s32 $0x0;
	p2 =	por $0x0, $0x0;
	[sflag:s19] =	ssyncadd.s32 $0xFFFFD800  }
0xdb: {  	[tilespmem:s22], [sflag:$0x1] =	stream.indirect.gather [hbm4b:s1+s21], $0x80, s31, s21, $0xb8;
	[tilespmem:$0x1C880] =	vst v63  }
0xdc: {  	s0 =	simm.s32 $0x80  }
0xdd: {  	[tilespmem:s23], [sflag:$0x2] =	stream.indirect.gather [hbm4b:s1+s21], $0x80, s0, s21, $0xb8;
	[tilespmem:$0x1C880] =	vst v63  }
0xde: {  	_ =	swait.ge [sflag:s24], $0x2000  }
0xdf: {  	[sflag:s24] =	ssyncset.done $0x0  }
0xe0: {  	s26 =	simm.s32 $0x2800;
	[sflag:s24] =	ssyncadd.s32 $0xFFFFE000  }
0xe1: {  	[spmem:s3] =	stream.indirect.scatter.add.f32 [tilespmem:s22], [sflag:$0x3], $0x80, s26, s21, $0xb8;
	[tilespmem:$0x1C880] =	vst v63  }
0xe2: {  	_ =	swait.ge [sflag:s19], $0x2000  }
0xe3: {  	[sflag:s19] =	ssyncset.done $0x0  }
0xe4: {  	s2 =	simm.s32 $0x100;
	[sflag:s19] =	ssyncadd.s32 $0xFFFFE000  }
0xe5: {  	[tilespmem:s22], [sflag:$0x1] =	stream.indirect.gather [hbm4b:s1+s21], $0x80, s2, s21, $0xb8;
	[tilespmem:$0x1C880] =	vst v63  }
0xe6: {  	p3 =	por $0x0, $0x0;
	_ =	swait.ge [sflag:s25], $0x2000  }
.Ltmp7:
0xe7: {  	[sflag:s25] =	ssyncset.done $0x0;
	(pc) =	sbr.rel @p3 .LBB2_7-.Ltmp7, $4  }
0xe8: {  	s26 =	simm.s32 $0x2880;
	[sflag:s25] =	ssyncadd.s32 $0xFFFFE000  }
0xe9: {  	[spmem:s3] =	stream.indirect.scatter.add.f32 [tilespmem:s23], [sflag:$0x3], $0x80, s26, s21, $0xb8;
	[tilespmem:$0x1C880] =	vst v63  }
0xea: {  	s31 =	simm.s32 $0x800;
	_ =	swait.ge [sflag:s19], $0x2000  }
0xeb: {  	s30 =	simm.s32 $0x100;
	p2 =	por $0x1, $0x1;
	[sflag:s19] =	ssyncset.done $0x0  }
.LBB2_6:
0xec: {  	s0 =	sadd.s32 $0x80, s30  }
0xed: {  	[sflag:s19] =	ssyncadd.s32 $0xFFFFE000;
	s2 =	smov.u32 s31;
	s26 =	sadd.s32 $0x400, s31  }
0xee: {  	[tilespmem:s23], [sflag:$0x2] =	stream.indirect.gather [hbm4b:s1+s21], $0x80, s0, s21, $0xb8;
	[tilespmem:$0x1C880] =	vst v63  }
0xef: {  	p3 =	seq.s32 s31, $0x9800;
	_ =	swait.ge [sflag:s24], $0x2000  }
0xf0: {  	[sflag:s24] =	ssyncset.done $0x0  }
0xf1: {  	s0 =	sadd.s32 $0x2800, s30;
	[sflag:s24] =	ssyncadd.s32 $0xFFFFE000  }
0xf2: {  	[spmem:s3] =	stream.indirect.scatter.add.f32 [tilespmem:s22], [sflag:$0x3], $0x80, s0, s21, $0xb8;
	[tilespmem:$0x1C880] =	vst v63  }
0xf3: {  	_ =	swait.ge [sflag:s19], $0x2000  }
0xf4: {  	[sflag:s19] =	ssyncset.done $0x0  }
0xf5: {  	s0 =	sadd.s32 $0x100, s30;
	[sflag:s19] =	ssyncadd.s32 $0xFFFFE000  }
0xf6: {  	[tilespmem:s22], [sflag:$0x1] =	stream.indirect.gather [hbm4b:s1+s21], $0x80, s0, s21, $0xb8;
	[tilespmem:$0x1C880] =	vst v63  }
0xf7: {  	_ =	swait.ge [sflag:s25], $0x2000  }
.Ltmp8:
0xf8: {  	[sflag:s25] =	ssyncset.done $0x0;
	(pc) =	sbr.rel @!p3 .LBB2_6-.Ltmp8, $4  }
0xf9: {  	s0 =	sadd.s32 $0x2880, s30;
	[sflag:s25] =	ssyncadd.s32 $0xFFFFE000  }
0xfa: {  	[spmem:s3] =	stream.indirect.scatter.add.f32 [tilespmem:s23], [sflag:$0x3], $0x80, s0, s21, $0xb8;
	[tilespmem:$0x1C880] =	vst v63  }
0xfb: {  	_ =	swait.ge [sflag:s19], $0x2000  }
0xfc: {  	s31 =	smov.u32 s26;
	s30 =	sshra.s32 s2, $0x2;
	[sflag:s19] =	ssyncset.done $0x0  }
.Ltmp9:
0xfd: {  	_ = 	snop;
	(pc) =	sbr.rel .LBB2_7-.Ltmp9, $1  }
0xfe: {  	_ =	sdelay $0x3  }
.LBB2_12:
0xff: {  	_ =	sfence.sel $0x180000  }
0x100: {  	[bflag:$0x0] =	sbarrier.arrive $0xFFFF  }
0x101: {  	_ =	strace $0x90000047  }
0x102: {  	s0 =	stileid.u32;
	[bflag:$0x2] =	sbarrier.arrive $0xFFFF  }
0x103: {  	p0 =	sne.s32 s0, $0x0;
	s0 =	rddreg [dreg:$0x3]  }
0x104: {  	s0 =	sadd.s32 @!p0 $0x100000, s0  }
0x105: {  	[sflag:s0] =	ssyncadd.tile.s32 @!p0 $0x1;
	_ =	shalt  }
.Lfunc_end2:
_tile_overlayer_lowered:
.L_overlay_start_2:
0x106: {  	(tag) =	ssettag $0x2  }
0x107: {  	s0 =	rddreg [dreg:$0x0];
	s2 =	stileid.u32  }
0x108: {  	s1 =	rddreg [dreg:$0x1];
	p0 =	sne.s32 s2, $0x0  }
0x109: {  	s3 =	rddreg [dreg:$0x2];
	[bflag:$0x3] =	sbarrier.arrive $0xFFFF;
	s2 =	simm.s32 @!p0 $0x1C03  }
0x10a: {  	[timem:s3], [sflag:s2] =	dma.local @!p0 [hbm:s0], s1  }
0x10b: {  	s0 =	simm.s32 @!p0 $0x3  }
0x10c: {  	_ =	swait.ge @!p0 [sflag:s0], s1  }
0x10d: {  	s1 =	ssub.s32 @!p0 $0x0, s1;
	[sflag:s0] =	ssyncset.done @!p0 $0x0  }
0x10e: {  	[sflag:s0] =	ssyncadd.s32 @!p0 s1  }
0x10f: {  	[bflag:$0x3] =	sbarrier.arrive $0xFFFF  }
0x110: {  	_ =	shalt  }

</sc_bundles>
